<compile_context>
chip_gen: v7x
topology: tpu7x:2x2x1
jax: 0.10.2.dev20260603
libtpu: 0.0.44.dev20260713+nightly
codegen_flags: <defaults>
</compile_context>

<pallas_src>
import functools

import jax
import jax.numpy as jnp
from jax import lax
from jax.experimental import pallas as pl
from jax.experimental.pallas import tpu as pltpu
from jax.experimental.pallas import tpu_sc as plsc

B, F, V, D = 16384, 26, 100000, 64
T = 2
FD = F * D
IN_DIM = 2 * FD
BF = B * F
DW = 2 * D

NC, NS = 2, 16
NW = NC * NS
CH = 128

NSPLIT = 4
BH = B // NSPLIT
NCHUNK = F * BH // CH // NW

TB = 1024


def _sc_gather(idx, tabp):
    mesh = plsc.VectorSubcoreMesh(core_axis_name="c", subcore_axis_name="s")
    out_t = jax.ShapeDtypeStruct((F, BH, DW), jnp.int32)

    @functools.partial(
        pl.kernel,
        mesh=mesh,
        out_type=out_t,
        scratch_types=[
            pltpu.VMEM((CH,), jnp.int32),
            pltpu.VMEM((CH,), jnp.int32),
            pltpu.VMEM((CH, DW), jnp.int32),
            pltpu.VMEM((CH, DW), jnp.int32),
            pltpu.SemaphoreType.DMA,
            pltpu.SemaphoreType.DMA,
        ],
        compiler_params=pltpu.CompilerParams(use_tc_tiling_on_sc=True),
    )
    def k(idx_hbm, tab_hbm, out_hbm, i0_v, i1_v, r0, r1, sem0, sem1):
        wid = lax.axis_index("s") * NC + lax.axis_index("c")
        chunks_per_plane = BH // CH
        base = wid * NCHUNK

        def out_slice(cg):
            fi = cg // chunks_per_plane
            bs = (cg % chunks_per_plane) * CH
            return out_hbm.at[fi].at[pl.ds(bs, CH)]

        pltpu.sync_copy(idx_hbm.at[pl.ds(base * CH, CH)], i0_v)
        pltpu.async_copy(tab_hbm.at[i0_v], r0, sem0)

        @pl.loop(0, NCHUNK // 2)
        def _(j):
            c0 = base + 2 * j
            pltpu.sync_copy(idx_hbm.at[pl.ds((c0 + 1) * CH, CH)], i1_v)
            pltpu.async_copy(tab_hbm.at[i1_v], r1, sem1)
            pltpu.make_async_copy(tab_hbm.at[i0_v], r0, sem0).wait()
            pltpu.sync_copy(r0, out_slice(c0))

            @pl.when(j < NCHUNK // 2 - 1)
            def _():
                pltpu.sync_copy(idx_hbm.at[pl.ds((c0 + 2) * CH, CH)], i0_v)
                pltpu.async_copy(tab_hbm.at[i0_v], r0, sem0)

            pltpu.make_async_copy(tab_hbm.at[i1_v], r1, sem1).wait()
            pltpu.sync_copy(r1, out_slice(c0 + 1))

    return k(idx, tabp)


def _dense_body(g_ref, w1_ref, b1_ref, w2_ref, b2_ref,
                w3_ref, b3_ref, tw1_ref, tb1_ref, tw2_ref, tb2_ref, out_ref):
    gcat = jnp.concatenate([g_ref[f] for f in range(F)], axis=1)
    logits = []
    for i in range(T):
        v = (gcat << 16) if i == 0 else (gcat & jnp.int32(-65536))
        cc = lax.bitcast_convert_type(v, jnp.float32).astype(jnp.bfloat16)
        h = jnp.maximum(jnp.dot(cc, w1_ref[...], preferred_element_type=jnp.float32) + b1_ref[...], 0.0)
        h = jnp.maximum(jnp.dot(h.astype(jnp.bfloat16), w2_ref[...], preferred_element_type=jnp.float32) + b2_ref[...], 0.0)
        h = jnp.maximum(jnp.dot(h.astype(jnp.bfloat16), w3_ref[...], preferred_element_type=jnp.float32) + b3_ref[...], 0.0)
        t = jnp.maximum(jnp.dot(h.astype(jnp.bfloat16), tw1_ref[i], preferred_element_type=jnp.float32) + tb1_ref[i:i + 1, :], 0.0)
        logit = jnp.sum(t * tw2_ref[i:i + 1, :], axis=1, keepdims=True) + tb2_ref[i:i + 1, :]
        logits.append(logit)
    out_ref[...] = jax.nn.sigmoid(jnp.concatenate(logits, axis=1))


def _tc_dense(g, W1p, b1, W2, b2, W3, b3, tw1, tb1, tw2r, tb2):
    full = lambda shape: pl.BlockSpec(shape, lambda i: (0,) * len(shape))
    return pl.pallas_call(
        _dense_body,
        grid=(BH // TB,),
        in_specs=[
            pl.BlockSpec((F, TB, DW), lambda i: (0, i, 0)),
            full((IN_DIM, 256)),
            full((1, 256)),
            full((256, 128)),
            full((1, 128)),
            full((128, 64)),
            full((1, 64)),
            full((T, 64, 64)),
            full((T, 64)),
            full((T, 64)),
            full((T, 1)),
        ],
        out_specs=pl.BlockSpec((TB, T), lambda i: (i, 0)),
        out_shape=jax.ShapeDtypeStruct((BH, T), jnp.float32),
    )(g, W1p, b1, W2, b2, W3, b3, tw1, tb1, tw2r, tb2)


def kernel(x, shared_table, task_tables, W1, b1, W2, b2, W3, b3, tw1, tb1, tw2, tb2):
    bf = jnp.bfloat16
    tab_a = jnp.concatenate([shared_table, task_tables[0]], axis=1).astype(bf)
    tab_b = jnp.concatenate([shared_table, task_tables[1]], axis=1).astype(bf)
    tabp = lax.bitcast_convert_type(jnp.stack([tab_a, tab_b], axis=-1), jnp.int32)
    W1p = W1.reshape(2, F, D, 256).transpose(1, 0, 2, 3).reshape(IN_DIM, 256).astype(bf)
    args = (b1.reshape(1, 256), W2.astype(bf), b2.reshape(1, 128),
            W3.astype(bf), b3.reshape(1, 64),
            tw1.astype(bf), tb1, tw2.reshape(T, 64), tb2)
    outs = []
    for h in range(NSPLIT):
        idx_h = x[h * BH:(h + 1) * BH].T.reshape(F * BH)
        g = _sc_gather(idx_h, tabp)
        outs.append(_tc_dense(g, W1p, *args))
    return jnp.concatenate(outs, axis=0)

# --- scband reference (transcript-rebuilt; emitter-appended) ---
"""Pipeline reference for scband-stemnet-86955907875173 (READ-ONLY COPY).

The authoritative reference and input builder live on the scoring server;
editing this copy changes nothing except your own understanding.
"""

import jax, jax.numpy as jnp
import numpy as np

B, F, V, D = 16384, 26, 100000, 64
T = 2  # task_count
FD = F * D
IN_DIM = FD * 2  # 3328


def setup_inputs(seed: int = 0) -> dict:
    key = jax.random.key(seed)
    ks = jax.random.split(key, 16)
    x = jax.random.randint(ks[0], (B, F), 0, V, dtype=jnp.int64 if jax.config.jax_enable_x64 else jnp.int32).astype(jnp.int32)
    shared_table = jax.random.normal(ks[1], (V, D), dtype=jnp.float32) * 0.01
    task_tables = jax.random.normal(ks[2], (T, V, D), dtype=jnp.float32) * 0.01
    # shared MLP: 3328 -> 256 -> 128 -> 64 (ReLU everywhere incl. final)
    W1 = jax.random.normal(ks[3], (IN_DIM, 256), dtype=jnp.float32) * (1.0 / np.sqrt(IN_DIM))
    b1 = jnp.zeros((256,), dtype=jnp.float32)
    W2 = jax.random.normal(ks[4], (256, 128), dtype=jnp.float32) * (1.0 / np.sqrt(256))
    b2 = jnp.zeros((128,), dtype=jnp.float32)
    W3 = jax.random.normal(ks[5], (128, 64), dtype=jnp.float32) * (1.0 / np.sqrt(128))
    b3 = jnp.zeros((64,), dtype=jnp.float32)
    # towers (stacked over tasks): 64 -> 64 -> 1
    tw1 = jax.random.normal(ks[6], (T, 64, 64), dtype=jnp.float32) * (1.0 / np.sqrt(64))
    tb1 = jnp.zeros((T, 64), dtype=jnp.float32)
    tw2 = jax.random.normal(ks[7], (T, 64, 1), dtype=jnp.float32) * (1.0 / np.sqrt(64))
    tb2 = jnp.zeros((T, 1), dtype=jnp.float32)
    return {"x": x, "shared_table": shared_table, "task_tables": task_tables,
            "W1": W1, "b1": b1, "W2": W2, "b2": b2, "W3": W3, "b3": b3,
            "tw1": tw1, "tb1": tb1, "tw2": tw2, "tb2": tb2}


def reference(x, shared_table, task_tables, W1, b1, W2, b2, W3, b3, tw1, tb1, tw2, tb2):
    # shared sparse embedding: per-field lookup + concat -> [B, F*D]
    shared_emb = jnp.take(shared_table, x, axis=0).reshape(x.shape[0], FD)
    logits = []
    for i in range(T):
        task_emb = jnp.take(task_tables[i], x, axis=0).reshape(x.shape[0], FD)
        combined = jnp.concatenate([shared_emb, task_emb], axis=1)
        h = jax.nn.relu(combined @ W1 + b1)
        h = jax.nn.relu(h @ W2 + b2)
        h = jax.nn.relu(h @ W3 + b3)  # final_activation = ReLU on shared_mlp
        t = jax.nn.relu(h @ tw1[i] + tb1[i])
        logit = t @ tw2[i] + tb2[i]  # no final activation in tower
        logits.append(logit)
    logits = jnp.concatenate(logits, axis=1)
    return jax.nn.sigmoid(logits)

if __name__ == "__main__":
    import jax
    _d = setup_inputs()
    print(jax.jit(kernel)(*tuple(_d.values())))

</pallas_src>

<mosaic_0001>
#map = affine_map<(d0, d1) -> (0)>
#map1 = affine_map<(d0, d1) -> (0, 0)>
#map2 = affine_map<(d0, d1) -> (0, 0, 0)>
module attributes {stable_mosaic.version = 14 : i64} {
  func.func @k(%arg0: i32, %arg1: i32, %arg2: memref<106496xi32, #tpu.memory_space<hbm>>, %arg3: memref<100000x128xi32, #tpu.memory_space<hbm>>, %arg4: memref<26x4096x128xi32, #tpu.memory_space<hbm>>, %arg5: memref<128xi32, #tpu.memory_space<vmem>>, %arg6: memref<128xi32, #tpu.memory_space<vmem>>, %arg7: memref<128x128xi32, #tpu.memory_space<vmem>>, %arg8: memref<128x128xi32, #tpu.memory_space<vmem>>, %arg9: memref<!tpu.dma_semaphore, #tpu.memory_space<semaphore_mem>>, %arg10: memref<!tpu.dma_semaphore, #tpu.memory_space<semaphore_mem>>) attributes {dimension_semantics = [#tpu.dimension_semantics<core_parallel>, #tpu.dimension_semantics<subcore_parallel>], iteration_bounds = array<i64: 2, 16>, scalar_prefetch = 0 : i64, scratch_operands = 6 : i64, tpu.core_type = #tpu.core_type<sc_vector_subcore>, window_params = [{transform_indices = #map}, {transform_indices = #map1}, {transform_indices = #map2}]} {
    %mul3A = arith.constant 2 : i32
    %mul3A_0 = arith.muli %arg1, %mul3A : i32
    %add3A = arith.addi %mul3A_0, %arg0 : i32
    %mul3A_1 = arith.constant 26 : i32
    %mul3A_2 = arith.muli %add3A, %mul3A_1 : i32
    %mul3A_3 = arith.constant 128 : i32
    %mul3A_4 = arith.muli %mul3A_2, %mul3A_3 : i32
    "tpu.region"() ({
      %run_scoped3A = tpu.sem_alloc : memref<!tpu.dma_semaphore, #tpu.memory_space<semaphore_mem>>
      %dma_start3A_11 = tpu.memref_slice %arg2[%mul3A_4] : memref<106496xi32, #tpu.memory_space<hbm>> -> memref<128xi32, #tpu.memory_space<hbm>>
      %dma_start3A_12 = tpu.memref_slice %arg2[%mul3A_4] : memref<106496xi32, #tpu.memory_space<hbm>> -> memref<128xi32, #tpu.memory_space<hbm>>
      tpu.enqueue_dma source(%dma_start3A_12 : memref<128xi32, #tpu.memory_space<hbm>>) target(%arg5 : memref<128xi32, #tpu.memory_space<vmem>>) target_semaphore(%run_scoped3A : memref<!tpu.dma_semaphore, #tpu.memory_space<semaphore_mem>>)
      %dma_wait3A = tpu.memref_slice %arg2[%mul3A_4] : memref<106496xi32, #tpu.memory_space<hbm>> -> memref<128xi32, #tpu.memory_space<hbm>>
      %dma_wait3A_13 = tpu.memref_slice %arg2[%mul3A_4] : memref<106496xi32, #tpu.memory_space<hbm>> -> memref<128xi32, #tpu.memory_space<hbm>>
      tpu.wait_dma2 semaphore(%run_scoped3A : memref<!tpu.dma_semaphore, #tpu.memory_space<semaphore_mem>>) src(%dma_wait3A_13 : memref<128xi32, #tpu.memory_space<hbm>>) dst(%arg5 : memref<128xi32, #tpu.memory_space<vmem>>)
      tpu.yield
    }) : () -> ()
    %dma_start3A = arith.constant 0 : i32
    %dma_start3A_5 = arith.constant 0 : i32
    %dma_start3A_6 = tpu.memref_slice %arg3[%dma_start3A, %dma_start3A_5] : memref<100000x128xi32, #tpu.memory_space<hbm>> -> memref<100000x128xi32, #tpu.memory_space<hbm>>
    tpu.enqueue_indirect_dma source(%dma_start3A_6 : memref<100000x128xi32, #tpu.memory_space<hbm>>) target(%arg7 : memref<128x128xi32, #tpu.memory_space<vmem>>) offsets(%arg5 : memref<128xi32, #tpu.memory_space<vmem>>) semaphore(%arg9 : memref<!tpu.dma_semaphore, #tpu.memory_space<semaphore_mem>>)
    %scan3A = arith.constant 0 : i32
    %scan3A_7 = arith.constant 13 : i32
    %scan3A_8 = arith.addi %scan3A, %scan3A_7 : i32
    %scan3A_9 = arith.constant 1 : i32
    scf.for %scan3A_11 = %scan3A to %scan3A_8 step %scan3A_9  : i32 {
      %mul3A_12 = arith.constant 1 : i32
      %mul3A_13 = arith.muli %scan3A_11, %mul3A_12 : i32
      %add3A_14 = arith.constant 0 : i32
      %add3A_15 = arith.addi %add3A_14, %mul3A_13 : i32
      %mul3A_16 = arith.constant 2 : i32
      %mul3A_17 = arith.muli %mul3A_16, %add3A_15 : i32
      %add3A_18 = arith.addi %mul3A_2, %mul3A_17 : i32
      %add3A_19 = arith.constant 1 : i32
      %add3A_20 = arith.addi %add3A_18, %add3A_19 : i32
      %mul3A_21 = arith.constant 128 : i32
      %mul3A_22 = arith.muli %add3A_20, %mul3A_21 : i32
      "tpu.region"() ({
        %run_scoped3A = tpu.sem_alloc : memref<!tpu.dma_semaphore, #tpu.memory_space<semaphore_mem>>
        %dma_start3A_110 = tpu.memref_slice %arg2[%mul3A_22] : memref<106496xi32, #tpu.memory_space<hbm>> -> memref<128xi32, #tpu.memory_space<hbm>>
        %dma_start3A_111 = tpu.memref_slice %arg2[%mul3A_22] : memref<106496xi32, #tpu.memory_space<hbm>> -> memref<128xi32, #tpu.memory_space<hbm>>
        tpu.enqueue_dma source(%dma_start3A_111 : memref<128xi32, #tpu.memory_space<hbm>>) target(%arg6 : memref<128xi32, #tpu.memory_space<vmem>>) target_semaphore(%run_scoped3A : memref<!tpu.dma_semaphore, #tpu.memory_space<semaphore_mem>>)
        %dma_wait3A_112 = tpu.memref_slice %arg2[%mul3A_22] : memref<106496xi32, #tpu.memory_space<hbm>> -> memref<128xi32, #tpu.memory_space<hbm>>
        %dma_wait3A_113 = tpu.memref_slice %arg2[%mul3A_22] : memref<106496xi32, #tpu.memory_space<hbm>> -> memref<128xi32, #tpu.memory_space<hbm>>
        tpu.wait_dma2 semaphore(%run_scoped3A : memref<!tpu.dma_semaphore, #tpu.memory_space<semaphore_mem>>) src(%dma_wait3A_113 : memref<128xi32, #tpu.memory_space<hbm>>) dst(%arg6 : memref<128xi32, #tpu.memory_space<vmem>>)
        tpu.yield
      }) : () -> ()
      %dma_start3A_23 = arith.constant 0 : i32
      %dma_start3A_24 = arith.constant 0 : i32
      %dma_start3A_25 = tpu.memref_slice %arg3[%dma_start3A_23, %dma_start3A_24] : memref<100000x128xi32, #tpu.memory_space<hbm>> -> memref<100000x128xi32, #tpu.memory_space<hbm>>
      tpu.enqueue_indirect_dma source(%dma_start3A_25 : memref<100000x128xi32, #tpu.memory_space<hbm>>) target(%arg8 : memref<128x128xi32, #tpu.memory_space<vmem>>) offsets(%arg6 : memref<128xi32, #tpu.memory_space<vmem>>) semaphore(%arg10 : memref<!tpu.dma_semaphore, #tpu.memory_space<semaphore_mem>>)
      %dma_wait3A = arith.constant 0 : i32
      %dma_wait3A_26 = arith.constant 0 : i32
      %dma_wait3A_27 = tpu.memref_slice %arg3[%dma_wait3A, %dma_wait3A_26] : memref<100000x128xi32, #tpu.memory_space<hbm>> -> memref<100000x128xi32, #tpu.memory_space<hbm>>
      tpu.wait_indirect_dma semaphore(%arg9 : memref<!tpu.dma_semaphore, #tpu.memory_space<semaphore_mem>>) src(%dma_wait3A_27 : memref<100000x128xi32, #tpu.memory_space<hbm>>) dst(%arg7 : memref<128x128xi32, #tpu.memory_space<vmem>>)
      %jit3A = arith.constant 32 : i32
      %div3A = arith.divsi %add3A_18, %jit3A : i32
      %sign3A = arith.constant 0 : i32
      %sign3A_28 = arith.cmpi sgt, %add3A_18, %sign3A : i32
      %sign3A_29 = arith.extui %sign3A_28 : i1 to i32
      %sign3A_30 = arith.constant 0 : i32
      %sign3A_31 = arith.cmpi slt, %add3A_18, %sign3A_30 : i32
      %sign3A_32 = arith.extui %sign3A_31 : i1 to i32
      %sign3A_33 = arith.subi %sign3A_29, %sign3A_32 : i32
      %sign3A_34 = arith.constant 0 : i32
      %sign3A_35 = arith.cmpi sgt, %jit3A, %sign3A_34 : i32
      %sign3A_36 = arith.extui %sign3A_35 : i1 to i32
      %sign3A_37 = arith.constant 0 : i32
      %sign3A_38 = arith.cmpi slt, %jit3A, %sign3A_37 : i32
      %sign3A_39 = arith.extui %sign3A_38 : i1 to i32
      %sign3A_40 = arith.subi %sign3A_36, %sign3A_39 : i32
      %ne3A = arith.cmpi ne, %sign3A_33, %sign3A_40 : i32
      %rem3A = arith.remsi %add3A_18, %jit3A : i32
      %ne3A_41 = arith.constant 0 : i32
      %ne3A_42 = arith.cmpi ne, %rem3A, %ne3A_41 : i32
      %and3A = arith.andi %ne3A, %ne3A_42 : i1
      %sub3A = arith.constant 1 : i32
      %sub3A_43 = arith.subi %div3A, %sub3A : i32
      %select_n3A = arith.select %and3A, %sub3A_43, %div3A : i32
      %jit3A_44 = arith.constant 32 : i32
      %eq3A = arith.constant 0 : i32
      %eq3A_45 = arith.cmpi eq, %jit3A_44, %eq3A : i32
      %jit3A_46 = arith.constant 1 : i32
      %select_n3A_47 = arith.select %eq3A_45, %jit3A_46, %jit3A_44 : i32
      %rem3A_48 = arith.remsi %add3A_18, %select_n3A_47 : i32
      %ne3A_49 = arith.constant 0 : i32
      %ne3A_50 = arith.cmpi ne, %rem3A_48, %ne3A_49 : i32
      %lt3A = arith.constant 0 : i32
      %lt3A_51 = arith.cmpi slt, %rem3A_48, %lt3A : i32
      %lt3A_52 = arith.constant 0 : i32
      %lt3A_53 = arith.cmpi slt, %select_n3A_47, %lt3A_52 : i32
      %ne3A_54 = arith.xori %lt3A_51, %lt3A_53 : i1
      %and3A_55 = arith.andi %ne3A_54, %ne3A_50 : i1
      %add3A_56 = arith.addi %rem3A_48, %select_n3A_47 : i32
      %select_n3A_57 = arith.select %and3A_55, %add3A_56, %rem3A_48 : i32
      %mul3A_58 = arith.constant 128 : i32
      %mul3A_59 = arith.muli %select_n3A_57, %mul3A_58 : i32
      "tpu.region"() ({
        %run_scoped3A = tpu.sem_alloc : memref<!tpu.dma_semaphore, #tpu.memory_space<semaphore_mem>>
        %dma_start3A_110 = arith.constant 0 : i32
        %dma_start3A_111 = arith.constant 0 : i32
        %dma_start3A_112 = tpu.memref_slice %arg4[%select_n3A, %dma_start3A_110, %dma_start3A_111] : memref<26x4096x128xi32, #tpu.memory_space<hbm>> -> memref<1x4096x128xi32, #tpu.memory_space<hbm>>
        %dma_start3A_113 = tpu.memref_squeeze %dma_start3A_112 : memref<1x4096x128xi32, #tpu.memory_space<hbm>> -> memref<4096x128xi32, #tpu.memory_space<hbm>>
        %dma_start3A_114 = arith.constant 0 : i32
        %dma_start3A_115 = tpu.memref_slice %dma_start3A_113[%mul3A_59, %dma_start3A_114] : memref<4096x128xi32, #tpu.memory_space<hbm>> -> memref<128x128xi32, #tpu.memory_space<hbm>>
        %dma_start3A_116 = arith.constant 0 : i32
        %dma_start3A_117 = arith.constant 0 : i32
        %dma_start3A_118 = tpu.memref_slice %arg4[%select_n3A, %dma_start3A_116, %dma_start3A_117] : memref<26x4096x128xi32, #tpu.memory_space<hbm>> -> memref<1x4096x128xi32, #tpu.memory_space<hbm>>
        %dma_start3A_119 = tpu.memref_squeeze %dma_start3A_118 : memref<1x4096x128xi32, #tpu.memory_space<hbm>> -> memref<4096x128xi32, #tpu.memory_space<hbm>>
        %dma_start3A_120 = arith.constant 0 : i32
        %dma_start3A_121 = tpu.memref_slice %dma_start3A_119[%mul3A_59, %dma_start3A_120] : memref<4096x128xi32, #tpu.memory_space<hbm>> -> memref<128x128xi32, #tpu.memory_space<hbm>>
        tpu.enqueue_dma source(%arg7 : memref<128x128xi32, #tpu.memory_space<vmem>>) target(%dma_start3A_121 : memref<128x128xi32, #tpu.memory_space<hbm>>) target_semaphore(%run_scoped3A : memref<!tpu.dma_semaphore, #tpu.memory_space<semaphore_mem>>)
        %dma_wait3A_122 = arith.constant 0 : i32
        %dma_wait3A_123 = arith.constant 0 : i32
        %dma_wait3A_124 = tpu.memref_slice %arg4[%select_n3A, %dma_wait3A_122, %dma_wait3A_123] : memref<26x4096x128xi32, #tpu.memory_space<hbm>> -> memref<1x4096x128xi32, #tpu.memory_space<hbm>>
        %dma_wait3A_125 = tpu.memref_squeeze %dma_wait3A_124 : memref<1x4096x128xi32, #tpu.memory_space<hbm>> -> memref<4096x128xi32, #tpu.memory_space<hbm>>
        %dma_wait3A_126 = arith.constant 0 : i32
        %dma_wait3A_127 = tpu.memref_slice %dma_wait3A_125[%mul3A_59, %dma_wait3A_126] : memref<4096x128xi32, #tpu.memory_space<hbm>> -> memref<128x128xi32, #tpu.memory_space<hbm>>
        %dma_wait3A_128 = arith.constant 0 : i32
        %dma_wait3A_129 = arith.constant 0 : i32
        %dma_wait3A_130 = tpu.memref_slice %arg4[%select_n3A, %dma_wait3A_128, %dma_wait3A_129] : memref<26x4096x128xi32, #tpu.memory_space<hbm>> -> memref<1x4096x128xi32, #tpu.memory_space<hbm>>
        %dma_wait3A_131 = tpu.memref_squeeze %dma_wait3A_130 : memref<1x4096x128xi32, #tpu.memory_space<hbm>> -> memref<4096x128xi32, #tpu.memory_space<hbm>>
        %dma_wait3A_132 = arith.constant 0 : i32
        %dma_wait3A_133 = tpu.memref_slice %dma_wait3A_131[%mul3A_59, %dma_wait3A_132] : memref<4096x128xi32, #tpu.memory_space<hbm>> -> memref<128x128xi32, #tpu.memory_space<hbm>>
        tpu.wait_dma2 semaphore(%run_scoped3A : memref<!tpu.dma_semaphore, #tpu.memory_space<semaphore_mem>>) src(%arg7 : memref<128x128xi32, #tpu.memory_space<vmem>>) dst(%dma_wait3A_133 : memref<128x128xi32, #tpu.memory_space<hbm>>)
        tpu.yield
      }) : () -> ()
      %lt3A_60 = arith.constant 12 : i32
      %lt3A_61 = arith.cmpi slt, %add3A_15, %lt3A_60 : i32
      %convert_element_type3A = arith.extui %lt3A_61 : i1 to i32
      %cond3A = arith.constant 0 : i32
      %cond3A_62 = arith.cmpi ne, %convert_element_type3A, %cond3A : i32
      scf.if %cond3A_62 {
        %add3A_110 = arith.constant 2 : i32
        %add3A_111 = arith.addi %add3A_18, %add3A_110 : i32
        %mul3A_112 = arith.constant 128 : i32
        %mul3A_113 = arith.muli %add3A_111, %mul3A_112 : i32
        "tpu.region"() ({
          %run_scoped3A = tpu.sem_alloc : memref<!tpu.dma_semaphore, #tpu.memory_space<semaphore_mem>>
          %dma_start3A_117 = tpu.memref_slice %arg2[%mul3A_113] : memref<106496xi32, #tpu.memory_space<hbm>> -> memref<128xi32, #tpu.memory_space<hbm>>
          %dma_start3A_118 = tpu.memref_slice %arg2[%mul3A_113] : memref<106496xi32, #tpu.memory_space<hbm>> -> memref<128xi32, #tpu.memory_space<hbm>>
          tpu.enqueue_dma source(%dma_start3A_118 : memref<128xi32, #tpu.memory_space<hbm>>) target(%arg5 : memref<128xi32, #tpu.memory_space<vmem>>) target_semaphore(%run_scoped3A : memref<!tpu.dma_semaphore, #tpu.memory_space<semaphore_mem>>)
          %dma_wait3A_119 = tpu.memref_slice %arg2[%mul3A_113] : memref<106496xi32, #tpu.memory_space<hbm>> -> memref<128xi32, #tpu.memory_space<hbm>>
          %dma_wait3A_120 = tpu.memref_slice %arg2[%mul3A_113] : memref<106496xi32, #tpu.memory_space<hbm>> -> memref<128xi32, #tpu.memory_space<hbm>>
          tpu.wait_dma2 semaphore(%run_scoped3A : memref<!tpu.dma_semaphore, #tpu.memory_space<semaphore_mem>>) src(%dma_wait3A_120 : memref<128xi32, #tpu.memory_space<hbm>>) dst(%arg5 : memref<128xi32, #tpu.memory_space<vmem>>)
          tpu.yield
        }) : () -> ()
        %dma_start3A_114 = arith.constant 0 : i32
        %dma_start3A_115 = arith.constant 0 : i32
        %dma_start3A_116 = tpu.memref_slice %arg3[%dma_start3A_114, %dma_start3A_115] : memref<100000x128xi32, #tpu.memory_space<hbm>> -> memref<100000x128xi32, #tpu.memory_space<hbm>>
        tpu.enqueue_indirect_dma source(%dma_start3A_116 : memref<100000x128xi32, #tpu.memory_space<hbm>>) target(%arg7 : memref<128x128xi32, #tpu.memory_space<vmem>>) offsets(%arg5 : memref<128xi32, #tpu.memory_space<vmem>>) semaphore(%arg9 : memref<!tpu.dma_semaphore, #tpu.memory_space<semaphore_mem>>)
      } else {
      }
      %dma_wait3A_63 = arith.constant 0 : i32
      %dma_wait3A_64 = arith.constant 0 : i32
      %dma_wait3A_65 = tpu.memref_slice %arg3[%dma_wait3A_63, %dma_wait3A_64] : memref<100000x128xi32, #tpu.memory_space<hbm>> -> memref<100000x128xi32, #tpu.memory_space<hbm>>
      tpu.wait_indirect_dma semaphore(%arg10 : memref<!tpu.dma_semaphore, #tpu.memory_space<semaphore_mem>>) src(%dma_wait3A_65 : memref<100000x128xi32, #tpu.memory_space<hbm>>) dst(%arg8 : memref<128x128xi32, #tpu.memory_space<vmem>>)
      %add3A_66 = arith.constant 1 : i32
      %add3A_67 = arith.addi %add3A_18, %add3A_66 : i32
      %jit3A_68 = arith.constant 32 : i32
      %div3A_69 = arith.divsi %add3A_67, %jit3A_68 : i32
      %sign3A_70 = arith.constant 0 : i32
      %sign3A_71 = arith.cmpi sgt, %add3A_67, %sign3A_70 : i32
      %sign3A_72 = arith.extui %sign3A_71 : i1 to i32
      %sign3A_73 = arith.constant 0 : i32
      %sign3A_74 = arith.cmpi slt, %add3A_67, %sign3A_73 : i32
      %sign3A_75 = arith.extui %sign3A_74 : i1 to i32
      %sign3A_76 = arith.subi %sign3A_72, %sign3A_75 : i32
      %sign3A_77 = arith.constant 0 : i32
      %sign3A_78 = arith.cmpi sgt, %jit3A_68, %sign3A_77 : i32
      %sign3A_79 = arith.extui %sign3A_78 : i1 to i32
      %sign3A_80 = arith.constant 0 : i32
      %sign3A_81 = arith.cmpi slt, %jit3A_68, %sign3A_80 : i32
      %sign3A_82 = arith.extui %sign3A_81 : i1 to i32
      %sign3A_83 = arith.subi %sign3A_79, %sign3A_82 : i32
      %ne3A_84 = arith.cmpi ne, %sign3A_76, %sign3A_83 : i32
      %rem3A_85 = arith.remsi %add3A_67, %jit3A_68 : i32
      %ne3A_86 = arith.constant 0 : i32
      %ne3A_87 = arith.cmpi ne, %rem3A_85, %ne3A_86 : i32
      %and3A_88 = arith.andi %ne3A_84, %ne3A_87 : i1
      %sub3A_89 = arith.constant 1 : i32
      %sub3A_90 = arith.subi %div3A_69, %sub3A_89 : i32
      %select_n3A_91 = arith.select %and3A_88, %sub3A_90, %div3A_69 : i32
      %jit3A_92 = arith.constant 32 : i32
      %eq3A_93 = arith.constant 0 : i32
      %eq3A_94 = arith.cmpi eq, %jit3A_92, %eq3A_93 : i32
      %jit3A_95 = arith.constant 1 : i32
      %select_n3A_96 = arith.select %eq3A_94, %jit3A_95, %jit3A_92 : i32
      %rem3A_97 = arith.remsi %add3A_67, %select_n3A_96 : i32
      %ne3A_98 = arith.constant 0 : i32
      %ne3A_99 = arith.cmpi ne, %rem3A_97, %ne3A_98 : i32
      %lt3A_100 = arith.constant 0 : i32
      %lt3A_101 = arith.cmpi slt, %rem3A_97, %lt3A_100 : i32
      %lt3A_102 = arith.constant 0 : i32
      %lt3A_103 = arith.cmpi slt, %select_n3A_96, %lt3A_102 : i32
      %ne3A_104 = arith.xori %lt3A_101, %lt3A_103 : i1
      %and3A_105 = arith.andi %ne3A_104, %ne3A_99 : i1
      %add3A_106 = arith.addi %rem3A_97, %select_n3A_96 : i32
      %select_n3A_107 = arith.select %and3A_105, %add3A_106, %rem3A_97 : i32
      %mul3A_108 = arith.constant 128 : i32
      %mul3A_109 = arith.muli %select_n3A_107, %mul3A_108 : i32
      "tpu.region"() ({
        %run_scoped3A = tpu.sem_alloc : memref<!tpu.dma_semaphore, #tpu.memory_space<semaphore_mem>>
        %dma_start3A_110 = arith.constant 0 : i32
        %dma_start3A_111 = arith.constant 0 : i32
        %dma_start3A_112 = tpu.memref_slice %arg4[%select_n3A_91, %dma_start3A_110, %dma_start3A_111] : memref<26x4096x128xi32, #tpu.memory_space<hbm>> -> memref<1x4096x128xi32, #tpu.memory_space<hbm>>
        %dma_start3A_113 = tpu.memref_squeeze %dma_start3A_112 : memref<1x4096x128xi32, #tpu.memory_space<hbm>> -> memref<4096x128xi32, #tpu.memory_space<hbm>>
        %dma_start3A_114 = arith.constant 0 : i32
        %dma_start3A_115 = tpu.memref_slice %dma_start3A_113[%mul3A_109, %dma_start3A_114] : memref<4096x128xi32, #tpu.memory_space<hbm>> -> memref<128x128xi32, #tpu.memory_space<hbm>>
        %dma_start3A_116 = arith.constant 0 : i32
        %dma_start3A_117 = arith.constant 0 : i32
        %dma_start3A_118 = tpu.memref_slice %arg4[%select_n3A_91, %dma_start3A_116, %dma_start3A_117] : memref<26x4096x128xi32, #tpu.memory_space<hbm>> -> memref<1x4096x128xi32, #tpu.memory_space<hbm>>
        %dma_start3A_119 = tpu.memref_squeeze %dma_start3A_118 : memref<1x4096x128xi32, #tpu.memory_space<hbm>> -> memref<4096x128xi32, #tpu.memory_space<hbm>>
        %dma_start3A_120 = arith.constant 0 : i32
        %dma_start3A_121 = tpu.memref_slice %dma_start3A_119[%mul3A_109, %dma_start3A_120] : memref<4096x128xi32, #tpu.memory_space<hbm>> -> memref<128x128xi32, #tpu.memory_space<hbm>>
        tpu.enqueue_dma source(%arg8 : memref<128x128xi32, #tpu.memory_space<vmem>>) target(%dma_start3A_121 : memref<128x128xi32, #tpu.memory_space<hbm>>) target_semaphore(%run_scoped3A : memref<!tpu.dma_semaphore, #tpu.memory_space<semaphore_mem>>)
        %dma_wait3A_122 = arith.constant 0 : i32
        %dma_wait3A_123 = arith.constant 0 : i32
        %dma_wait3A_124 = tpu.memref_slice %arg4[%select_n3A_91, %dma_wait3A_122, %dma_wait3A_123] : memref<26x4096x128xi32, #tpu.memory_space<hbm>> -> memref<1x4096x128xi32, #tpu.memory_space<hbm>>
        %dma_wait3A_125 = tpu.memref_squeeze %dma_wait3A_124 : memref<1x4096x128xi32, #tpu.memory_space<hbm>> -> memref<4096x128xi32, #tpu.memory_space<hbm>>
        %dma_wait3A_126 = arith.constant 0 : i32
        %dma_wait3A_127 = tpu.memref_slice %dma_wait3A_125[%mul3A_109, %dma_wait3A_126] : memref<4096x128xi32, #tpu.memory_space<hbm>> -> memref<128x128xi32, #tpu.memory_space<hbm>>
        %dma_wait3A_128 = arith.constant 0 : i32
        %dma_wait3A_129 = arith.constant 0 : i32
        %dma_wait3A_130 = tpu.memref_slice %arg4[%select_n3A_91, %dma_wait3A_128, %dma_wait3A_129] : memref<26x4096x128xi32, #tpu.memory_space<hbm>> -> memref<1x4096x128xi32, #tpu.memory_space<hbm>>
        %dma_wait3A_131 = tpu.memref_squeeze %dma_wait3A_130 : memref<1x4096x128xi32, #tpu.memory_space<hbm>> -> memref<4096x128xi32, #tpu.memory_space<hbm>>
        %dma_wait3A_132 = arith.constant 0 : i32
        %dma_wait3A_133 = tpu.memref_slice %dma_wait3A_131[%mul3A_109, %dma_wait3A_132] : memref<4096x128xi32, #tpu.memory_space<hbm>> -> memref<128x128xi32, #tpu.memory_space<hbm>>
        tpu.wait_dma2 semaphore(%run_scoped3A : memref<!tpu.dma_semaphore, #tpu.memory_space<semaphore_mem>>) src(%arg8 : memref<128x128xi32, #tpu.memory_space<vmem>>) dst(%dma_wait3A_133 : memref<128x128xi32, #tpu.memory_space<hbm>>)
        tpu.yield
      }) : () -> ()
    }
    %scan3A_10 = arith.constant 13 : i32
    return
  }
}

#map = affine_map<(d0, d1) -> (0)>
#map1 = affine_map<(d0, d1) -> (0, 0)>
#map2 = affine_map<(d0, d1) -> (0, 0, 0)>
module attributes {stable_mosaic.version = 14 : i64} {
  func.func @k(%arg0: i32, %arg1: i32, %arg2: memref<106496xi32, #tpu.memory_space<hbm>>, %arg3: memref<100000x128xi32, #tpu.memory_space<hbm>>, %arg4: memref<26x4096x128xi32, #tpu.memory_space<hbm>>, %arg5: memref<128xi32, #tpu.memory_space<vmem>>, %arg6: memref<128xi32, #tpu.memory_space<vmem>>, %arg7: memref<128x128xi32, #tpu.memory_space<vmem>>, %arg8: memref<128x128xi32, #tpu.memory_space<vmem>>, %arg9: memref<!tpu.dma_semaphore, #tpu.memory_space<semaphore_mem>>, %arg10: memref<!tpu.dma_semaphore, #tpu.memory_space<semaphore_mem>>) attributes {dimension_semantics = [#tpu.dimension_semantics<core_parallel>, #tpu.dimension_semantics<subcore_parallel>], iteration_bounds = array<i64: 2, 16>, scalar_prefetch = 0 : i64, scratch_operands = 6 : i64, tpu.core_type = #tpu.core_type<sc_vector_subcore>, window_params = [{transform_indices = #map}, {transform_indices = #map1}, {transform_indices = #map2}]} {
    %mul3A = arith.constant 2 : i32
    %mul3A_0 = arith.muli %arg1, %mul3A : i32
    %add3A = arith.addi %mul3A_0, %arg0 : i32
    %mul3A_1 = arith.constant 26 : i32
    %mul3A_2 = arith.muli %add3A, %mul3A_1 : i32
    %mul3A_3 = arith.constant 128 : i32
    %mul3A_4 = arith.muli %mul3A_2, %mul3A_3 : i32
    "tpu.region"() ({
      %run_scoped3A = tpu.sem_alloc : memref<!tpu.dma_semaphore, #tpu.memory_space<semaphore_mem>>
      %dma_start3A_11 = tpu.memref_slice %arg2[%mul3A_4] : memref<106496xi32, #tpu.memory_space<hbm>> -> memref<128xi32, #tpu.memory_space<hbm>>
      %dma_start3A_12 = tpu.memref_slice %arg2[%mul3A_4] : memref<106496xi32, #tpu.memory_space<hbm>> -> memref<128xi32, #tpu.memory_space<hbm>>
      tpu.enqueue_dma source(%dma_start3A_12 : memref<128xi32, #tpu.memory_space<hbm>>) target(%arg5 : memref<128xi32, #tpu.memory_space<vmem>>) target_semaphore(%run_scoped3A : memref<!tpu.dma_semaphore, #tpu.memory_space<semaphore_mem>>)
      %dma_wait3A = tpu.memref_slice %arg2[%mul3A_4] : memref<106496xi32, #tpu.memory_space<hbm>> -> memref<128xi32, #tpu.memory_space<hbm>>
      %dma_wait3A_13 = tpu.memref_slice %arg2[%mul3A_4] : memref<106496xi32, #tpu.memory_space<hbm>> -> memref<128xi32, #tpu.memory_space<hbm>>
      tpu.wait_dma2 semaphore(%run_scoped3A : memref<!tpu.dma_semaphore, #tpu.memory_space<semaphore_mem>>) src(%dma_wait3A_13 : memref<128xi32, #tpu.memory_space<hbm>>) dst(%arg5 : memref<128xi32, #tpu.memory_space<vmem>>)
      tpu.yield
    }) : () -> ()
    %dma_start3A = arith.constant 0 : i32
    %dma_start3A_5 = arith.constant 0 : i32
    %dma_start3A_6 = tpu.memref_slice %arg3[%dma_start3A, %dma_start3A_5] : memref<100000x128xi32, #tpu.memory_space<hbm>> -> memref<100000x128xi32, #tpu.memory_space<hbm>>
    tpu.enqueue_indirect_dma source(%dma_start3A_6 : memref<100000x128xi32, #tpu.memory_space<hbm>>) target(%arg7 : memref<128x128xi32, #tpu.memory_space<vmem>>) offsets(%arg5 : memref<128xi32, #tpu.memory_space<vmem>>) semaphore(%arg9 : memref<!tpu.dma_semaphore, #tpu.memory_space<semaphore_mem>>)
    %scan3A = arith.constant 0 : i32
    %scan3A_7 = arith.constant 13 : i32
    %scan3A_8 = arith.addi %scan3A, %scan3A_7 : i32
    %scan3A_9 = arith.constant 1 : i32
    scf.for %scan3A_11 = %scan3A to %scan3A_8 step %scan3A_9  : i32 {
      %mul3A_12 = arith.constant 1 : i32
      %mul3A_13 = arith.muli %scan3A_11, %mul3A_12 : i32
      %add3A_14 = arith.constant 0 : i32
      %add3A_15 = arith.addi %add3A_14, %mul3A_13 : i32
      %mul3A_16 = arith.constant 2 : i32
      %mul3A_17 = arith.muli %mul3A_16, %add3A_15 : i32
      %add3A_18 = arith.addi %mul3A_2, %mul3A_17 : i32
      %add3A_19 = arith.constant 1 : i32
      %add3A_20 = arith.addi %add3A_18, %add3A_19 : i32
      %mul3A_21 = arith.constant 128 : i32
      %mul3A_22 = arith.muli %add3A_20, %mul3A_21 : i32
      "tpu.region"() ({
        %run_scoped3A = tpu.sem_alloc : memref<!tpu.dma_semaphore, #tpu.memory_space<semaphore_mem>>
        %dma_start3A_110 = tpu.memref_slice %arg2[%mul3A_22] : memref<106496xi32, #tpu.memory_space<hbm>> -> memref<128xi32, #tpu.memory_space<hbm>>
        %dma_start3A_111 = tpu.memref_slice %arg2[%mul3A_22] : memref<106496xi32, #tpu.memory_space<hbm>> -> memref<128xi32, #tpu.memory_space<hbm>>
        tpu.enqueue_dma source(%dma_start3A_111 : memref<128xi32, #tpu.memory_space<hbm>>) target(%arg6 : memref<128xi32, #tpu.memory_space<vmem>>) target_semaphore(%run_scoped3A : memref<!tpu.dma_semaphore, #tpu.memory_space<semaphore_mem>>)
        %dma_wait3A_112 = tpu.memref_slice %arg2[%mul3A_22] : memref<106496xi32, #tpu.memory_space<hbm>> -> memref<128xi32, #tpu.memory_space<hbm>>
        %dma_wait3A_113 = tpu.memref_slice %arg2[%mul3A_22] : memref<106496xi32, #tpu.memory_space<hbm>> -> memref<128xi32, #tpu.memory_space<hbm>>
        tpu.wait_dma2 semaphore(%run_scoped3A : memref<!tpu.dma_semaphore, #tpu.memory_space<semaphore_mem>>) src(%dma_wait3A_113 : memref<128xi32, #tpu.memory_space<hbm>>) dst(%arg6 : memref<128xi32, #tpu.memory_space<vmem>>)
        tpu.yield
      }) : () -> ()
      %dma_start3A_23 = arith.constant 0 : i32
      %dma_start3A_24 = arith.constant 0 : i32
      %dma_start3A_25 = tpu.memref_slice %arg3[%dma_start3A_23, %dma_start3A_24] : memref<100000x128xi32, #tpu.memory_space<hbm>> -> memref<100000x128xi32, #tpu.memory_space<hbm>>
      tpu.enqueue_indirect_dma source(%dma_start3A_25 : memref<100000x128xi32, #tpu.memory_space<hbm>>) target(%arg8 : memref<128x128xi32, #tpu.memory_space<vmem>>) offsets(%arg6 : memref<128xi32, #tpu.memory_space<vmem>>) semaphore(%arg10 : memref<!tpu.dma_semaphore, #tpu.memory_space<semaphore_mem>>)
      %dma_wait3A = arith.constant 0 : i32
      %dma_wait3A_26 = arith.constant 0 : i32
      %dma_wait3A_27 = tpu.memref_slice %arg3[%dma_wait3A, %dma_wait3A_26] : memref<100000x128xi32, #tpu.memory_space<hbm>> -> memref<100000x128xi32, #tpu.memory_space<hbm>>
      tpu.wait_indirect_dma semaphore(%arg9 : memref<!tpu.dma_semaphore, #tpu.memory_space<semaphore_mem>>) src(%dma_wait3A_27 : memref<100000x128xi32, #tpu.memory_space<hbm>>) dst(%arg7 : memref<128x128xi32, #tpu.memory_space<vmem>>)
      %jit3A = arith.constant 32 : i32
      %div3A = arith.divsi %add3A_18, %jit3A : i32
      %sign3A = arith.constant 0 : i32
      %sign3A_28 = arith.cmpi sgt, %add3A_18, %sign3A : i32
      %sign3A_29 = arith.extui %sign3A_28 : i1 to i32
      %sign3A_30 = arith.constant 0 : i32
      %sign3A_31 = arith.cmpi slt, %add3A_18, %sign3A_30 : i32
      %sign3A_32 = arith.extui %sign3A_31 : i1 to i32
      %sign3A_33 = arith.subi %sign3A_29, %sign3A_32 : i32
      %sign3A_34 = arith.constant 0 : i32
      %sign3A_35 = arith.cmpi sgt, %jit3A, %sign3A_34 : i32
      %sign3A_36 = arith.extui %sign3A_35 : i1 to i32
      %sign3A_37 = arith.constant 0 : i32
      %sign3A_38 = arith.cmpi slt, %jit3A, %sign3A_37 : i32
      %sign3A_39 = arith.extui %sign3A_38 : i1 to i32
      %sign3A_40 = arith.subi %sign3A_36, %sign3A_39 : i32
      %ne3A = arith.cmpi ne, %sign3A_33, %sign3A_40 : i32
      %rem3A = arith.remsi %add3A_18, %jit3A : i32
      %ne3A_41 = arith.constant 0 : i32
      %ne3A_42 = arith.cmpi ne, %rem3A, %ne3A_41 : i32
      %and3A = arith.andi %ne3A, %ne3A_42 : i1
      %sub3A = arith.constant 1 : i32
      %sub3A_43 = arith.subi %div3A, %sub3A : i32
      %select_n3A = arith.select %and3A, %sub3A_43, %div3A : i32
      %jit3A_44 = arith.constant 32 : i32
      %eq3A = arith.constant 0 : i32
      %eq3A_45 = arith.cmpi eq, %jit3A_44, %eq3A : i32
      %jit3A_46 = arith.constant 1 : i32
      %select_n3A_47 = arith.select %eq3A_45, %jit3A_46, %jit3A_44 : i32
      %rem3A_48 = arith.remsi %add3A_18, %select_n3A_47 : i32
      %ne3A_49 = arith.constant 0 : i32
      %ne3A_50 = arith.cmpi ne, %rem3A_48, %ne3A_49 : i32
      %lt3A = arith.constant 0 : i32
      %lt3A_51 = arith.cmpi slt, %rem3A_48, %lt3A : i32
      %lt3A_52 = arith.constant 0 : i32
      %lt3A_53 = arith.cmpi slt, %select_n3A_47, %lt3A_52 : i32
      %ne3A_54 = arith.xori %lt3A_51, %lt3A_53 : i1
      %and3A_55 = arith.andi %ne3A_54, %ne3A_50 : i1
      %add3A_56 = arith.addi %rem3A_48, %select_n3A_47 : i32
      %select_n3A_57 = arith.select %and3A_55, %add3A_56, %rem3A_48 : i32
      %mul3A_58 = arith.constant 128 : i32
      %mul3A_59 = arith.muli %select_n3A_57, %mul3A_58 : i32
      "tpu.region"() ({
        %run_scoped3A = tpu.sem_alloc : memref<!tpu.dma_semaphore, #tpu.memory_space<semaphore_mem>>
        %dma_start3A_110 = arith.constant 0 : i32
        %dma_start3A_111 = arith.constant 0 : i32
        %dma_start3A_112 = tpu.memref_slice %arg4[%select_n3A, %dma_start3A_110, %dma_start3A_111] : memref<26x4096x128xi32, #tpu.memory_space<hbm>> -> memref<1x4096x128xi32, #tpu.memory_space<hbm>>
        %dma_start3A_113 = tpu.memref_squeeze %dma_start3A_112 : memref<1x4096x128xi32, #tpu.memory_space<hbm>> -> memref<4096x128xi32, #tpu.memory_space<hbm>>
        %dma_start3A_114 = arith.constant 0 : i32
        %dma_start3A_115 = tpu.memref_slice %dma_start3A_113[%mul3A_59, %dma_start3A_114] : memref<4096x128xi32, #tpu.memory_space<hbm>> -> memref<128x128xi32, #tpu.memory_space<hbm>>
        %dma_start3A_116 = arith.constant 0 : i32
        %dma_start3A_117 = arith.constant 0 : i32
        %dma_start3A_118 = tpu.memref_slice %arg4[%select_n3A, %dma_start3A_116, %dma_start3A_117] : memref<26x4096x128xi32, #tpu.memory_space<hbm>> -> memref<1x4096x128xi32, #tpu.memory_space<hbm>>
        %dma_start3A_119 = tpu.memref_squeeze %dma_start3A_118 : memref<1x4096x128xi32, #tpu.memory_space<hbm>> -> memref<4096x128xi32, #tpu.memory_space<hbm>>
        %dma_start3A_120 = arith.constant 0 : i32
        %dma_start3A_121 = tpu.memref_slice %dma_start3A_119[%mul3A_59, %dma_start3A_120] : memref<4096x128xi32, #tpu.memory_space<hbm>> -> memref<128x128xi32, #tpu.memory_space<hbm>>
        tpu.enqueue_dma source(%arg7 : memref<128x128xi32, #tpu.memory_space<vmem>>) target(%dma_start3A_121 : memref<128x128xi32, #tpu.memory_space<hbm>>) target_semaphore(%run_scoped3A : memref<!tpu.dma_semaphore, #tpu.memory_space<semaphore_mem>>)
        %dma_wait3A_122 = arith.constant 0 : i32
        %dma_wait3A_123 = arith.constant 0 : i32
        %dma_wait3A_124 = tpu.memref_slice %arg4[%select_n3A, %dma_wait3A_122, %dma_wait3A_123] : memref<26x4096x128xi32, #tpu.memory_space<hbm>> -> memref<1x4096x128xi32, #tpu.memory_space<hbm>>
        %dma_wait3A_125 = tpu.memref_squeeze %dma_wait3A_124 : memref<1x4096x128xi32, #tpu.memory_space<hbm>> -> memref<4096x128xi32, #tpu.memory_space<hbm>>
        %dma_wait3A_126 = arith.constant 0 : i32
        %dma_wait3A_127 = tpu.memref_slice %dma_wait3A_125[%mul3A_59, %dma_wait3A_126] : memref<4096x128xi32, #tpu.memory_space<hbm>> -> memref<128x128xi32, #tpu.memory_space<hbm>>
        %dma_wait3A_128 = arith.constant 0 : i32
        %dma_wait3A_129 = arith.constant 0 : i32
        %dma_wait3A_130 = tpu.memref_slice %arg4[%select_n3A, %dma_wait3A_128, %dma_wait3A_129] : memref<26x4096x128xi32, #tpu.memory_space<hbm>> -> memref<1x4096x128xi32, #tpu.memory_space<hbm>>
        %dma_wait3A_131 = tpu.memref_squeeze %dma_wait3A_130 : memref<1x4096x128xi32, #tpu.memory_space<hbm>> -> memref<4096x128xi32, #tpu.memory_space<hbm>>
        %dma_wait3A_132 = arith.constant 0 : i32
        %dma_wait3A_133 = tpu.memref_slice %dma_wait3A_131[%mul3A_59, %dma_wait3A_132] : memref<4096x128xi32, #tpu.memory_space<hbm>> -> memref<128x128xi32, #tpu.memory_space<hbm>>
        tpu.wait_dma2 semaphore(%run_scoped3A : memref<!tpu.dma_semaphore, #tpu.memory_space<semaphore_mem>>) src(%arg7 : memref<128x128xi32, #tpu.memory_space<vmem>>) dst(%dma_wait3A_133 : memref<128x128xi32, #tpu.memory_space<hbm>>)
        tpu.yield
      }) : () -> ()
      %lt3A_60 = arith.constant 12 : i32
      %lt3A_61 = arith.cmpi slt, %add3A_15, %lt3A_60 : i32
      %convert_element_type3A = arith.extui %lt3A_61 : i1 to i32
      %cond3A = arith.constant 0 : i32
      %cond3A_62 = arith.cmpi ne, %convert_element_type3A, %cond3A : i32
      scf.if %cond3A_62 {
        %add3A_110 = arith.constant 2 : i32
        %add3A_111 = arith.addi %add3A_18, %add3A_110 : i32
        %mul3A_112 = arith.constant 128 : i32
        %mul3A_113 = arith.muli %add3A_111, %mul3A_112 : i32
        "tpu.region"() ({
          %run_scoped3A = tpu.sem_alloc : memref<!tpu.dma_semaphore, #tpu.memory_space<semaphore_mem>>
          %dma_start3A_117 = tpu.memref_slice %arg2[%mul3A_113] : memref<106496xi32, #tpu.memory_space<hbm>> -> memref<128xi32, #tpu.memory_space<hbm>>
          %dma_start3A_118 = tpu.memref_slice %arg2[%mul3A_113] : memref<106496xi32, #tpu.memory_space<hbm>> -> memref<128xi32, #tpu.memory_space<hbm>>
          tpu.enqueue_dma source(%dma_start3A_118 : memref<128xi32, #tpu.memory_space<hbm>>) target(%arg5 : memref<128xi32, #tpu.memory_space<vmem>>) target_semaphore(%run_scoped3A : memref<!tpu.dma_semaphore, #tpu.memory_space<semaphore_mem>>)
          %dma_wait3A_119 = tpu.memref_slice %arg2[%mul3A_113] : memref<106496xi32, #tpu.memory_space<hbm>> -> memref<128xi32, #tpu.memory_space<hbm>>
          %dma_wait3A_120 = tpu.memref_slice %arg2[%mul3A_113] : memref<106496xi32, #tpu.memory_space<hbm>> -> memref<128xi32, #tpu.memory_space<hbm>>
          tpu.wait_dma2 semaphore(%run_scoped3A : memref<!tpu.dma_semaphore, #tpu.memory_space<semaphore_mem>>) src(%dma_wait3A_120 : memref<128xi32, #tpu.memory_space<hbm>>) dst(%arg5 : memref<128xi32, #tpu.memory_space<vmem>>)
          tpu.yield
        }) : () -> ()
        %dma_start3A_114 = arith.constant 0 : i32
        %dma_start3A_115 = arith.constant 0 : i32
        %dma_start3A_116 = tpu.memref_slice %arg3[%dma_start3A_114, %dma_start3A_115] : memref<100000x128xi32, #tpu.memory_space<hbm>> -> memref<100000x128xi32, #tpu.memory_space<hbm>>
        tpu.enqueue_indirect_dma source(%dma_start3A_116 : memref<100000x128xi32, #tpu.memory_space<hbm>>) target(%arg7 : memref<128x128xi32, #tpu.memory_space<vmem>>) offsets(%arg5 : memref<128xi32, #tpu.memory_space<vmem>>) semaphore(%arg9 : memref<!tpu.dma_semaphore, #tpu.memory_space<semaphore_mem>>)
      } else {
      }
      %dma_wait3A_63 = arith.constant 0 : i32
      %dma_wait3A_64 = arith.constant 0 : i32
      %dma_wait3A_65 = tpu.memref_slice %arg3[%dma_wait3A_63, %dma_wait3A_64] : memref<100000x128xi32, #tpu.memory_space<hbm>> -> memref<100000x128xi32, #tpu.memory_space<hbm>>
      tpu.wait_indirect_dma semaphore(%arg10 : memref<!tpu.dma_semaphore, #tpu.memory_space<semaphore_mem>>) src(%dma_wait3A_65 : memref<100000x128xi32, #tpu.memory_space<hbm>>) dst(%arg8 : memref<128x128xi32, #tpu.memory_space<vmem>>)
      %add3A_66 = arith.constant 1 : i32
      %add3A_67 = arith.addi %add3A_18, %add3A_66 : i32
      %jit3A_68 = arith.constant 32 : i32
      %div3A_69 = arith.divsi %add3A_67, %jit3A_68 : i32
      %sign3A_70 = arith.constant 0 : i32
      %sign3A_71 = arith.cmpi sgt, %add3A_67, %sign3A_70 : i32
      %sign3A_72 = arith.extui %sign3A_71 : i1 to i32
      %sign3A_73 = arith.constant 0 : i32
      %sign3A_74 = arith.cmpi slt, %add3A_67, %sign3A_73 : i32
      %sign3A_75 = arith.extui %sign3A_74 : i1 to i32
      %sign3A_76 = arith.subi %sign3A_72, %sign3A_75 : i32
      %sign3A_77 = arith.constant 0 : i32
      %sign3A_78 = arith.cmpi sgt, %jit3A_68, %sign3A_77 : i32
      %sign3A_79 = arith.extui %sign3A_78 : i1 to i32
      %sign3A_80 = arith.constant 0 : i32
      %sign3A_81 = arith.cmpi slt, %jit3A_68, %sign3A_80 : i32
      %sign3A_82 = arith.extui %sign3A_81 : i1 to i32
      %sign3A_83 = arith.subi %sign3A_79, %sign3A_82 : i32
      %ne3A_84 = arith.cmpi ne, %sign3A_76, %sign3A_83 : i32
      %rem3A_85 = arith.remsi %add3A_67, %jit3A_68 : i32
      %ne3A_86 = arith.constant 0 : i32
      %ne3A_87 = arith.cmpi ne, %rem3A_85, %ne3A_86 : i32
      %and3A_88 = arith.andi %ne3A_84, %ne3A_87 : i1
      %sub3A_89 = arith.constant 1 : i32
      %sub3A_90 = arith.subi %div3A_69, %sub3A_89 : i32
      %select_n3A_91 = arith.select %and3A_88, %sub3A_90, %div3A_69 : i32
      %jit3A_92 = arith.constant 32 : i32
      %eq3A_93 = arith.constant 0 : i32
      %eq3A_94 = arith.cmpi eq, %jit3A_92, %eq3A_93 : i32
      %jit3A_95 = arith.constant 1 : i32
      %select_n3A_96 = arith.select %eq3A_94, %jit3A_95, %jit3A_92 : i32
      %rem3A_97 = arith.remsi %add3A_67, %select_n3A_96 : i32
      %ne3A_98 = arith.constant 0 : i32
      %ne3A_99 = arith.cmpi ne, %rem3A_97, %ne3A_98 : i32
      %lt3A_100 = arith.constant 0 : i32
      %lt3A_101 = arith.cmpi slt, %rem3A_97, %lt3A_100 : i32
      %lt3A_102 = arith.constant 0 : i32
      %lt3A_103 = arith.cmpi slt, %select_n3A_96, %lt3A_102 : i32
      %ne3A_104 = arith.xori %lt3A_101, %lt3A_103 : i1
      %and3A_105 = arith.andi %ne3A_104, %ne3A_99 : i1
      %add3A_106 = arith.addi %rem3A_97, %select_n3A_96 : i32
      %select_n3A_107 = arith.select %and3A_105, %add3A_106, %rem3A_97 : i32
      %mul3A_108 = arith.constant 128 : i32
      %mul3A_109 = arith.muli %select_n3A_107, %mul3A_108 : i32
      "tpu.region"() ({
        %run_scoped3A = tpu.sem_alloc : memref<!tpu.dma_semaphore, #tpu.memory_space<semaphore_mem>>
        %dma_start3A_110 = arith.constant 0 : i32
        %dma_start3A_111 = arith.constant 0 : i32
        %dma_start3A_112 = tpu.memref_slice %arg4[%select_n3A_91, %dma_start3A_110, %dma_start3A_111] : memref<26x4096x128xi32, #tpu.memory_space<hbm>> -> memref<1x4096x128xi32, #tpu.memory_space<hbm>>
        %dma_start3A_113 = tpu.memref_squeeze %dma_start3A_112 : memref<1x4096x128xi32, #tpu.memory_space<hbm>> -> memref<4096x128xi32, #tpu.memory_space<hbm>>
        %dma_start3A_114 = arith.constant 0 : i32
        %dma_start3A_115 = tpu.memref_slice %dma_start3A_113[%mul3A_109, %dma_start3A_114] : memref<4096x128xi32, #tpu.memory_space<hbm>> -> memref<128x128xi32, #tpu.memory_space<hbm>>
        %dma_start3A_116 = arith.constant 0 : i32
        %dma_start3A_117 = arith.constant 0 : i32
        %dma_start3A_118 = tpu.memref_slice %arg4[%select_n3A_91, %dma_start3A_116, %dma_start3A_117] : memref<26x4096x128xi32, #tpu.memory_space<hbm>> -> memref<1x4096x128xi32, #tpu.memory_space<hbm>>
        %dma_start3A_119 = tpu.memref_squeeze %dma_start3A_118 : memref<1x4096x128xi32, #tpu.memory_space<hbm>> -> memref<4096x128xi32, #tpu.memory_space<hbm>>
        %dma_start3A_120 = arith.constant 0 : i32
        %dma_start3A_121 = tpu.memref_slice %dma_start3A_119[%mul3A_109, %dma_start3A_120] : memref<4096x128xi32, #tpu.memory_space<hbm>> -> memref<128x128xi32, #tpu.memory_space<hbm>>
        tpu.enqueue_dma source(%arg8 : memref<128x128xi32, #tpu.memory_space<vmem>>) target(%dma_start3A_121 : memref<128x128xi32, #tpu.memory_space<hbm>>) target_semaphore(%run_scoped3A : memref<!tpu.dma_semaphore, #tpu.memory_space<semaphore_mem>>)
        %dma_wait3A_122 = arith.constant 0 : i32
        %dma_wait3A_123 = arith.constant 0 : i32
        %dma_wait3A_124 = tpu.memref_slice %arg4[%select_n3A_91, %dma_wait3A_122, %dma_wait3A_123] : memref<26x4096x128xi32, #tpu.memory_space<hbm>> -> memref<1x4096x128xi32, #tpu.memory_space<hbm>>
        %dma_wait3A_125 = tpu.memref_squeeze %dma_wait3A_124 : memref<1x4096x128xi32, #tpu.memory_space<hbm>> -> memref<4096x128xi32, #tpu.memory_space<hbm>>
        %dma_wait3A_126 = arith.constant 0 : i32
        %dma_wait3A_127 = tpu.memref_slice %dma_wait3A_125[%mul3A_109, %dma_wait3A_126] : memref<4096x128xi32, #tpu.memory_space<hbm>> -> memref<128x128xi32, #tpu.memory_space<hbm>>
        %dma_wait3A_128 = arith.constant 0 : i32
        %dma_wait3A_129 = arith.constant 0 : i32
        %dma_wait3A_130 = tpu.memref_slice %arg4[%select_n3A_91, %dma_wait3A_128, %dma_wait3A_129] : memref<26x4096x128xi32, #tpu.memory_space<hbm>> -> memref<1x4096x128xi32, #tpu.memory_space<hbm>>
        %dma_wait3A_131 = tpu.memref_squeeze %dma_wait3A_130 : memref<1x4096x128xi32, #tpu.memory_space<hbm>> -> memref<4096x128xi32, #tpu.memory_space<hbm>>
        %dma_wait3A_132 = arith.constant 0 : i32
        %dma_wait3A_133 = tpu.memref_slice %dma_wait3A_131[%mul3A_109, %dma_wait3A_132] : memref<4096x128xi32, #tpu.memory_space<hbm>> -> memref<128x128xi32, #tpu.memory_space<hbm>>
        tpu.wait_dma2 semaphore(%run_scoped3A : memref<!tpu.dma_semaphore, #tpu.memory_space<semaphore_mem>>) src(%arg8 : memref<128x128xi32, #tpu.memory_space<vmem>>) dst(%dma_wait3A_133 : memref<128x128xi32, #tpu.memory_space<hbm>>)
        tpu.yield
      }) : () -> ()
    }
    %scan3A_10 = arith.constant 13 : i32
    return
  }
}

#map = affine_map<(d0, d1) -> (0)>
#map1 = affine_map<(d0, d1) -> (0, 0)>
#map2 = affine_map<(d0, d1) -> (0, 0, 0)>
module attributes {stable_mosaic.version = 14 : i64} {
  func.func @k(%arg0: i32, %arg1: i32, %arg2: memref<106496xi32, #tpu.memory_space<hbm>>, %arg3: memref<100000x128xi32, #tpu.memory_space<hbm>>, %arg4: memref<26x4096x128xi32, #tpu.memory_space<hbm>>, %arg5: memref<128xi32, #tpu.memory_space<vmem>>, %arg6: memref<128xi32, #tpu.memory_space<vmem>>, %arg7: memref<128x128xi32, #tpu.memory_space<vmem>>, %arg8: memref<128x128xi32, #tpu.memory_space<vmem>>, %arg9: memref<!tpu.dma_semaphore, #tpu.memory_space<semaphore_mem>>, %arg10: memref<!tpu.dma_semaphore, #tpu.memory_space<semaphore_mem>>) attributes {dimension_semantics = [#tpu.dimension_semantics<core_parallel>, #tpu.dimension_semantics<subcore_parallel>], iteration_bounds = array<i64: 2, 16>, scalar_prefetch = 0 : i64, scratch_operands = 6 : i64, tpu.core_type = #tpu.core_type<sc_vector_subcore>, window_params = [{transform_indices = #map}, {transform_indices = #map1}, {transform_indices = #map2}]} {
    %mul3A = arith.constant 2 : i32
    %mul3A_0 = arith.muli %arg1, %mul3A : i32
    %add3A = arith.addi %mul3A_0, %arg0 : i32
    %mul3A_1 = arith.constant 26 : i32
    %mul3A_2 = arith.muli %add3A, %mul3A_1 : i32
    %mul3A_3 = arith.constant 128 : i32
    %mul3A_4 = arith.muli %mul3A_2, %mul3A_3 : i32
    "tpu.region"() ({
      %run_scoped3A = tpu.sem_alloc : memref<!tpu.dma_semaphore, #tpu.memory_space<semaphore_mem>>
      %dma_start3A_11 = tpu.memref_slice %arg2[%mul3A_4] : memref<106496xi32, #tpu.memory_space<hbm>> -> memref<128xi32, #tpu.memory_space<hbm>>
      %dma_start3A_12 = tpu.memref_slice %arg2[%mul3A_4] : memref<106496xi32, #tpu.memory_space<hbm>> -> memref<128xi32, #tpu.memory_space<hbm>>
      tpu.enqueue_dma source(%dma_start3A_12 : memref<128xi32, #tpu.memory_space<hbm>>) target(%arg5 : memref<128xi32, #tpu.memory_space<vmem>>) target_semaphore(%run_scoped3A : memref<!tpu.dma_semaphore, #tpu.memory_space<semaphore_mem>>)
      %dma_wait3A = tpu.memref_slice %arg2[%mul3A_4] : memref<106496xi32, #tpu.memory_space<hbm>> -> memref<128xi32, #tpu.memory_space<hbm>>
      %dma_wait3A_13 = tpu.memref_slice %arg2[%mul3A_4] : memref<106496xi32, #tpu.memory_space<hbm>> -> memref<128xi32, #tpu.memory_space<hbm>>
      tpu.wait_dma2 semaphore(%run_scoped3A : memref<!tpu.dma_semaphore, #tpu.memory_space<semaphore_mem>>) src(%dma_wait3A_13 : memref<128xi32, #tpu.memory_space<hbm>>) dst(%arg5 : memref<128xi32, #tpu.memory_space<vmem>>)
      tpu.yield
    }) : () -> ()
    %dma_start3A = arith.constant 0 : i32
    %dma_start3A_5 = arith.constant 0 : i32
    %dma_start3A_6 = tpu.memref_slice %arg3[%dma_start3A, %dma_start3A_5] : memref<100000x128xi32, #tpu.memory_space<hbm>> -> memref<100000x128xi32, #tpu.memory_space<hbm>>
    tpu.enqueue_indirect_dma source(%dma_start3A_6 : memref<100000x128xi32, #tpu.memory_space<hbm>>) target(%arg7 : memref<128x128xi32, #tpu.memory_space<vmem>>) offsets(%arg5 : memref<128xi32, #tpu.memory_space<vmem>>) semaphore(%arg9 : memref<!tpu.dma_semaphore, #tpu.memory_space<semaphore_mem>>)
    %scan3A = arith.constant 0 : i32
    %scan3A_7 = arith.constant 13 : i32
    %scan3A_8 = arith.addi %scan3A, %scan3A_7 : i32
    %scan3A_9 = arith.constant 1 : i32
    scf.for %scan3A_11 = %scan3A to %scan3A_8 step %scan3A_9  : i32 {
      %mul3A_12 = arith.constant 1 : i32
      %mul3A_13 = arith.muli %scan3A_11, %mul3A_12 : i32
      %add3A_14 = arith.constant 0 : i32
      %add3A_15 = arith.addi %add3A_14, %mul3A_13 : i32
      %mul3A_16 = arith.constant 2 : i32
      %mul3A_17 = arith.muli %mul3A_16, %add3A_15 : i32
      %add3A_18 = arith.addi %mul3A_2, %mul3A_17 : i32
      %add3A_19 = arith.constant 1 : i32
      %add3A_20 = arith.addi %add3A_18, %add3A_19 : i32
      %mul3A_21 = arith.constant 128 : i32
      %mul3A_22 = arith.muli %add3A_20, %mul3A_21 : i32
      "tpu.region"() ({
        %run_scoped3A = tpu.sem_alloc : memref<!tpu.dma_semaphore, #tpu.memory_space<semaphore_mem>>
        %dma_start3A_110 = tpu.memref_slice %arg2[%mul3A_22] : memref<106496xi32, #tpu.memory_space<hbm>> -> memref<128xi32, #tpu.memory_space<hbm>>
        %dma_start3A_111 = tpu.memref_slice %arg2[%mul3A_22] : memref<106496xi32, #tpu.memory_space<hbm>> -> memref<128xi32, #tpu.memory_space<hbm>>
        tpu.enqueue_dma source(%dma_start3A_111 : memref<128xi32, #tpu.memory_space<hbm>>) target(%arg6 : memref<128xi32, #tpu.memory_space<vmem>>) target_semaphore(%run_scoped3A : memref<!tpu.dma_semaphore, #tpu.memory_space<semaphore_mem>>)
        %dma_wait3A_112 = tpu.memref_slice %arg2[%mul3A_22] : memref<106496xi32, #tpu.memory_space<hbm>> -> memref<128xi32, #tpu.memory_space<hbm>>
        %dma_wait3A_113 = tpu.memref_slice %arg2[%mul3A_22] : memref<106496xi32, #tpu.memory_space<hbm>> -> memref<128xi32, #tpu.memory_space<hbm>>
        tpu.wait_dma2 semaphore(%run_scoped3A : memref<!tpu.dma_semaphore, #tpu.memory_space<semaphore_mem>>) src(%dma_wait3A_113 : memref<128xi32, #tpu.memory_space<hbm>>) dst(%arg6 : memref<128xi32, #tpu.memory_space<vmem>>)
        tpu.yield
      }) : () -> ()
      %dma_start3A_23 = arith.constant 0 : i32
      %dma_start3A_24 = arith.constant 0 : i32
      %dma_start3A_25 = tpu.memref_slice %arg3[%dma_start3A_23, %dma_start3A_24] : memref<100000x128xi32, #tpu.memory_space<hbm>> -> memref<100000x128xi32, #tpu.memory_space<hbm>>
      tpu.enqueue_indirect_dma source(%dma_start3A_25 : memref<100000x128xi32, #tpu.memory_space<hbm>>) target(%arg8 : memref<128x128xi32, #tpu.memory_space<vmem>>) offsets(%arg6 : memref<128xi32, #tpu.memory_space<vmem>>) semaphore(%arg10 : memref<!tpu.dma_semaphore, #tpu.memory_space<semaphore_mem>>)
      %dma_wait3A = arith.constant 0 : i32
      %dma_wait3A_26 = arith.constant 0 : i32
      %dma_wait3A_27 = tpu.memref_slice %arg3[%dma_wait3A, %dma_wait3A_26] : memref<100000x128xi32, #tpu.memory_space<hbm>> -> memref<100000x128xi32, #tpu.memory_space<hbm>>
      tpu.wait_indirect_dma semaphore(%arg9 : memref<!tpu.dma_semaphore, #tpu.memory_space<semaphore_mem>>) src(%dma_wait3A_27 : memref<100000x128xi32, #tpu.memory_space<hbm>>) dst(%arg7 : memref<128x128xi32, #tpu.memory_space<vmem>>)
      %jit3A = arith.constant 32 : i32
      %div3A = arith.divsi %add3A_18, %jit3A : i32
      %sign3A = arith.constant 0 : i32
      %sign3A_28 = arith.cmpi sgt, %add3A_18, %sign3A : i32
      %sign3A_29 = arith.extui %sign3A_28 : i1 to i32
      %sign3A_30 = arith.constant 0 : i32
      %sign3A_31 = arith.cmpi slt, %add3A_18, %sign3A_30 : i32
      %sign3A_32 = arith.extui %sign3A_31 : i1 to i32
      %sign3A_33 = arith.subi %sign3A_29, %sign3A_32 : i32
      %sign3A_34 = arith.constant 0 : i32
      %sign3A_35 = arith.cmpi sgt, %jit3A, %sign3A_34 : i32
      %sign3A_36 = arith.extui %sign3A_35 : i1 to i32
      %sign3A_37 = arith.constant 0 : i32
      %sign3A_38 = arith.cmpi slt, %jit3A, %sign3A_37 : i32
      %sign3A_39 = arith.extui %sign3A_38 : i1 to i32
      %sign3A_40 = arith.subi %sign3A_36, %sign3A_39 : i32
      %ne3A = arith.cmpi ne, %sign3A_33, %sign3A_40 : i32
      %rem3A = arith.remsi %add3A_18, %jit3A : i32
      %ne3A_41 = arith.constant 0 : i32
      %ne3A_42 = arith.cmpi ne, %rem3A, %ne3A_41 : i32
      %and3A = arith.andi %ne3A, %ne3A_42 : i1
      %sub3A = arith.constant 1 : i32
      %sub3A_43 = arith.subi %div3A, %sub3A : i32
      %select_n3A = arith.select %and3A, %sub3A_43, %div3A : i32
      %jit3A_44 = arith.constant 32 : i32
      %eq3A = arith.constant 0 : i32
      %eq3A_45 = arith.cmpi eq, %jit3A_44, %eq3A : i32
      %jit3A_46 = arith.constant 1 : i32
      %select_n3A_47 = arith.select %eq3A_45, %jit3A_46, %jit3A_44 : i32
      %rem3A_48 = arith.remsi %add3A_18, %select_n3A_47 : i32
      %ne3A_49 = arith.constant 0 : i32
      %ne3A_50 = arith.cmpi ne, %rem3A_48, %ne3A_49 : i32
      %lt3A = arith.constant 0 : i32
      %lt3A_51 = arith.cmpi slt, %rem3A_48, %lt3A : i32
      %lt3A_52 = arith.constant 0 : i32
      %lt3A_53 = arith.cmpi slt, %select_n3A_47, %lt3A_52 : i32
      %ne3A_54 = arith.xori %lt3A_51, %lt3A_53 : i1
      %and3A_55 = arith.andi %ne3A_54, %ne3A_50 : i1
      %add3A_56 = arith.addi %rem3A_48, %select_n3A_47 : i32
      %select_n3A_57 = arith.select %and3A_55, %add3A_56, %rem3A_48 : i32
      %mul3A_58 = arith.constant 128 : i32
      %mul3A_59 = arith.muli %select_n3A_57, %mul3A_58 : i32
      "tpu.region"() ({
        %run_scoped3A = tpu.sem_alloc : memref<!tpu.dma_semaphore, #tpu.memory_space<semaphore_mem>>
        %dma_start3A_110 = arith.constant 0 : i32
        %dma_start3A_111 = arith.constant 0 : i32
        %dma_start3A_112 = tpu.memref_slice %arg4[%select_n3A, %dma_start3A_110, %dma_start3A_111] : memref<26x4096x128xi32, #tpu.memory_space<hbm>> -> memref<1x4096x128xi32, #tpu.memory_space<hbm>>
        %dma_start3A_113 = tpu.memref_squeeze %dma_start3A_112 : memref<1x4096x128xi32, #tpu.memory_space<hbm>> -> memref<4096x128xi32, #tpu.memory_space<hbm>>
        %dma_start3A_114 = arith.constant 0 : i32
        %dma_start3A_115 = tpu.memref_slice %dma_start3A_113[%mul3A_59, %dma_start3A_114] : memref<4096x128xi32, #tpu.memory_space<hbm>> -> memref<128x128xi32, #tpu.memory_space<hbm>>
        %dma_start3A_116 = arith.constant 0 : i32
        %dma_start3A_117 = arith.constant 0 : i32
        %dma_start3A_118 = tpu.memref_slice %arg4[%select_n3A, %dma_start3A_116, %dma_start3A_117] : memref<26x4096x128xi32, #tpu.memory_space<hbm>> -> memref<1x4096x128xi32, #tpu.memory_space<hbm>>
        %dma_start3A_119 = tpu.memref_squeeze %dma_start3A_118 : memref<1x4096x128xi32, #tpu.memory_space<hbm>> -> memref<4096x128xi32, #tpu.memory_space<hbm>>
        %dma_start3A_120 = arith.constant 0 : i32
        %dma_start3A_121 = tpu.memref_slice %dma_start3A_119[%mul3A_59, %dma_start3A_120] : memref<4096x128xi32, #tpu.memory_space<hbm>> -> memref<128x128xi32, #tpu.memory_space<hbm>>
        tpu.enqueue_dma source(%arg7 : memref<128x128xi32, #tpu.memory_space<vmem>>) target(%dma_start3A_121 : memref<128x128xi32, #tpu.memory_space<hbm>>) target_semaphore(%run_scoped3A : memref<!tpu.dma_semaphore, #tpu.memory_space<semaphore_mem>>)
        %dma_wait3A_122 = arith.constant 0 : i32
        %dma_wait3A_123 = arith.constant 0 : i32
        %dma_wait3A_124 = tpu.memref_slice %arg4[%select_n3A, %dma_wait3A_122, %dma_wait3A_123] : memref<26x4096x128xi32, #tpu.memory_space<hbm>> -> memref<1x4096x128xi32, #tpu.memory_space<hbm>>
        %dma_wait3A_125 = tpu.memref_squeeze %dma_wait3A_124 : memref<1x4096x128xi32, #tpu.memory_space<hbm>> -> memref<4096x128xi32, #tpu.memory_space<hbm>>
        %dma_wait3A_126 = arith.constant 0 : i32
        %dma_wait3A_127 = tpu.memref_slice %dma_wait3A_125[%mul3A_59, %dma_wait3A_126] : memref<4096x128xi32, #tpu.memory_space<hbm>> -> memref<128x128xi32, #tpu.memory_space<hbm>>
        %dma_wait3A_128 = arith.constant 0 : i32
        %dma_wait3A_129 = arith.constant 0 : i32
        %dma_wait3A_130 = tpu.memref_slice %arg4[%select_n3A, %dma_wait3A_128, %dma_wait3A_129] : memref<26x4096x128xi32, #tpu.memory_space<hbm>> -> memref<1x4096x128xi32, #tpu.memory_space<hbm>>
        %dma_wait3A_131 = tpu.memref_squeeze %dma_wait3A_130 : memref<1x4096x128xi32, #tpu.memory_space<hbm>> -> memref<4096x128xi32, #tpu.memory_space<hbm>>
        %dma_wait3A_132 = arith.constant 0 : i32
        %dma_wait3A_133 = tpu.memref_slice %dma_wait3A_131[%mul3A_59, %dma_wait3A_132] : memref<4096x128xi32, #tpu.memory_space<hbm>> -> memref<128x128xi32, #tpu.memory_space<hbm>>
        tpu.wait_dma2 semaphore(%run_scoped3A : memref<!tpu.dma_semaphore, #tpu.memory_space<semaphore_mem>>) src(%arg7 : memref<128x128xi32, #tpu.memory_space<vmem>>) dst(%dma_wait3A_133 : memref<128x128xi32, #tpu.memory_space<hbm>>)
        tpu.yield
      }) : () -> ()
      %lt3A_60 = arith.constant 12 : i32
      %lt3A_61 = arith.cmpi slt, %add3A_15, %lt3A_60 : i32
      %convert_element_type3A = arith.extui %lt3A_61 : i1 to i32
      %cond3A = arith.constant 0 : i32
      %cond3A_62 = arith.cmpi ne, %convert_element_type3A, %cond3A : i32
      scf.if %cond3A_62 {
        %add3A_110 = arith.constant 2 : i32
        %add3A_111 = arith.addi %add3A_18, %add3A_110 : i32
        %mul3A_112 = arith.constant 128 : i32
        %mul3A_113 = arith.muli %add3A_111, %mul3A_112 : i32
        "tpu.region"() ({
          %run_scoped3A = tpu.sem_alloc : memref<!tpu.dma_semaphore, #tpu.memory_space<semaphore_mem>>
          %dma_start3A_117 = tpu.memref_slice %arg2[%mul3A_113] : memref<106496xi32, #tpu.memory_space<hbm>> -> memref<128xi32, #tpu.memory_space<hbm>>
          %dma_start3A_118 = tpu.memref_slice %arg2[%mul3A_113] : memref<106496xi32, #tpu.memory_space<hbm>> -> memref<128xi32, #tpu.memory_space<hbm>>
          tpu.enqueue_dma source(%dma_start3A_118 : memref<128xi32, #tpu.memory_space<hbm>>) target(%arg5 : memref<128xi32, #tpu.memory_space<vmem>>) target_semaphore(%run_scoped3A : memref<!tpu.dma_semaphore, #tpu.memory_space<semaphore_mem>>)
          %dma_wait3A_119 = tpu.memref_slice %arg2[%mul3A_113] : memref<106496xi32, #tpu.memory_space<hbm>> -> memref<128xi32, #tpu.memory_space<hbm>>
          %dma_wait3A_120 = tpu.memref_slice %arg2[%mul3A_113] : memref<106496xi32, #tpu.memory_space<hbm>> -> memref<128xi32, #tpu.memory_space<hbm>>
          tpu.wait_dma2 semaphore(%run_scoped3A : memref<!tpu.dma_semaphore, #tpu.memory_space<semaphore_mem>>) src(%dma_wait3A_120 : memref<128xi32, #tpu.memory_space<hbm>>) dst(%arg5 : memref<128xi32, #tpu.memory_space<vmem>>)
          tpu.yield
        }) : () -> ()
        %dma_start3A_114 = arith.constant 0 : i32
        %dma_start3A_115 = arith.constant 0 : i32
        %dma_start3A_116 = tpu.memref_slice %arg3[%dma_start3A_114, %dma_start3A_115] : memref<100000x128xi32, #tpu.memory_space<hbm>> -> memref<100000x128xi32, #tpu.memory_space<hbm>>
        tpu.enqueue_indirect_dma source(%dma_start3A_116 : memref<100000x128xi32, #tpu.memory_space<hbm>>) target(%arg7 : memref<128x128xi32, #tpu.memory_space<vmem>>) offsets(%arg5 : memref<128xi32, #tpu.memory_space<vmem>>) semaphore(%arg9 : memref<!tpu.dma_semaphore, #tpu.memory_space<semaphore_mem>>)
      } else {
      }
      %dma_wait3A_63 = arith.constant 0 : i32
      %dma_wait3A_64 = arith.constant 0 : i32
      %dma_wait3A_65 = tpu.memref_slice %arg3[%dma_wait3A_63, %dma_wait3A_64] : memref<100000x128xi32, #tpu.memory_space<hbm>> -> memref<100000x128xi32, #tpu.memory_space<hbm>>
      tpu.wait_indirect_dma semaphore(%arg10 : memref<!tpu.dma_semaphore, #tpu.memory_space<semaphore_mem>>) src(%dma_wait3A_65 : memref<100000x128xi32, #tpu.memory_space<hbm>>) dst(%arg8 : memref<128x128xi32, #tpu.memory_space<vmem>>)
      %add3A_66 = arith.constant 1 : i32
      %add3A_67 = arith.addi %add3A_18, %add3A_66 : i32
      %jit3A_68 = arith.constant 32 : i32
      %div3A_69 = arith.divsi %add3A_67, %jit3A_68 : i32
      %sign3A_70 = arith.constant 0 : i32
      %sign3A_71 = arith.cmpi sgt, %add3A_67, %sign3A_70 : i32
      %sign3A_72 = arith.extui %sign3A_71 : i1 to i32
      %sign3A_73 = arith.constant 0 : i32
      %sign3A_74 = arith.cmpi slt, %add3A_67, %sign3A_73 : i32
      %sign3A_75 = arith.extui %sign3A_74 : i1 to i32
      %sign3A_76 = arith.subi %sign3A_72, %sign3A_75 : i32
      %sign3A_77 = arith.constant 0 : i32
      %sign3A_78 = arith.cmpi sgt, %jit3A_68, %sign3A_77 : i32
      %sign3A_79 = arith.extui %sign3A_78 : i1 to i32
      %sign3A_80 = arith.constant 0 : i32
      %sign3A_81 = arith.cmpi slt, %jit3A_68, %sign3A_80 : i32
      %sign3A_82 = arith.extui %sign3A_81 : i1 to i32
      %sign3A_83 = arith.subi %sign3A_79, %sign3A_82 : i32
      %ne3A_84 = arith.cmpi ne, %sign3A_76, %sign3A_83 : i32
      %rem3A_85 = arith.remsi %add3A_67, %jit3A_68 : i32
      %ne3A_86 = arith.constant 0 : i32
      %ne3A_87 = arith.cmpi ne, %rem3A_85, %ne3A_86 : i32
      %and3A_88 = arith.andi %ne3A_84, %ne3A_87 : i1
      %sub3A_89 = arith.constant 1 : i32
      %sub3A_90 = arith.subi %div3A_69, %sub3A_89 : i32
      %select_n3A_91 = arith.select %and3A_88, %sub3A_90, %div3A_69 : i32
      %jit3A_92 = arith.constant 32 : i32
      %eq3A_93 = arith.constant 0 : i32
      %eq3A_94 = arith.cmpi eq, %jit3A_92, %eq3A_93 : i32
      %jit3A_95 = arith.constant 1 : i32
      %select_n3A_96 = arith.select %eq3A_94, %jit3A_95, %jit3A_92 : i32
      %rem3A_97 = arith.remsi %add3A_67, %select_n3A_96 : i32
      %ne3A_98 = arith.constant 0 : i32
      %ne3A_99 = arith.cmpi ne, %rem3A_97, %ne3A_98 : i32
      %lt3A_100 = arith.constant 0 : i32
      %lt3A_101 = arith.cmpi slt, %rem3A_97, %lt3A_100 : i32
      %lt3A_102 = arith.constant 0 : i32
      %lt3A_103 = arith.cmpi slt, %select_n3A_96, %lt3A_102 : i32
      %ne3A_104 = arith.xori %lt3A_101, %lt3A_103 : i1
      %and3A_105 = arith.andi %ne3A_104, %ne3A_99 : i1
      %add3A_106 = arith.addi %rem3A_97, %select_n3A_96 : i32
      %select_n3A_107 = arith.select %and3A_105, %add3A_106, %rem3A_97 : i32
      %mul3A_108 = arith.constant 128 : i32
      %mul3A_109 = arith.muli %select_n3A_107, %mul3A_108 : i32
      "tpu.region"() ({
        %run_scoped3A = tpu.sem_alloc : memref<!tpu.dma_semaphore, #tpu.memory_space<semaphore_mem>>
        %dma_start3A_110 = arith.constant 0 : i32
        %dma_start3A_111 = arith.constant 0 : i32
        %dma_start3A_112 = tpu.memref_slice %arg4[%select_n3A_91, %dma_start3A_110, %dma_start3A_111] : memref<26x4096x128xi32, #tpu.memory_space<hbm>> -> memref<1x4096x128xi32, #tpu.memory_space<hbm>>
        %dma_start3A_113 = tpu.memref_squeeze %dma_start3A_112 : memref<1x4096x128xi32, #tpu.memory_space<hbm>> -> memref<4096x128xi32, #tpu.memory_space<hbm>>
        %dma_start3A_114 = arith.constant 0 : i32
        %dma_start3A_115 = tpu.memref_slice %dma_start3A_113[%mul3A_109, %dma_start3A_114] : memref<4096x128xi32, #tpu.memory_space<hbm>> -> memref<128x128xi32, #tpu.memory_space<hbm>>
        %dma_start3A_116 = arith.constant 0 : i32
        %dma_start3A_117 = arith.constant 0 : i32
        %dma_start3A_118 = tpu.memref_slice %arg4[%select_n3A_91, %dma_start3A_116, %dma_start3A_117] : memref<26x4096x128xi32, #tpu.memory_space<hbm>> -> memref<1x4096x128xi32, #tpu.memory_space<hbm>>
        %dma_start3A_119 = tpu.memref_squeeze %dma_start3A_118 : memref<1x4096x128xi32, #tpu.memory_space<hbm>> -> memref<4096x128xi32, #tpu.memory_space<hbm>>
        %dma_start3A_120 = arith.constant 0 : i32
        %dma_start3A_121 = tpu.memref_slice %dma_start3A_119[%mul3A_109, %dma_start3A_120] : memref<4096x128xi32, #tpu.memory_space<hbm>> -> memref<128x128xi32, #tpu.memory_space<hbm>>
        tpu.enqueue_dma source(%arg8 : memref<128x128xi32, #tpu.memory_space<vmem>>) target(%dma_start3A_121 : memref<128x128xi32, #tpu.memory_space<hbm>>) target_semaphore(%run_scoped3A : memref<!tpu.dma_semaphore, #tpu.memory_space<semaphore_mem>>)
        %dma_wait3A_122 = arith.constant 0 : i32
        %dma_wait3A_123 = arith.constant 0 : i32
        %dma_wait3A_124 = tpu.memref_slice %arg4[%select_n3A_91, %dma_wait3A_122, %dma_wait3A_123] : memref<26x4096x128xi32, #tpu.memory_space<hbm>> -> memref<1x4096x128xi32, #tpu.memory_space<hbm>>
        %dma_wait3A_125 = tpu.memref_squeeze %dma_wait3A_124 : memref<1x4096x128xi32, #tpu.memory_space<hbm>> -> memref<4096x128xi32, #tpu.memory_space<hbm>>
        %dma_wait3A_126 = arith.constant 0 : i32
        %dma_wait3A_127 = tpu.memref_slice %dma_wait3A_125[%mul3A_109, %dma_wait3A_126] : memref<4096x128xi32, #tpu.memory_space<hbm>> -> memref<128x128xi32, #tpu.memory_space<hbm>>
        %dma_wait3A_128 = arith.constant 0 : i32
        %dma_wait3A_129 = arith.constant 0 : i32
        %dma_wait3A_130 = tpu.memref_slice %arg4[%select_n3A_91, %dma_wait3A_128, %dma_wait3A_129] : memref<26x4096x128xi32, #tpu.memory_space<hbm>> -> memref<1x4096x128xi32, #tpu.memory_space<hbm>>
        %dma_wait3A_131 = tpu.memref_squeeze %dma_wait3A_130 : memref<1x4096x128xi32, #tpu.memory_space<hbm>> -> memref<4096x128xi32, #tpu.memory_space<hbm>>
        %dma_wait3A_132 = arith.constant 0 : i32
        %dma_wait3A_133 = tpu.memref_slice %dma_wait3A_131[%mul3A_109, %dma_wait3A_132] : memref<4096x128xi32, #tpu.memory_space<hbm>> -> memref<128x128xi32, #tpu.memory_space<hbm>>
        tpu.wait_dma2 semaphore(%run_scoped3A : memref<!tpu.dma_semaphore, #tpu.memory_space<semaphore_mem>>) src(%arg8 : memref<128x128xi32, #tpu.memory_space<vmem>>) dst(%dma_wait3A_133 : memref<128x128xi32, #tpu.memory_space<hbm>>)
        tpu.yield
      }) : () -> ()
    }
    %scan3A_10 = arith.constant 13 : i32
    return
  }
}

#map = affine_map<(d0, d1) -> (0)>
#map1 = affine_map<(d0, d1) -> (0, 0)>
#map2 = affine_map<(d0, d1) -> (0, 0, 0)>
module attributes {stable_mosaic.version = 14 : i64} {
  func.func @k(%arg0: i32, %arg1: i32, %arg2: memref<106496xi32, #tpu.memory_space<hbm>>, %arg3: memref<100000x128xi32, #tpu.memory_space<hbm>>, %arg4: memref<26x4096x128xi32, #tpu.memory_space<hbm>>, %arg5: memref<128xi32, #tpu.memory_space<vmem>>, %arg6: memref<128xi32, #tpu.memory_space<vmem>>, %arg7: memref<128x128xi32, #tpu.memory_space<vmem>>, %arg8: memref<128x128xi32, #tpu.memory_space<vmem>>, %arg9: memref<!tpu.dma_semaphore, #tpu.memory_space<semaphore_mem>>, %arg10: memref<!tpu.dma_semaphore, #tpu.memory_space<semaphore_mem>>) attributes {dimension_semantics = [#tpu.dimension_semantics<core_parallel>, #tpu.dimension_semantics<subcore_parallel>], iteration_bounds = array<i64: 2, 16>, scalar_prefetch = 0 : i64, scratch_operands = 6 : i64, tpu.core_type = #tpu.core_type<sc_vector_subcore>, window_params = [{transform_indices = #map}, {transform_indices = #map1}, {transform_indices = #map2}]} {
    %mul3A = arith.constant 2 : i32
    %mul3A_0 = arith.muli %arg1, %mul3A : i32
    %add3A = arith.addi %mul3A_0, %arg0 : i32
    %mul3A_1 = arith.constant 26 : i32
    %mul3A_2 = arith.muli %add3A, %mul3A_1 : i32
    %mul3A_3 = arith.constant 128 : i32
    %mul3A_4 = arith.muli %mul3A_2, %mul3A_3 : i32
    "tpu.region"() ({
      %run_scoped3A = tpu.sem_alloc : memref<!tpu.dma_semaphore, #tpu.memory_space<semaphore_mem>>
      %dma_start3A_11 = tpu.memref_slice %arg2[%mul3A_4] : memref<106496xi32, #tpu.memory_space<hbm>> -> memref<128xi32, #tpu.memory_space<hbm>>
      %dma_start3A_12 = tpu.memref_slice %arg2[%mul3A_4] : memref<106496xi32, #tpu.memory_space<hbm>> -> memref<128xi32, #tpu.memory_space<hbm>>
      tpu.enqueue_dma source(%dma_start3A_12 : memref<128xi32, #tpu.memory_space<hbm>>) target(%arg5 : memref<128xi32, #tpu.memory_space<vmem>>) target_semaphore(%run_scoped3A : memref<!tpu.dma_semaphore, #tpu.memory_space<semaphore_mem>>)
      %dma_wait3A = tpu.memref_slice %arg2[%mul3A_4] : memref<106496xi32, #tpu.memory_space<hbm>> -> memref<128xi32, #tpu.memory_space<hbm>>
      %dma_wait3A_13 = tpu.memref_slice %arg2[%mul3A_4] : memref<106496xi32, #tpu.memory_space<hbm>> -> memref<128xi32, #tpu.memory_space<hbm>>
      tpu.wait_dma2 semaphore(%run_scoped3A : memref<!tpu.dma_semaphore, #tpu.memory_space<semaphore_mem>>) src(%dma_wait3A_13 : memref<128xi32, #tpu.memory_space<hbm>>) dst(%arg5 : memref<128xi32, #tpu.memory_space<vmem>>)
      tpu.yield
    }) : () -> ()
    %dma_start3A = arith.constant 0 : i32
    %dma_start3A_5 = arith.constant 0 : i32
    %dma_start3A_6 = tpu.memref_slice %arg3[%dma_start3A, %dma_start3A_5] : memref<100000x128xi32, #tpu.memory_space<hbm>> -> memref<100000x128xi32, #tpu.memory_space<hbm>>
    tpu.enqueue_indirect_dma source(%dma_start3A_6 : memref<100000x128xi32, #tpu.memory_space<hbm>>) target(%arg7 : memref<128x128xi32, #tpu.memory_space<vmem>>) offsets(%arg5 : memref<128xi32, #tpu.memory_space<vmem>>) semaphore(%arg9 : memref<!tpu.dma_semaphore, #tpu.memory_space<semaphore_mem>>)
    %scan3A = arith.constant 0 : i32
    %scan3A_7 = arith.constant 13 : i32
    %scan3A_8 = arith.addi %scan3A, %scan3A_7 : i32
    %scan3A_9 = arith.constant 1 : i32
    scf.for %scan3A_11 = %scan3A to %scan3A_8 step %scan3A_9  : i32 {
      %mul3A_12 = arith.constant 1 : i32
      %mul3A_13 = arith.muli %scan3A_11, %mul3A_12 : i32
      %add3A_14 = arith.constant 0 : i32
      %add3A_15 = arith.addi %add3A_14, %mul3A_13 : i32
      %mul3A_16 = arith.constant 2 : i32
      %mul3A_17 = arith.muli %mul3A_16, %add3A_15 : i32
      %add3A_18 = arith.addi %mul3A_2, %mul3A_17 : i32
      %add3A_19 = arith.constant 1 : i32
      %add3A_20 = arith.addi %add3A_18, %add3A_19 : i32
      %mul3A_21 = arith.constant 128 : i32
      %mul3A_22 = arith.muli %add3A_20, %mul3A_21 : i32
      "tpu.region"() ({
        %run_scoped3A = tpu.sem_alloc : memref<!tpu.dma_semaphore, #tpu.memory_space<semaphore_mem>>
        %dma_start3A_110 = tpu.memref_slice %arg2[%mul3A_22] : memref<106496xi32, #tpu.memory_space<hbm>> -> memref<128xi32, #tpu.memory_space<hbm>>
        %dma_start3A_111 = tpu.memref_slice %arg2[%mul3A_22] : memref<106496xi32, #tpu.memory_space<hbm>> -> memref<128xi32, #tpu.memory_space<hbm>>
        tpu.enqueue_dma source(%dma_start3A_111 : memref<128xi32, #tpu.memory_space<hbm>>) target(%arg6 : memref<128xi32, #tpu.memory_space<vmem>>) target_semaphore(%run_scoped3A : memref<!tpu.dma_semaphore, #tpu.memory_space<semaphore_mem>>)
        %dma_wait3A_112 = tpu.memref_slice %arg2[%mul3A_22] : memref<106496xi32, #tpu.memory_space<hbm>> -> memref<128xi32, #tpu.memory_space<hbm>>
        %dma_wait3A_113 = tpu.memref_slice %arg2[%mul3A_22] : memref<106496xi32, #tpu.memory_space<hbm>> -> memref<128xi32, #tpu.memory_space<hbm>>
        tpu.wait_dma2 semaphore(%run_scoped3A : memref<!tpu.dma_semaphore, #tpu.memory_space<semaphore_mem>>) src(%dma_wait3A_113 : memref<128xi32, #tpu.memory_space<hbm>>) dst(%arg6 : memref<128xi32, #tpu.memory_space<vmem>>)
        tpu.yield
      }) : () -> ()
      %dma_start3A_23 = arith.constant 0 : i32
      %dma_start3A_24 = arith.constant 0 : i32
      %dma_start3A_25 = tpu.memref_slice %arg3[%dma_start3A_23, %dma_start3A_24] : memref<100000x128xi32, #tpu.memory_space<hbm>> -> memref<100000x128xi32, #tpu.memory_space<hbm>>
      tpu.enqueue_indirect_dma source(%dma_start3A_25 : memref<100000x128xi32, #tpu.memory_space<hbm>>) target(%arg8 : memref<128x128xi32, #tpu.memory_space<vmem>>) offsets(%arg6 : memref<128xi32, #tpu.memory_space<vmem>>) semaphore(%arg10 : memref<!tpu.dma_semaphore, #tpu.memory_space<semaphore_mem>>)
      %dma_wait3A = arith.constant 0 : i32
      %dma_wait3A_26 = arith.constant 0 : i32
      %dma_wait3A_27 = tpu.memref_slice %arg3[%dma_wait3A, %dma_wait3A_26] : memref<100000x128xi32, #tpu.memory_space<hbm>> -> memref<100000x128xi32, #tpu.memory_space<hbm>>
      tpu.wait_indirect_dma semaphore(%arg9 : memref<!tpu.dma_semaphore, #tpu.memory_space<semaphore_mem>>) src(%dma_wait3A_27 : memref<100000x128xi32, #tpu.memory_space<hbm>>) dst(%arg7 : memref<128x128xi32, #tpu.memory_space<vmem>>)
      %jit3A = arith.constant 32 : i32
      %div3A = arith.divsi %add3A_18, %jit3A : i32
      %sign3A = arith.constant 0 : i32
      %sign3A_28 = arith.cmpi sgt, %add3A_18, %sign3A : i32
      %sign3A_29 = arith.extui %sign3A_28 : i1 to i32
      %sign3A_30 = arith.constant 0 : i32
      %sign3A_31 = arith.cmpi slt, %add3A_18, %sign3A_30 : i32
      %sign3A_32 = arith.extui %sign3A_31 : i1 to i32
      %sign3A_33 = arith.subi %sign3A_29, %sign3A_32 : i32
      %sign3A_34 = arith.constant 0 : i32
      %sign3A_35 = arith.cmpi sgt, %jit3A, %sign3A_34 : i32
      %sign3A_36 = arith.extui %sign3A_35 : i1 to i32
      %sign3A_37 = arith.constant 0 : i32
      %sign3A_38 = arith.cmpi slt, %jit3A, %sign3A_37 : i32
      %sign3A_39 = arith.extui %sign3A_38 : i1 to i32
      %sign3A_40 = arith.subi %sign3A_36, %sign3A_39 : i32
      %ne3A = arith.cmpi ne, %sign3A_33, %sign3A_40 : i32
      %rem3A = arith.remsi %add3A_18, %jit3A : i32
      %ne3A_41 = arith.constant 0 : i32
      %ne3A_42 = arith.cmpi ne, %rem3A, %ne3A_41 : i32
      %and3A = arith.andi %ne3A, %ne3A_42 : i1
      %sub3A = arith.constant 1 : i32
      %sub3A_43 = arith.subi %div3A, %sub3A : i32
      %select_n3A = arith.select %and3A, %sub3A_43, %div3A : i32
      %jit3A_44 = arith.constant 32 : i32
      %eq3A = arith.constant 0 : i32
      %eq3A_45 = arith.cmpi eq, %jit3A_44, %eq3A : i32
      %jit3A_46 = arith.constant 1 : i32
      %select_n3A_47 = arith.select %eq3A_45, %jit3A_46, %jit3A_44 : i32
      %rem3A_48 = arith.remsi %add3A_18, %select_n3A_47 : i32
      %ne3A_49 = arith.constant 0 : i32
      %ne3A_50 = arith.cmpi ne, %rem3A_48, %ne3A_49 : i32
      %lt3A = arith.constant 0 : i32
      %lt3A_51 = arith.cmpi slt, %rem3A_48, %lt3A : i32
      %lt3A_52 = arith.constant 0 : i32
      %lt3A_53 = arith.cmpi slt, %select_n3A_47, %lt3A_52 : i32
      %ne3A_54 = arith.xori %lt3A_51, %lt3A_53 : i1
      %and3A_55 = arith.andi %ne3A_54, %ne3A_50 : i1
      %add3A_56 = arith.addi %rem3A_48, %select_n3A_47 : i32
      %select_n3A_57 = arith.select %and3A_55, %add3A_56, %rem3A_48 : i32
      %mul3A_58 = arith.constant 128 : i32
      %mul3A_59 = arith.muli %select_n3A_57, %mul3A_58 : i32
      "tpu.region"() ({
        %run_scoped3A = tpu.sem_alloc : memref<!tpu.dma_semaphore, #tpu.memory_space<semaphore_mem>>
        %dma_start3A_110 = arith.constant 0 : i32
        %dma_start3A_111 = arith.constant 0 : i32
        %dma_start3A_112 = tpu.memref_slice %arg4[%select_n3A, %dma_start3A_110, %dma_start3A_111] : memref<26x4096x128xi32, #tpu.memory_space<hbm>> -> memref<1x4096x128xi32, #tpu.memory_space<hbm>>
        %dma_start3A_113 = tpu.memref_squeeze %dma_start3A_112 : memref<1x4096x128xi32, #tpu.memory_space<hbm>> -> memref<4096x128xi32, #tpu.memory_space<hbm>>
        %dma_start3A_114 = arith.constant 0 : i32
        %dma_start3A_115 = tpu.memref_slice %dma_start3A_113[%mul3A_59, %dma_start3A_114] : memref<4096x128xi32, #tpu.memory_space<hbm>> -> memref<128x128xi32, #tpu.memory_space<hbm>>
        %dma_start3A_116 = arith.constant 0 : i32
        %dma_start3A_117 = arith.constant 0 : i32
        %dma_start3A_118 = tpu.memref_slice %arg4[%select_n3A, %dma_start3A_116, %dma_start3A_117] : memref<26x4096x128xi32, #tpu.memory_space<hbm>> -> memref<1x4096x128xi32, #tpu.memory_space<hbm>>
        %dma_start3A_119 = tpu.memref_squeeze %dma_start3A_118 : memref<1x4096x128xi32, #tpu.memory_space<hbm>> -> memref<4096x128xi32, #tpu.memory_space<hbm>>
        %dma_start3A_120 = arith.constant 0 : i32
        %dma_start3A_121 = tpu.memref_slice %dma_start3A_119[%mul3A_59, %dma_start3A_120] : memref<4096x128xi32, #tpu.memory_space<hbm>> -> memref<128x128xi32, #tpu.memory_space<hbm>>
        tpu.enqueue_dma source(%arg7 : memref<128x128xi32, #tpu.memory_space<vmem>>) target(%dma_start3A_121 : memref<128x128xi32, #tpu.memory_space<hbm>>) target_semaphore(%run_scoped3A : memref<!tpu.dma_semaphore, #tpu.memory_space<semaphore_mem>>)
        %dma_wait3A_122 = arith.constant 0 : i32
        %dma_wait3A_123 = arith.constant 0 : i32
        %dma_wait3A_124 = tpu.memref_slice %arg4[%select_n3A, %dma_wait3A_122, %dma_wait3A_123] : memref<26x4096x128xi32, #tpu.memory_space<hbm>> -> memref<1x4096x128xi32, #tpu.memory_space<hbm>>
        %dma_wait3A_125 = tpu.memref_squeeze %dma_wait3A_124 : memref<1x4096x128xi32, #tpu.memory_space<hbm>> -> memref<4096x128xi32, #tpu.memory_space<hbm>>
        %dma_wait3A_126 = arith.constant 0 : i32
        %dma_wait3A_127 = tpu.memref_slice %dma_wait3A_125[%mul3A_59, %dma_wait3A_126] : memref<4096x128xi32, #tpu.memory_space<hbm>> -> memref<128x128xi32, #tpu.memory_space<hbm>>
        %dma_wait3A_128 = arith.constant 0 : i32
        %dma_wait3A_129 = arith.constant 0 : i32
        %dma_wait3A_130 = tpu.memref_slice %arg4[%select_n3A, %dma_wait3A_128, %dma_wait3A_129] : memref<26x4096x128xi32, #tpu.memory_space<hbm>> -> memref<1x4096x128xi32, #tpu.memory_space<hbm>>
        %dma_wait3A_131 = tpu.memref_squeeze %dma_wait3A_130 : memref<1x4096x128xi32, #tpu.memory_space<hbm>> -> memref<4096x128xi32, #tpu.memory_space<hbm>>
        %dma_wait3A_132 = arith.constant 0 : i32
        %dma_wait3A_133 = tpu.memref_slice %dma_wait3A_131[%mul3A_59, %dma_wait3A_132] : memref<4096x128xi32, #tpu.memory_space<hbm>> -> memref<128x128xi32, #tpu.memory_space<hbm>>
        tpu.wait_dma2 semaphore(%run_scoped3A : memref<!tpu.dma_semaphore, #tpu.memory_space<semaphore_mem>>) src(%arg7 : memref<128x128xi32, #tpu.memory_space<vmem>>) dst(%dma_wait3A_133 : memref<128x128xi32, #tpu.memory_space<hbm>>)
        tpu.yield
      }) : () -> ()
      %lt3A_60 = arith.constant 12 : i32
      %lt3A_61 = arith.cmpi slt, %add3A_15, %lt3A_60 : i32
      %convert_element_type3A = arith.extui %lt3A_61 : i1 to i32
      %cond3A = arith.constant 0 : i32
      %cond3A_62 = arith.cmpi ne, %convert_element_type3A, %cond3A : i32
      scf.if %cond3A_62 {
        %add3A_110 = arith.constant 2 : i32
        %add3A_111 = arith.addi %add3A_18, %add3A_110 : i32
        %mul3A_112 = arith.constant 128 : i32
        %mul3A_113 = arith.muli %add3A_111, %mul3A_112 : i32
        "tpu.region"() ({
          %run_scoped3A = tpu.sem_alloc : memref<!tpu.dma_semaphore, #tpu.memory_space<semaphore_mem>>
          %dma_start3A_117 = tpu.memref_slice %arg2[%mul3A_113] : memref<106496xi32, #tpu.memory_space<hbm>> -> memref<128xi32, #tpu.memory_space<hbm>>
          %dma_start3A_118 = tpu.memref_slice %arg2[%mul3A_113] : memref<106496xi32, #tpu.memory_space<hbm>> -> memref<128xi32, #tpu.memory_space<hbm>>
          tpu.enqueue_dma source(%dma_start3A_118 : memref<128xi32, #tpu.memory_space<hbm>>) target(%arg5 : memref<128xi32, #tpu.memory_space<vmem>>) target_semaphore(%run_scoped3A : memref<!tpu.dma_semaphore, #tpu.memory_space<semaphore_mem>>)
          %dma_wait3A_119 = tpu.memref_slice %arg2[%mul3A_113] : memref<106496xi32, #tpu.memory_space<hbm>> -> memref<128xi32, #tpu.memory_space<hbm>>
          %dma_wait3A_120 = tpu.memref_slice %arg2[%mul3A_113] : memref<106496xi32, #tpu.memory_space<hbm>> -> memref<128xi32, #tpu.memory_space<hbm>>
          tpu.wait_dma2 semaphore(%run_scoped3A : memref<!tpu.dma_semaphore, #tpu.memory_space<semaphore_mem>>) src(%dma_wait3A_120 : memref<128xi32, #tpu.memory_space<hbm>>) dst(%arg5 : memref<128xi32, #tpu.memory_space<vmem>>)
          tpu.yield
        }) : () -> ()
        %dma_start3A_114 = arith.constant 0 : i32
        %dma_start3A_115 = arith.constant 0 : i32
        %dma_start3A_116 = tpu.memref_slice %arg3[%dma_start3A_114, %dma_start3A_115] : memref<100000x128xi32, #tpu.memory_space<hbm>> -> memref<100000x128xi32, #tpu.memory_space<hbm>>
        tpu.enqueue_indirect_dma source(%dma_start3A_116 : memref<100000x128xi32, #tpu.memory_space<hbm>>) target(%arg7 : memref<128x128xi32, #tpu.memory_space<vmem>>) offsets(%arg5 : memref<128xi32, #tpu.memory_space<vmem>>) semaphore(%arg9 : memref<!tpu.dma_semaphore, #tpu.memory_space<semaphore_mem>>)
      } else {
      }
      %dma_wait3A_63 = arith.constant 0 : i32
      %dma_wait3A_64 = arith.constant 0 : i32
      %dma_wait3A_65 = tpu.memref_slice %arg3[%dma_wait3A_63, %dma_wait3A_64] : memref<100000x128xi32, #tpu.memory_space<hbm>> -> memref<100000x128xi32, #tpu.memory_space<hbm>>
      tpu.wait_indirect_dma semaphore(%arg10 : memref<!tpu.dma_semaphore, #tpu.memory_space<semaphore_mem>>) src(%dma_wait3A_65 : memref<100000x128xi32, #tpu.memory_space<hbm>>) dst(%arg8 : memref<128x128xi32, #tpu.memory_space<vmem>>)
      %add3A_66 = arith.constant 1 : i32
      %add3A_67 = arith.addi %add3A_18, %add3A_66 : i32
      %jit3A_68 = arith.constant 32 : i32
      %div3A_69 = arith.divsi %add3A_67, %jit3A_68 : i32
      %sign3A_70 = arith.constant 0 : i32
      %sign3A_71 = arith.cmpi sgt, %add3A_67, %sign3A_70 : i32
      %sign3A_72 = arith.extui %sign3A_71 : i1 to i32
      %sign3A_73 = arith.constant 0 : i32
      %sign3A_74 = arith.cmpi slt, %add3A_67, %sign3A_73 : i32
      %sign3A_75 = arith.extui %sign3A_74 : i1 to i32
      %sign3A_76 = arith.subi %sign3A_72, %sign3A_75 : i32
      %sign3A_77 = arith.constant 0 : i32
      %sign3A_78 = arith.cmpi sgt, %jit3A_68, %sign3A_77 : i32
      %sign3A_79 = arith.extui %sign3A_78 : i1 to i32
      %sign3A_80 = arith.constant 0 : i32
      %sign3A_81 = arith.cmpi slt, %jit3A_68, %sign3A_80 : i32
      %sign3A_82 = arith.extui %sign3A_81 : i1 to i32
      %sign3A_83 = arith.subi %sign3A_79, %sign3A_82 : i32
      %ne3A_84 = arith.cmpi ne, %sign3A_76, %sign3A_83 : i32
      %rem3A_85 = arith.remsi %add3A_67, %jit3A_68 : i32
      %ne3A_86 = arith.constant 0 : i32
      %ne3A_87 = arith.cmpi ne, %rem3A_85, %ne3A_86 : i32
      %and3A_88 = arith.andi %ne3A_84, %ne3A_87 : i1
      %sub3A_89 = arith.constant 1 : i32
      %sub3A_90 = arith.subi %div3A_69, %sub3A_89 : i32
      %select_n3A_91 = arith.select %and3A_88, %sub3A_90, %div3A_69 : i32
      %jit3A_92 = arith.constant 32 : i32
      %eq3A_93 = arith.constant 0 : i32
      %eq3A_94 = arith.cmpi eq, %jit3A_92, %eq3A_93 : i32
      %jit3A_95 = arith.constant 1 : i32
      %select_n3A_96 = arith.select %eq3A_94, %jit3A_95, %jit3A_92 : i32
      %rem3A_97 = arith.remsi %add3A_67, %select_n3A_96 : i32
      %ne3A_98 = arith.constant 0 : i32
      %ne3A_99 = arith.cmpi ne, %rem3A_97, %ne3A_98 : i32
      %lt3A_100 = arith.constant 0 : i32
      %lt3A_101 = arith.cmpi slt, %rem3A_97, %lt3A_100 : i32
      %lt3A_102 = arith.constant 0 : i32
      %lt3A_103 = arith.cmpi slt, %select_n3A_96, %lt3A_102 : i32
      %ne3A_104 = arith.xori %lt3A_101, %lt3A_103 : i1
      %and3A_105 = arith.andi %ne3A_104, %ne3A_99 : i1
      %add3A_106 = arith.addi %rem3A_97, %select_n3A_96 : i32
      %select_n3A_107 = arith.select %and3A_105, %add3A_106, %rem3A_97 : i32
      %mul3A_108 = arith.constant 128 : i32
      %mul3A_109 = arith.muli %select_n3A_107, %mul3A_108 : i32
      "tpu.region"() ({
        %run_scoped3A = tpu.sem_alloc : memref<!tpu.dma_semaphore, #tpu.memory_space<semaphore_mem>>
        %dma_start3A_110 = arith.constant 0 : i32
        %dma_start3A_111 = arith.constant 0 : i32
        %dma_start3A_112 = tpu.memref_slice %arg4[%select_n3A_91, %dma_start3A_110, %dma_start3A_111] : memref<26x4096x128xi32, #tpu.memory_space<hbm>> -> memref<1x4096x128xi32, #tpu.memory_space<hbm>>
        %dma_start3A_113 = tpu.memref_squeeze %dma_start3A_112 : memref<1x4096x128xi32, #tpu.memory_space<hbm>> -> memref<4096x128xi32, #tpu.memory_space<hbm>>
        %dma_start3A_114 = arith.constant 0 : i32
        %dma_start3A_115 = tpu.memref_slice %dma_start3A_113[%mul3A_109, %dma_start3A_114] : memref<4096x128xi32, #tpu.memory_space<hbm>> -> memref<128x128xi32, #tpu.memory_space<hbm>>
        %dma_start3A_116 = arith.constant 0 : i32
        %dma_start3A_117 = arith.constant 0 : i32
        %dma_start3A_118 = tpu.memref_slice %arg4[%select_n3A_91, %dma_start3A_116, %dma_start3A_117] : memref<26x4096x128xi32, #tpu.memory_space<hbm>> -> memref<1x4096x128xi32, #tpu.memory_space<hbm>>
        %dma_start3A_119 = tpu.memref_squeeze %dma_start3A_118 : memref<1x4096x128xi32, #tpu.memory_space<hbm>> -> memref<4096x128xi32, #tpu.memory_space<hbm>>
        %dma_start3A_120 = arith.constant 0 : i32
        %dma_start3A_121 = tpu.memref_slice %dma_start3A_119[%mul3A_109, %dma_start3A_120] : memref<4096x128xi32, #tpu.memory_space<hbm>> -> memref<128x128xi32, #tpu.memory_space<hbm>>
        tpu.enqueue_dma source(%arg8 : memref<128x128xi32, #tpu.memory_space<vmem>>) target(%dma_start3A_121 : memref<128x128xi32, #tpu.memory_space<hbm>>) target_semaphore(%run_scoped3A : memref<!tpu.dma_semaphore, #tpu.memory_space<semaphore_mem>>)
        %dma_wait3A_122 = arith.constant 0 : i32
        %dma_wait3A_123 = arith.constant 0 : i32
        %dma_wait3A_124 = tpu.memref_slice %arg4[%select_n3A_91, %dma_wait3A_122, %dma_wait3A_123] : memref<26x4096x128xi32, #tpu.memory_space<hbm>> -> memref<1x4096x128xi32, #tpu.memory_space<hbm>>
        %dma_wait3A_125 = tpu.memref_squeeze %dma_wait3A_124 : memref<1x4096x128xi32, #tpu.memory_space<hbm>> -> memref<4096x128xi32, #tpu.memory_space<hbm>>
        %dma_wait3A_126 = arith.constant 0 : i32
        %dma_wait3A_127 = tpu.memref_slice %dma_wait3A_125[%mul3A_109, %dma_wait3A_126] : memref<4096x128xi32, #tpu.memory_space<hbm>> -> memref<128x128xi32, #tpu.memory_space<hbm>>
        %dma_wait3A_128 = arith.constant 0 : i32
        %dma_wait3A_129 = arith.constant 0 : i32
        %dma_wait3A_130 = tpu.memref_slice %arg4[%select_n3A_91, %dma_wait3A_128, %dma_wait3A_129] : memref<26x4096x128xi32, #tpu.memory_space<hbm>> -> memref<1x4096x128xi32, #tpu.memory_space<hbm>>
        %dma_wait3A_131 = tpu.memref_squeeze %dma_wait3A_130 : memref<1x4096x128xi32, #tpu.memory_space<hbm>> -> memref<4096x128xi32, #tpu.memory_space<hbm>>
        %dma_wait3A_132 = arith.constant 0 : i32
        %dma_wait3A_133 = tpu.memref_slice %dma_wait3A_131[%mul3A_109, %dma_wait3A_132] : memref<4096x128xi32, #tpu.memory_space<hbm>> -> memref<128x128xi32, #tpu.memory_space<hbm>>
        tpu.wait_dma2 semaphore(%run_scoped3A : memref<!tpu.dma_semaphore, #tpu.memory_space<semaphore_mem>>) src(%arg8 : memref<128x128xi32, #tpu.memory_space<vmem>>) dst(%dma_wait3A_133 : memref<128x128xi32, #tpu.memory_space<hbm>>)
        tpu.yield
      }) : () -> ()
    }
    %scan3A_10 = arith.constant 13 : i32
    return
  }
}

module attributes {stable_mosaic.version = 14 : i64} {
  func.func @_dense_body(%arg0: i32, %arg1: memref<26x1024x128xi32, #tpu.memory_space<vmem>>, %arg2: memref<3328x256xbf16, #tpu.memory_space<vmem>>, %arg3: memref<1x256xf32, #tpu.memory_space<vmem>>, %arg4: memref<256x128xbf16, #tpu.memory_space<vmem>>, %arg5: memref<1x128xf32, #tpu.memory_space<vmem>>, %arg6: memref<128x64xbf16, #tpu.memory_space<vmem>>, %arg7: memref<1x64xf32, #tpu.memory_space<vmem>>, %arg8: memref<2x64x64xbf16, #tpu.memory_space<vmem>>, %arg9: memref<2x64xf32, #tpu.memory_space<vmem>>, %arg10: memref<2x64xf32, #tpu.memory_space<vmem>>, %arg11: memref<2x1xf32, #tpu.memory_space<vmem>>, %arg12: memref<1024x2xf32, #tpu.memory_space<vmem>>) attributes {dimension_semantics = [#tpu.dimension_semantics<arbitrary>], iteration_bounds = array<i64: 4>, scalar_prefetch = 0 : i64, scratch_operands = 0 : i64, tpu.core_type = #tpu.core_type<tc>, window_params = [{transform_indices = @transform_0, window_bounds = array<i64: 26, 1024, 128>}, {pipeline_mode = #tpu.pipeline_mode<synchronous>, transform_indices = @transform_1, window_bounds = array<i64: 3328, 256>}, {pipeline_mode = #tpu.pipeline_mode<synchronous>, transform_indices = @transform_2, window_bounds = array<i64: 1, 256>}, {pipeline_mode = #tpu.pipeline_mode<synchronous>, transform_indices = @transform_3, window_bounds = array<i64: 256, 128>}, {pipeline_mode = #tpu.pipeline_mode<synchronous>, transform_indices = @transform_4, window_bounds = array<i64: 1, 128>}, {pipeline_mode = #tpu.pipeline_mode<synchronous>, transform_indices = @transform_5, window_bounds = array<i64: 128, 64>}, {pipeline_mode = #tpu.pipeline_mode<synchronous>, transform_indices = @transform_6, window_bounds = array<i64: 1, 64>}, {pipeline_mode = #tpu.pipeline_mode<synchronous>, transform_indices = @transform_7, window_bounds = array<i64: 2, 64, 64>}, {pipeline_mode = #tpu.pipeline_mode<synchronous>, transform_indices = @transform_8, window_bounds = array<i64: 2, 64>}, {pipeline_mode = #tpu.pipeline_mode<synchronous>, transform_indices = @transform_9, window_bounds = array<i64: 2, 64>}, {pipeline_mode = #tpu.pipeline_mode<synchronous>, transform_indices = @transform_10, window_bounds = array<i64: 2, 1>}, {transform_indices = @transform_11, window_bounds = array<i64: 1024, 2>}]} {
    %get3A = arith.constant 0 : index
    %get3A_0 = arith.constant 0 : index
    %get3A_1 = arith.constant 0 : index
    %get3A_2 = vector.load %arg1[%get3A, %get3A_0, %get3A_1] : memref<26x1024x128xi32, #tpu.memory_space<vmem>>, vector<1x1024x128xi32>
    %get3A_3 = vector.shape_cast %get3A_2 : vector<1x1024x128xi32> to vector<1024x128xi32>
    %get3A_4 = arith.constant 1 : index
    %get3A_5 = arith.constant 0 : index
    %get3A_6 = arith.constant 0 : index
    %get3A_7 = vector.load %arg1[%get3A_4, %get3A_5, %get3A_6] : memref<26x1024x128xi32, #tpu.memory_space<vmem>>, vector<1x1024x128xi32>
    %get3A_8 = vector.shape_cast %get3A_7 : vector<1x1024x128xi32> to vector<1024x128xi32>
    %get3A_9 = arith.constant 2 : index
    %get3A_10 = arith.constant 0 : index
    %get3A_11 = arith.constant 0 : index
    %get3A_12 = vector.load %arg1[%get3A_9, %get3A_10, %get3A_11] : memref<26x1024x128xi32, #tpu.memory_space<vmem>>, vector<1x1024x128xi32>
    %get3A_13 = vector.shape_cast %get3A_12 : vector<1x1024x128xi32> to vector<1024x128xi32>
    %get3A_14 = arith.constant 3 : index
    %get3A_15 = arith.constant 0 : index
    %get3A_16 = arith.constant 0 : index
    %get3A_17 = vector.load %arg1[%get3A_14, %get3A_15, %get3A_16] : memref<26x1024x128xi32, #tpu.memory_space<vmem>>, vector<1x1024x128xi32>
    %get3A_18 = vector.shape_cast %get3A_17 : vector<1x1024x128xi32> to vector<1024x128xi32>
    %get3A_19 = arith.constant 4 : index
    %get3A_20 = arith.constant 0 : index
    %get3A_21 = arith.constant 0 : index
    %get3A_22 = vector.load %arg1[%get3A_19, %get3A_20, %get3A_21] : memref<26x1024x128xi32, #tpu.memory_space<vmem>>, vector<1x1024x128xi32>
    %get3A_23 = vector.shape_cast %get3A_22 : vector<1x1024x128xi32> to vector<1024x128xi32>
    %get3A_24 = arith.constant 5 : index
    %get3A_25 = arith.constant 0 : index
    %get3A_26 = arith.constant 0 : index
    %get3A_27 = vector.load %arg1[%get3A_24, %get3A_25, %get3A_26] : memref<26x1024x128xi32, #tpu.memory_space<vmem>>, vector<1x1024x128xi32>
    %get3A_28 = vector.shape_cast %get3A_27 : vector<1x1024x128xi32> to vector<1024x128xi32>
    %get3A_29 = arith.constant 6 : index
    %get3A_30 = arith.constant 0 : index
    %get3A_31 = arith.constant 0 : index
    %get3A_32 = vector.load %arg1[%get3A_29, %get3A_30, %get3A_31] : memref<26x1024x128xi32, #tpu.memory_space<vmem>>, vector<1x1024x128xi32>
    %get3A_33 = vector.shape_cast %get3A_32 : vector<1x1024x128xi32> to vector<1024x128xi32>
    %get3A_34 = arith.constant 7 : index
    %get3A_35 = arith.constant 0 : index
    %get3A_36 = arith.constant 0 : index
    %get3A_37 = vector.load %arg1[%get3A_34, %get3A_35, %get3A_36] : memref<26x1024x128xi32, #tpu.memory_space<vmem>>, vector<1x1024x128xi32>
    %get3A_38 = vector.shape_cast %get3A_37 : vector<1x1024x128xi32> to vector<1024x128xi32>
    %get3A_39 = arith.constant 8 : index
    %get3A_40 = arith.constant 0 : index
    %get3A_41 = arith.constant 0 : index
    %get3A_42 = vector.load %arg1[%get3A_39, %get3A_40, %get3A_41] : memref<26x1024x128xi32, #tpu.memory_space<vmem>>, vector<1x1024x128xi32>
    %get3A_43 = vector.shape_cast %get3A_42 : vector<1x1024x128xi32> to vector<1024x128xi32>
    %get3A_44 = arith.constant 9 : index
    %get3A_45 = arith.constant 0 : index
    %get3A_46 = arith.constant 0 : index
    %get3A_47 = vector.load %arg1[%get3A_44, %get3A_45, %get3A_46] : memref<26x1024x128xi32, #tpu.memory_space<vmem>>, vector<1x1024x128xi32>
    %get3A_48 = vector.shape_cast %get3A_47 : vector<1x1024x128xi32> to vector<1024x128xi32>
    %get3A_49 = arith.constant 10 : index
    %get3A_50 = arith.constant 0 : index
    %get3A_51 = arith.constant 0 : index
    %get3A_52 = vector.load %arg1[%get3A_49, %get3A_50, %get3A_51] : memref<26x1024x128xi32, #tpu.memory_space<vmem>>, vector<1x1024x128xi32>
    %get3A_53 = vector.shape_cast %get3A_52 : vector<1x1024x128xi32> to vector<1024x128xi32>
    %get3A_54 = arith.constant 11 : index
    %get3A_55 = arith.constant 0 : index
    %get3A_56 = arith.constant 0 : index
    %get3A_57 = vector.load %arg1[%get3A_54, %get3A_55, %get3A_56] : memref<26x1024x128xi32, #tpu.memory_space<vmem>>, vector<1x1024x128xi32>
    %get3A_58 = vector.shape_cast %get3A_57 : vector<1x1024x128xi32> to vector<1024x128xi32>
    %get3A_59 = arith.constant 12 : index
    %get3A_60 = arith.constant 0 : index
    %get3A_61 = arith.constant 0 : index
    %get3A_62 = vector.load %arg1[%get3A_59, %get3A_60, %get3A_61] : memref<26x1024x128xi32, #tpu.memory_space<vmem>>, vector<1x1024x128xi32>
    %get3A_63 = vector.shape_cast %get3A_62 : vector<1x1024x128xi32> to vector<1024x128xi32>
    %get3A_64 = arith.constant 13 : index
    %get3A_65 = arith.constant 0 : index
    %get3A_66 = arith.constant 0 : index
    %get3A_67 = vector.load %arg1[%get3A_64, %get3A_65, %get3A_66] : memref<26x1024x128xi32, #tpu.memory_space<vmem>>, vector<1x1024x128xi32>
    %get3A_68 = vector.shape_cast %get3A_67 : vector<1x1024x128xi32> to vector<1024x128xi32>
    %get3A_69 = arith.constant 14 : index
    %get3A_70 = arith.constant 0 : index
    %get3A_71 = arith.constant 0 : index
    %get3A_72 = vector.load %arg1[%get3A_69, %get3A_70, %get3A_71] : memref<26x1024x128xi32, #tpu.memory_space<vmem>>, vector<1x1024x128xi32>
    %get3A_73 = vector.shape_cast %get3A_72 : vector<1x1024x128xi32> to vector<1024x128xi32>
    %get3A_74 = arith.constant 15 : index
    %get3A_75 = arith.constant 0 : index
    %get3A_76 = arith.constant 0 : index
    %get3A_77 = vector.load %arg1[%get3A_74, %get3A_75, %get3A_76] : memref<26x1024x128xi32, #tpu.memory_space<vmem>>, vector<1x1024x128xi32>
    %get3A_78 = vector.shape_cast %get3A_77 : vector<1x1024x128xi32> to vector<1024x128xi32>
    %get3A_79 = arith.constant 16 : index
    %get3A_80 = arith.constant 0 : index
    %get3A_81 = arith.constant 0 : index
    %get3A_82 = vector.load %arg1[%get3A_79, %get3A_80, %get3A_81] : memref<26x1024x128xi32, #tpu.memory_space<vmem>>, vector<1x1024x128xi32>
    %get3A_83 = vector.shape_cast %get3A_82 : vector<1x1024x128xi32> to vector<1024x128xi32>
    %get3A_84 = arith.constant 17 : index
    %get3A_85 = arith.constant 0 : index
    %get3A_86 = arith.constant 0 : index
    %get3A_87 = vector.load %arg1[%get3A_84, %get3A_85, %get3A_86] : memref<26x1024x128xi32, #tpu.memory_space<vmem>>, vector<1x1024x128xi32>
    %get3A_88 = vector.shape_cast %get3A_87 : vector<1x1024x128xi32> to vector<1024x128xi32>
    %get3A_89 = arith.constant 18 : index
    %get3A_90 = arith.constant 0 : index
    %get3A_91 = arith.constant 0 : index
    %get3A_92 = vector.load %arg1[%get3A_89, %get3A_90, %get3A_91] : memref<26x1024x128xi32, #tpu.memory_space<vmem>>, vector<1x1024x128xi32>
    %get3A_93 = vector.shape_cast %get3A_92 : vector<1x1024x128xi32> to vector<1024x128xi32>
    %get3A_94 = arith.constant 19 : index
    %get3A_95 = arith.constant 0 : index
    %get3A_96 = arith.constant 0 : index
    %get3A_97 = vector.load %arg1[%get3A_94, %get3A_95, %get3A_96] : memref<26x1024x128xi32, #tpu.memory_space<vmem>>, vector<1x1024x128xi32>
    %get3A_98 = vector.shape_cast %get3A_97 : vector<1x1024x128xi32> to vector<1024x128xi32>
    %get3A_99 = arith.constant 20 : index
    %get3A_100 = arith.constant 0 : index
    %get3A_101 = arith.constant 0 : index
    %get3A_102 = vector.load %arg1[%get3A_99, %get3A_100, %get3A_101] : memref<26x1024x128xi32, #tpu.memory_space<vmem>>, vector<1x1024x128xi32>
    %get3A_103 = vector.shape_cast %get3A_102 : vector<1x1024x128xi32> to vector<1024x128xi32>
    %get3A_104 = arith.constant 21 : index
    %get3A_105 = arith.constant 0 : index
    %get3A_106 = arith.constant 0 : index
    %get3A_107 = vector.load %arg1[%get3A_104, %get3A_105, %get3A_106] : memref<26x1024x128xi32, #tpu.memory_space<vmem>>, vector<1x1024x128xi32>
    %get3A_108 = vector.shape_cast %get3A_107 : vector<1x1024x128xi32> to vector<1024x128xi32>
    %get3A_109 = arith.constant 22 : index
    %get3A_110 = arith.constant 0 : index
    %get3A_111 = arith.constant 0 : index
    %get3A_112 = vector.load %arg1[%get3A_109, %get3A_110, %get3A_111] : memref<26x1024x128xi32, #tpu.memory_space<vmem>>, vector<1x1024x128xi32>
    %get3A_113 = vector.shape_cast %get3A_112 : vector<1x1024x128xi32> to vector<1024x128xi32>
    %get3A_114 = arith.constant 23 : index
    %get3A_115 = arith.constant 0 : index
    %get3A_116 = arith.constant 0 : index
    %get3A_117 = vector.load %arg1[%get3A_114, %get3A_115, %get3A_116] : memref<26x1024x128xi32, #tpu.memory_space<vmem>>, vector<1x1024x128xi32>
    %get3A_118 = vector.shape_cast %get3A_117 : vector<1x1024x128xi32> to vector<1024x128xi32>
    %get3A_119 = arith.constant 24 : index
    %get3A_120 = arith.constant 0 : index
    %get3A_121 = arith.constant 0 : index
    %get3A_122 = vector.load %arg1[%get3A_119, %get3A_120, %get3A_121] : memref<26x1024x128xi32, #tpu.memory_space<vmem>>, vector<1x1024x128xi32>
    %get3A_123 = vector.shape_cast %get3A_122 : vector<1x1024x128xi32> to vector<1024x128xi32>
    %get3A_124 = arith.constant 25 : index
    %get3A_125 = arith.constant 0 : index
    %get3A_126 = arith.constant 0 : index
    %get3A_127 = vector.load %arg1[%get3A_124, %get3A_125, %get3A_126] : memref<26x1024x128xi32, #tpu.memory_space<vmem>>, vector<1x1024x128xi32>
    %get3A_128 = vector.shape_cast %get3A_127 : vector<1x1024x128xi32> to vector<1024x128xi32>
    %concatenate3A = tpu.concatenate %get3A_3, %get3A_8, %get3A_13, %get3A_18, %get3A_23, %get3A_28, %get3A_33, %get3A_38, %get3A_43, %get3A_48, %get3A_53, %get3A_58, %get3A_63, %get3A_68, %get3A_73, %get3A_78, %get3A_83, %get3A_88, %get3A_93, %get3A_98, %get3A_103, %get3A_108, %get3A_113, %get3A_118, %get3A_123, %get3A_128 in 1 : vector<1024x128xi32>, vector<1024x128xi32>, vector<1024x128xi32>, vector<1024x128xi32>, vector<1024x128xi32>, vector<1024x128xi32>, vector<1024x128xi32>, vector<1024x128xi32>, vector<1024x128xi32>, vector<1024x128xi32>, vector<1024x128xi32>, vector<1024x128xi32>, vector<1024x128xi32>, vector<1024x128xi32>, vector<1024x128xi32>, vector<1024x128xi32>, vector<1024x128xi32>, vector<1024x128xi32>, vector<1024x128xi32>, vector<1024x128xi32>, vector<1024x128xi32>, vector<1024x128xi32>, vector<1024x128xi32>, vector<1024x128xi32>, vector<1024x128xi32>, vector<1024x128xi32> -> vector<1024x3328xi32>
    %shift_left3A = arith.constant 16 : i32
    %shift_left3A_129 = vector.broadcast %shift_left3A : i32 to vector<1024x3328xi32>
    %shift_left3A_130 = arith.shli %concatenate3A, %shift_left3A_129 : vector<1024x3328xi32>
    %bitcast_convert_type3A = tpu.bitcast %shift_left3A_130 : vector<1024x3328xi32> -> vector<1024x3328xf32>
    %convert_element_type3A = arith.truncf %bitcast_convert_type3A : vector<1024x3328xf32> to vector<1024x3328xbf16>
    %get3A_131 = arith.constant 0 : index
    %get3A_132 = arith.constant 0 : index
    %get3A_133 = vector.load %arg2[%get3A_131, %get3A_132] : memref<3328x256xbf16, #tpu.memory_space<vmem>>, vector<3328x256xbf16>
    %dot_general3A = arith.constant dense<0.000000e+00> : vector<1024x256xf32>
    %dot_general3A_134 = tpu.matmul %convert_element_type3A, %get3A_133, %dot_general3A {dimension_numbers = #tpu.dot_dimension_numbers<[1], [0], [0], [1], [0, 0, 1, 1], [], []>, transpose_lhs_hint = false} : vector<1024x3328xbf16>, vector<3328x256xbf16>, vector<1024x256xf32> -> vector<1024x256xf32>
    %get3A_135 = arith.constant 0 : index
    %get3A_136 = arith.constant 0 : index
    %get3A_137 = vector.load %arg3[%get3A_135, %get3A_136] : memref<1x256xf32, #tpu.memory_space<vmem>>, vector<1x256xf32>
    %add3A = vector.broadcast %get3A_137 : vector<1x256xf32> to vector<1024x256xf32>
    %add3A_138 = arith.addf %dot_general3A_134, %add3A : vector<1024x256xf32>
    %max3A = arith.constant 0.000000e+00 : f32
    %max3A_139 = vector.broadcast %max3A : f32 to vector<1024x256xf32>
    %max3A_140 = arith.maximumf %add3A_138, %max3A_139 : vector<1024x256xf32>
    %convert_element_type3A_141 = arith.truncf %max3A_140 : vector<1024x256xf32> to vector<1024x256xbf16>
    %get3A_142 = arith.constant 0 : index
    %get3A_143 = arith.constant 0 : index
    %get3A_144 = vector.load %arg4[%get3A_142, %get3A_143] : memref<256x128xbf16, #tpu.memory_space<vmem>>, vector<256x128xbf16>
    %dot_general3A_145 = arith.constant dense<0.000000e+00> : vector<1024x128xf32>
    %dot_general3A_146 = tpu.matmul %convert_element_type3A_141, %get3A_144, %dot_general3A_145 {dimension_numbers = #tpu.dot_dimension_numbers<[1], [0], [0], [1], [0, 0, 1, 1], [], []>, transpose_lhs_hint = false} : vector<1024x256xbf16>, vector<256x128xbf16>, vector<1024x128xf32> -> vector<1024x128xf32>
    %get3A_147 = arith.constant 0 : index
    %get3A_148 = arith.constant 0 : index
    %get3A_149 = vector.load %arg5[%get3A_147, %get3A_148] : memref<1x128xf32, #tpu.memory_space<vmem>>, vector<1x128xf32>
    %add3A_150 = vector.broadcast %get3A_149 : vector<1x128xf32> to vector<1024x128xf32>
    %add3A_151 = arith.addf %dot_general3A_146, %add3A_150 : vector<1024x128xf32>
    %max3A_152 = arith.constant 0.000000e+00 : f32
    %max3A_153 = vector.broadcast %max3A_152 : f32 to vector<1024x128xf32>
    %max3A_154 = arith.maximumf %add3A_151, %max3A_153 : vector<1024x128xf32>
    %convert_element_type3A_155 = arith.truncf %max3A_154 : vector<1024x128xf32> to vector<1024x128xbf16>
    %get3A_156 = arith.constant 0 : index
    %get3A_157 = arith.constant 0 : index
    %get3A_158 = vector.load %arg6[%get3A_156, %get3A_157] : memref<128x64xbf16, #tpu.memory_space<vmem>>, vector<128x64xbf16>
    %dot_general3A_159 = arith.constant dense<0.000000e+00> : vector<1024x64xf32>
    %dot_general3A_160 = tpu.matmul %convert_element_type3A_155, %get3A_158, %dot_general3A_159 {dimension_numbers = #tpu.dot_dimension_numbers<[1], [0], [0], [1], [0, 0, 1, 1], [], []>, transpose_lhs_hint = false} : vector<1024x128xbf16>, vector<128x64xbf16>, vector<1024x64xf32> -> vector<1024x64xf32>
    %get3A_161 = arith.constant 0 : index
    %get3A_162 = arith.constant 0 : index
    %get3A_163 = vector.load %arg7[%get3A_161, %get3A_162] : memref<1x64xf32, #tpu.memory_space<vmem>>, vector<1x64xf32>
    %add3A_164 = vector.broadcast %get3A_163 : vector<1x64xf32> to vector<1024x64xf32>
    %add3A_165 = arith.addf %dot_general3A_160, %add3A_164 : vector<1024x64xf32>
    %max3A_166 = arith.constant 0.000000e+00 : f32
    %max3A_167 = vector.broadcast %max3A_166 : f32 to vector<1024x64xf32>
    %max3A_168 = arith.maximumf %add3A_165, %max3A_167 : vector<1024x64xf32>
    %convert_element_type3A_169 = arith.truncf %max3A_168 : vector<1024x64xf32> to vector<1024x64xbf16>
    %get3A_170 = arith.constant 0 : index
    %get3A_171 = arith.constant 0 : index
    %get3A_172 = arith.constant 0 : index
    %get3A_173 = vector.load %arg8[%get3A_170, %get3A_171, %get3A_172] : memref<2x64x64xbf16, #tpu.memory_space<vmem>>, vector<1x64x64xbf16>
    %get3A_174 = vector.shape_cast %get3A_173 : vector<1x64x64xbf16> to vector<64x64xbf16>
    %dot_general3A_175 = arith.constant dense<0.000000e+00> : vector<1024x64xf32>
    %dot_general3A_176 = tpu.matmul %convert_element_type3A_169, %get3A_174, %dot_general3A_175 {dimension_numbers = #tpu.dot_dimension_numbers<[1], [0], [0], [1], [0, 0, 1, 1], [], []>, transpose_lhs_hint = false} : vector<1024x64xbf16>, vector<64x64xbf16>, vector<1024x64xf32> -> vector<1024x64xf32>
    %get3A_177 = arith.constant 0 : index
    %get3A_178 = arith.constant 0 : index
    %get3A_179 = vector.load %arg9[%get3A_177, %get3A_178] : memref<2x64xf32, #tpu.memory_space<vmem>>, vector<1x64xf32>
    %add3A_180 = vector.broadcast %get3A_179 : vector<1x64xf32> to vector<1024x64xf32>
    %add3A_181 = arith.addf %dot_general3A_176, %add3A_180 : vector<1024x64xf32>
    %max3A_182 = arith.constant 0.000000e+00 : f32
    %max3A_183 = vector.broadcast %max3A_182 : f32 to vector<1024x64xf32>
    %max3A_184 = arith.maximumf %add3A_181, %max3A_183 : vector<1024x64xf32>
    %get3A_185 = arith.constant 0 : index
    %get3A_186 = arith.constant 0 : index
    %get3A_187 = vector.load %arg10[%get3A_185, %get3A_186] : memref<2x64xf32, #tpu.memory_space<vmem>>, vector<1x64xf32>
    %mul3A = vector.broadcast %get3A_187 : vector<1x64xf32> to vector<1024x64xf32>
    %mul3A_188 = arith.mulf %max3A_184, %mul3A : vector<1024x64xf32>
    %reduce_sum3A = arith.constant dense<0.000000e+00> : vector<1024xf32>
    %reduce_sum3A_189 = vector.multi_reduction <add>, %mul3A_188, %reduce_sum3A [1] : vector<1024x64xf32> to vector<1024xf32>
    %broadcast_in_dim3A = vector.shape_cast %reduce_sum3A_189 : vector<1024xf32> to vector<1024x1xf32>
    %get3A_190 = arith.constant 0 : index
    %get3A_191 = arith.constant 0 : index
    %get3A_192 = vector.load %arg11[%get3A_190, %get3A_191] : memref<2x1xf32, #tpu.memory_space<vmem>>, vector<1x1xf32>
    %add3A_193 = vector.broadcast %get3A_192 : vector<1x1xf32> to vector<1024x1xf32>
    %add3A_194 = arith.addf %broadcast_in_dim3A, %add3A_193 : vector<1024x1xf32>
    %and3A = arith.constant -65536 : i32
    %and3A_195 = vector.broadcast %and3A : i32 to vector<1024x3328xi32>
    %and3A_196 = arith.andi %concatenate3A, %and3A_195 : vector<1024x3328xi32>
    %bitcast_convert_type3A_197 = tpu.bitcast %and3A_196 : vector<1024x3328xi32> -> vector<1024x3328xf32>
    %convert_element_type3A_198 = arith.truncf %bitcast_convert_type3A_197 : vector<1024x3328xf32> to vector<1024x3328xbf16>
    %get3A_199 = arith.constant 0 : index
    %get3A_200 = arith.constant 0 : index
    %get3A_201 = vector.load %arg2[%get3A_199, %get3A_200] : memref<3328x256xbf16, #tpu.memory_space<vmem>>, vector<3328x256xbf16>
    %dot_general3A_202 = arith.constant dense<0.000000e+00> : vector<1024x256xf32>
    %dot_general3A_203 = tpu.matmul %convert_element_type3A_198, %get3A_201, %dot_general3A_202 {dimension_numbers = #tpu.dot_dimension_numbers<[1], [0], [0], [1], [0, 0, 1, 1], [], []>, transpose_lhs_hint = false} : vector<1024x3328xbf16>, vector<3328x256xbf16>, vector<1024x256xf32> -> vector<1024x256xf32>
    %get3A_204 = arith.constant 0 : index
    %get3A_205 = arith.constant 0 : index
    %get3A_206 = vector.load %arg3[%get3A_204, %get3A_205] : memref<1x256xf32, #tpu.memory_space<vmem>>, vector<1x256xf32>
    %add3A_207 = vector.broadcast %get3A_206 : vector<1x256xf32> to vector<1024x256xf32>
    %add3A_208 = arith.addf %dot_general3A_203, %add3A_207 : vector<1024x256xf32>
    %max3A_209 = arith.constant 0.000000e+00 : f32
    %max3A_210 = vector.broadcast %max3A_209 : f32 to vector<1024x256xf32>
    %max3A_211 = arith.maximumf %add3A_208, %max3A_210 : vector<1024x256xf32>
    %convert_element_type3A_212 = arith.truncf %max3A_211 : vector<1024x256xf32> to vector<1024x256xbf16>
    %get3A_213 = arith.constant 0 : index
    %get3A_214 = arith.constant 0 : index
    %get3A_215 = vector.load %arg4[%get3A_213, %get3A_214] : memref<256x128xbf16, #tpu.memory_space<vmem>>, vector<256x128xbf16>
    %dot_general3A_216 = arith.constant dense<0.000000e+00> : vector<1024x128xf32>
    %dot_general3A_217 = tpu.matmul %convert_element_type3A_212, %get3A_215, %dot_general3A_216 {dimension_numbers = #tpu.dot_dimension_numbers<[1], [0], [0], [1], [0, 0, 1, 1], [], []>, transpose_lhs_hint = false} : vector<1024x256xbf16>, vector<256x128xbf16>, vector<1024x128xf32> -> vector<1024x128xf32>
    %get3A_218 = arith.constant 0 : index
    %get3A_219 = arith.constant 0 : index
    %get3A_220 = vector.load %arg5[%get3A_218, %get3A_219] : memref<1x128xf32, #tpu.memory_space<vmem>>, vector<1x128xf32>
    %add3A_221 = vector.broadcast %get3A_220 : vector<1x128xf32> to vector<1024x128xf32>
    %add3A_222 = arith.addf %dot_general3A_217, %add3A_221 : vector<1024x128xf32>
    %max3A_223 = arith.constant 0.000000e+00 : f32
    %max3A_224 = vector.broadcast %max3A_223 : f32 to vector<1024x128xf32>
    %max3A_225 = arith.maximumf %add3A_222, %max3A_224 : vector<1024x128xf32>
    %convert_element_type3A_226 = arith.truncf %max3A_225 : vector<1024x128xf32> to vector<1024x128xbf16>
    %get3A_227 = arith.constant 0 : index
    %get3A_228 = arith.constant 0 : index
    %get3A_229 = vector.load %arg6[%get3A_227, %get3A_228] : memref<128x64xbf16, #tpu.memory_space<vmem>>, vector<128x64xbf16>
    %dot_general3A_230 = arith.constant dense<0.000000e+00> : vector<1024x64xf32>
    %dot_general3A_231 = tpu.matmul %convert_element_type3A_226, %get3A_229, %dot_general3A_230 {dimension_numbers = #tpu.dot_dimension_numbers<[1], [0], [0], [1], [0, 0, 1, 1], [], []>, transpose_lhs_hint = false} : vector<1024x128xbf16>, vector<128x64xbf16>, vector<1024x64xf32> -> vector<1024x64xf32>
    %get3A_232 = arith.constant 0 : index
    %get3A_233 = arith.constant 0 : index
    %get3A_234 = vector.load %arg7[%get3A_232, %get3A_233] : memref<1x64xf32, #tpu.memory_space<vmem>>, vector<1x64xf32>
    %add3A_235 = vector.broadcast %get3A_234 : vector<1x64xf32> to vector<1024x64xf32>
    %add3A_236 = arith.addf %dot_general3A_231, %add3A_235 : vector<1024x64xf32>
    %max3A_237 = arith.constant 0.000000e+00 : f32
    %max3A_238 = vector.broadcast %max3A_237 : f32 to vector<1024x64xf32>
    %max3A_239 = arith.maximumf %add3A_236, %max3A_238 : vector<1024x64xf32>
    %convert_element_type3A_240 = arith.truncf %max3A_239 : vector<1024x64xf32> to vector<1024x64xbf16>
    %get3A_241 = arith.constant 1 : index
    %get3A_242 = arith.constant 0 : index
    %get3A_243 = arith.constant 0 : index
    %get3A_244 = vector.load %arg8[%get3A_241, %get3A_242, %get3A_243] : memref<2x64x64xbf16, #tpu.memory_space<vmem>>, vector<1x64x64xbf16>
    %get3A_245 = vector.shape_cast %get3A_244 : vector<1x64x64xbf16> to vector<64x64xbf16>
    %dot_general3A_246 = arith.constant dense<0.000000e+00> : vector<1024x64xf32>
    %dot_general3A_247 = tpu.matmul %convert_element_type3A_240, %get3A_245, %dot_general3A_246 {dimension_numbers = #tpu.dot_dimension_numbers<[1], [0], [0], [1], [0, 0, 1, 1], [], []>, transpose_lhs_hint = false} : vector<1024x64xbf16>, vector<64x64xbf16>, vector<1024x64xf32> -> vector<1024x64xf32>
    %get3A_248 = arith.constant 1 : index
    %get3A_249 = arith.constant 0 : index
    %get3A_250 = vector.load %arg9[%get3A_248, %get3A_249] : memref<2x64xf32, #tpu.memory_space<vmem>>, vector<1x64xf32>
    %add3A_251 = vector.broadcast %get3A_250 : vector<1x64xf32> to vector<1024x64xf32>
    %add3A_252 = arith.addf %dot_general3A_247, %add3A_251 : vector<1024x64xf32>
    %max3A_253 = arith.constant 0.000000e+00 : f32
    %max3A_254 = vector.broadcast %max3A_253 : f32 to vector<1024x64xf32>
    %max3A_255 = arith.maximumf %add3A_252, %max3A_254 : vector<1024x64xf32>
    %get3A_256 = arith.constant 1 : index
    %get3A_257 = arith.constant 0 : index
    %get3A_258 = vector.load %arg10[%get3A_256, %get3A_257] : memref<2x64xf32, #tpu.memory_space<vmem>>, vector<1x64xf32>
    %mul3A_259 = vector.broadcast %get3A_258 : vector<1x64xf32> to vector<1024x64xf32>
    %mul3A_260 = arith.mulf %max3A_255, %mul3A_259 : vector<1024x64xf32>
    %reduce_sum3A_261 = arith.constant dense<0.000000e+00> : vector<1024xf32>
    %reduce_sum3A_262 = vector.multi_reduction <add>, %mul3A_260, %reduce_sum3A_261 [1] : vector<1024x64xf32> to vector<1024xf32>
    %broadcast_in_dim3A_263 = vector.shape_cast %reduce_sum3A_262 : vector<1024xf32> to vector<1024x1xf32>
    %get3A_264 = arith.constant 1 : index
    %get3A_265 = arith.constant 0 : index
    %get3A_266 = vector.load %arg11[%get3A_264, %get3A_265] : memref<2x1xf32, #tpu.memory_space<vmem>>, vector<1x1xf32>
    %add3A_267 = vector.broadcast %get3A_266 : vector<1x1xf32> to vector<1024x1xf32>
    %add3A_268 = arith.addf %broadcast_in_dim3A_263, %add3A_267 : vector<1024x1xf32>
    %concatenate3A_269 = tpu.concatenate %add3A_194, %add3A_268 in 1 : vector<1024x1xf32>, vector<1024x1xf32> -> vector<1024x2xf32>
    %logistic3A = arith.negf %concatenate3A_269 : vector<1024x2xf32>
    %logistic3A_270 = math.exp %logistic3A : vector<1024x2xf32>
    %logistic3A_271 = arith.constant 1.000000e+00 : f32
    %logistic3A_272 = vector.broadcast %logistic3A_271 : f32 to vector<1024x2xf32>
    %logistic3A_273 = arith.addf %logistic3A_272, %logistic3A_270 : vector<1024x2xf32>
    %logistic3A_274 = arith.divf %logistic3A_272, %logistic3A_273 : vector<1024x2xf32>
    %swap3A = arith.constant 0 : index
    %swap3A_275 = arith.constant 0 : index
    %swap3A_276 = vector.load %arg12[%swap3A, %swap3A_275] : memref<1024x2xf32, #tpu.memory_space<vmem>>, vector<1024x2xf32>
    tpu.vector_store %arg12[%swap3A, %swap3A_275], %logistic3A_274 {strides = array<i32>} : memref<1024x2xf32, #tpu.memory_space<vmem>>, vector<1024x2xf32>,
    return
  }
  func.func @transform_0(%arg0: i32) -> (i32, i32, i32) {
    %c0_i32 = arith.constant 0 : i32
    %c0_i32_0 = arith.constant 0 : i32
    %c0_i32_1 = arith.constant 0 : i32
    return %c0_i32, %arg0, %c0_i32_0 : i32, i32, i32
  }
  func.func @transform_1(%arg0: i32) -> (i32, i32) {
    %c0_i32 = arith.constant 0 : i32
    %c0_i32_0 = arith.constant 0 : i32
    %c0_i32_1 = arith.constant 0 : i32
    return %c0_i32, %c0_i32_0 : i32, i32
  }
  func.func @transform_2(%arg0: i32) -> (i32, i32) {
    %c0_i32 = arith.constant 0 : i32
    %c0_i32_0 = arith.constant 0 : i32
    %c0_i32_1 = arith.constant 0 : i32
    return %c0_i32, %c0_i32_0 : i32, i32
  }
  func.func @transform_3(%arg0: i32) -> (i32, i32) {
    %c0_i32 = arith.constant 0 : i32
    %c0_i32_0 = arith.constant 0 : i32
    %c0_i32_1 = arith.constant 0 : i32
    return %c0_i32, %c0_i32_0 : i32, i32
  }
  func.func @transform_4(%arg0: i32) -> (i32, i32) {
    %c0_i32 = arith.constant 0 : i32
    %c0_i32_0 = arith.constant 0 : i32
    %c0_i32_1 = arith.constant 0 : i32
    return %c0_i32, %c0_i32_0 : i32, i32
  }
  func.func @transform_5(%arg0: i32) -> (i32, i32) {
    %c0_i32 = arith.constant 0 : i32
    %c0_i32_0 = arith.constant 0 : i32
    %c0_i32_1 = arith.constant 0 : i32
    return %c0_i32, %c0_i32_0 : i32, i32
  }
  func.func @transform_6(%arg0: i32) -> (i32, i32) {
    %c0_i32 = arith.constant 0 : i32
    %c0_i32_0 = arith.constant 0 : i32
    %c0_i32_1 = arith.constant 0 : i32
    return %c0_i32, %c0_i32_0 : i32, i32
  }
  func.func @transform_7(%arg0: i32) -> (i32, i32, i32) {
    %c0_i32 = arith.constant 0 : i32
    %c0_i32_0 = arith.constant 0 : i32
    %c0_i32_1 = arith.constant 0 : i32
    %c0_i32_2 = arith.constant 0 : i32
    return %c0_i32, %c0_i32_0, %c0_i32_1 : i32, i32, i32
  }
  func.func @transform_8(%arg0: i32) -> (i32, i32) {
    %c0_i32 = arith.constant 0 : i32
    %c0_i32_0 = arith.constant 0 : i32
    %c0_i32_1 = arith.constant 0 : i32
    return %c0_i32, %c0_i32_0 : i32, i32
  }
  func.func @transform_9(%arg0: i32) -> (i32, i32) {
    %c0_i32 = arith.constant 0 : i32
    %c0_i32_0 = arith.constant 0 : i32
    %c0_i32_1 = arith.constant 0 : i32
    return %c0_i32, %c0_i32_0 : i32, i32
  }
  func.func @transform_10(%arg0: i32) -> (i32, i32) {
    %c0_i32 = arith.constant 0 : i32
    %c0_i32_0 = arith.constant 0 : i32
    %c0_i32_1 = arith.constant 0 : i32
    return %c0_i32, %c0_i32_0 : i32, i32
  }
  func.func @transform_11(%arg0: i32) -> (i32, i32) {
    %c0_i32 = arith.constant 0 : i32
    %c0_i32_0 = arith.constant 0 : i32
    return %arg0, %c0_i32 : i32, i32
  }
}

</mosaic_0001>

<sc_bundles>
// kernel: kernel.10.cloned.1.call-start
scs
__scs_entry_jumppad:
0x0: {  	(pc) =	sbr.rel $0x88, $3  }
0x1: {  	(tag) =	ssettag $0x0;
	lr =	simm.s32 $0x1  }
0x2: {  	[smem:$0x3F94] =	sst lr;
	_ =	strace $0xD0000000  }
0x3: {  	_ = 	snop  }
0x4: {  	_ = 	snop  }
0x5: {  	_ = 	snop  }
0x6: {  	_ = 	snop  }
0x7: {  	_ = 	snop  }
__scs_overlays_trampoline_lowered:
0x8: {  	[smem:$0x3FA3] =	sst s0  }
0x9: {  	[smem:$0x3FA4] =	sst s1  }
0xa: {  	[smem:$0x3FA5] =	sst s2  }
0xb: {  	[smem:$0x3FA6] =	sst s3  }
0xc: {  	[smem:$0x3FA7] =	sst s4  }
0xd: {  	[smem:$0x3FA8] =	sst s5  }
0xe: {  	[smem:$0x3FA9] =	sst s6  }
0xf: {  	[smem:$0x3FAA] =	sst s7  }
0x10: {  	[smem:$0x3FAB] =	sst s8  }
0x11: {  	[smem:$0x3FAC] =	sst s9;
	s0 =	simm.s32 @!p0 $0x0  }
0x12: {  	s1 =	sld [smem:$0x3F92];
	s0 =	simm.s32 @p0 $0x1  }
0x13: {  	[smem:$0x3FAD] =	sst s0;
	s0 =	simm.s32 @!p1 $0x0  }
0x14: {  	s2 =	sld [smem:$0x3F91];
	s0 =	simm.s32 @p1 $0x1  }
0x15: {  	[smem:$0x3FAE] =	sst s0;
	s0 =	simm.s32 @!p2 $0x0  }
0x16: {  	s3 =	sld [smem:$0x3FDB];
	s0 =	simm.s32 @p2 $0x1  }
0x17: {  	s4 =	simm.s32 $0x1BF5;
	[smem:$0x3FB0] =	sst s0  }
0x18: {  	s0 =	sld [smem:$0x3F93];
	_ =	swait.ge [sflag:s4], $0x0  }
0x19: {  	s7 =	sld [smem:$0x3F94]  }
0x1a: {  	s8 =	sadd.s32 $0xFFFFE003, lr  }
0x1b: {  	s9 =	sadd.s32 $0xFFFFFEF7, lr;
	s5 =	simm.s32 $0xFFFFFFFF;
	p2 =	slt.u32 s8, $0xFFFFF086  }
0x1c: {  	p1 =	slt.u32 s9, $0xF7A;
	s5 =	simm.s32 @!p2 $0x0  }
0x1d: {  	s5 =	simm.s32 @p1 $0x1;
	p0 =	seq.s32 s7, s2  }
0x1e: {  	s7 =	smul.u32 @!p0 $0xF7A, s2;
	p2 =	seq.s32 @!p0 s5, $0x0  }
0x1f: {  	s9 =	smul.u32 $0xF7A, s1;
	s8 =	simm.s32 @!p0 $0x1BF5;
	p2 =	por !p2, p0  }
0x20: {  	[sflag:s8] =	ssyncset.s32 @!p0 $0xFFFFF086;
	s6 =	sadd.s32 @!p0 s3, s7;
	s7 =	simm.s32 @!p0 $0x108  }
0x21: {  	s3 =	sadd.s32 s3, s9;
	s6 =	sadd.s32 @!p0 $0x88, s6;
	s7 =	simm.s32 @p2 $0x1082  }
0x22: {  	[simem:s7], [sflag:s8] =	dma.local @!p0 [hbm:s6], $0xF7A  }
0x23: {  	s9 =	sor.u32 $0xD0000000, s2;
	s6 =	simm.s32 $0x108;
	_ =	swait.ge @!p0 [sflag:s8], $0x0  }
0x24: {  	s3 =	sadd.s32 $0x88, s3;
	s6 =	simm.s32 @!p1 $0x1082;
	[sflag:s4] =	ssyncset.s32 $0xFFFFF086  }
0x25: {  	[simem:s6], [sflag:s4] =	dma.local [hbm:s3], $0xF7A  }
0x26: {  	[smem:$0x3F94] =	sst s1;
	(tag) =	ssettag s2;
	_ =	strace s9  }
0x27: {  	s1 =	sld [smem:$0x3FA4]  }
0x28: {  	s2 =	sld [smem:$0x3FA5]  }
0x29: {  	s4 =	sld [smem:$0x3FA7]  }
0x2a: {  	p0 =	seq.s32 s5, $0x0;
	s5 =	sld [smem:$0x3FA8]  }
0x2b: {  	s6 =	sld [smem:$0x3FA9]  }
0x2c: {  	s7 =	sld [smem:$0x3FAA]  }
0x2d: {  	s3 =	simm.s32 $0x108;
	s8 =	sld [smem:$0x3FAB]  }
0x2e: {  	s3 =	simm.s32 @!p0 $0x1082;
	s9 =	sld [smem:$0x3FAC]  }
0x2f: {  	lr =	sadd.s32 s0, s3;
	s0 =	sld [smem:$0x3FA3]  }
0x30: {  	s3 =	sld [smem:$0x3FA6]  }
0x31: {  	[smem:$0x3FAF] =	sst s10  }
0x32: {  	s10 =	sld [smem:$0x3FAD];
	_ =	sdelay $0x3  }
0x33: {  	p0 =	seq.s32 s10, $0x1;
	s10 =	sld [smem:$0x3FAF];
	_ =	sdelay $0x3  }
0x34: {  	[smem:$0x3FAF] =	sst s10  }
0x35: {  	s10 =	sld [smem:$0x3FAE];
	_ =	sdelay $0x3  }
0x36: {  	p1 =	seq.s32 s10, $0x1;
	s10 =	sld [smem:$0x3FAF];
	_ =	sdelay $0x3  }
0x37: {  	[smem:$0x3FAF] =	sst s10  }
0x38: {  	s10 =	sld [smem:$0x3FB0]  }
0x39: {  	_ = 	snop;
	(pc) =	sbr.ind lr, $3  }
0x3a: {  	_ = 	snop  }
0x3b: {  	_ = 	snop  }
0x3c: {  	p2 =	seq.s32 s10, $0x1;
	s10 =	sld [smem:$0x3FAF]  }
0x3d: {  	_ =	shalt  }
0x3e: {  	_ =	shalt  }
0x3f: {  	_ =	shalt  }
0x40: {  	_ =	shalt  }
0x41: {  	_ =	shalt  }
0x42: {  	_ =	shalt  }
0x43: {  	_ =	shalt  }
0x44: {  	_ =	shalt  }
0x45: {  	_ =	shalt  }
0x46: {  	_ =	shalt  }
0x47: {  	_ =	shalt  }
0x48: {  	_ =	shalt  }
0x49: {  	_ =	shalt  }
0x4a: {  	_ =	shalt  }
0x4b: {  	_ =	shalt  }
0x4c: {  	_ =	shalt  }
0x4d: {  	_ =	shalt  }
0x4e: {  	_ =	shalt  }
0x4f: {  	_ =	shalt  }
0x50: {  	_ =	shalt  }
0x51: {  	_ =	shalt  }
0x52: {  	_ =	shalt  }
0x53: {  	_ =	shalt  }
0x54: {  	_ =	shalt  }
0x55: {  	_ =	shalt  }
0x56: {  	_ =	shalt  }
0x57: {  	_ =	shalt  }
0x58: {  	_ =	shalt  }
0x59: {  	_ =	shalt  }
0x5a: {  	_ =	shalt  }
0x5b: {  	_ =	shalt  }
0x5c: {  	_ =	shalt  }
0x5d: {  	_ =	shalt  }
0x5e: {  	_ =	shalt  }
0x5f: {  	_ =	shalt  }
0x60: {  	_ =	shalt  }
0x61: {  	_ =	shalt  }
0x62: {  	_ =	shalt  }
0x63: {  	_ =	shalt  }
0x64: {  	_ =	shalt  }
0x65: {  	_ =	shalt  }
0x66: {  	_ =	shalt  }
0x67: {  	_ =	shalt  }
0x68: {  	_ =	shalt  }
0x69: {  	_ =	shalt  }
0x6a: {  	_ =	shalt  }
0x6b: {  	_ =	shalt  }
0x6c: {  	_ =	shalt  }
0x6d: {  	_ =	shalt  }
0x6e: {  	_ =	shalt  }
0x6f: {  	_ =	shalt  }
0x70: {  	_ =	shalt  }
0x71: {  	_ =	shalt  }
0x72: {  	_ =	shalt  }
0x73: {  	_ =	shalt  }
0x74: {  	_ =	shalt  }
0x75: {  	_ =	shalt  }
0x76: {  	_ =	shalt  }
0x77: {  	_ =	shalt  }
0x78: {  	_ =	shalt  }
0x79: {  	_ =	shalt  }
0x7a: {  	_ =	shalt  }
0x7b: {  	_ =	shalt  }
0x7c: {  	_ =	shalt  }
0x7d: {  	_ =	shalt  }
0x7e: {  	_ =	shalt  }
0x7f: {  	_ =	shalt  }
0x80: {  	_ =	shalt  }
0x81: {  	_ =	shalt  }
0x82: {  	_ =	shalt  }
0x83: {  	_ =	shalt  }
0x84: {  	_ =	shalt  }
0x85: {  	_ =	shalt  }
0x86: {  	_ =	shalt  }
0x87: {  	_ =	shalt  }
.Lfunc_end0:
.L_simem_size_0:
called_computation.1_lowered:
.L_overlay_start_0:
0x88: {  	s2 =	sld [smem:$0x3FD9]  }
0x89: {  	s3 =	sld [smem:$0x3FFE];
	_ =	sdelay $0x1  }
0x8a: {  	s1 =	srdreg.scid  }
0x8b: {  	s0 =	sand.u32 $0x1, s1  }
0x8c: {  	s17 =	sshll.u32 s0, $0xA;
	s2 =	sadd.s32 s3, s2  }
0x8d: {  	s2 =	sadd.s32 s2, s17  }
0x8e: {  	[smem:$0x3FBB] =	sst s2  }
0x8f: {  	_ = 	snop  }
0x90: {  	(tm) =	ssettm $0x1  }
0x91: {  	s18 =	sld [smem:$0x3FFB];
	_ =	sdelay $0x3  }
0x92: {  	_ =	strace s18  }
0x93: {  	s2 =	sld [smem:$0x3FFC];
	_ =	sdelay $0x3  }
0x94: {  	_ =	strace s2  }
0x95: {  	s2 =	sld [smem:$0x3FFD];
	_ =	sdelay $0x3  }
0x96: {  	_ =	strace s2  }
0x97: {  	_ =	strace $0x8FFFFFFF  }
0x98: {  	s19 =	sld [smem:$0x3FDB];
	_ =	sdelay $0x1  }
0x99: {  	s20 =	simm.s32 $_scs_section_size  }
0x9a: {  	s4 =	simm.s32 $_size__tile_overlayer_lowered;
	s5 =	simm.s32 $_tile_overlayer_lowered  }
0x9b: {  	s6 =	simm.s32 $0x1BFF;
	s21 =	sshll.u32 s5, $0x1;
	s3 =	sadd.s32 s20, s19  }
0x9c: {  	s22 =	simm.s32 $0x0;
	s4 =	sshll.u32 s4, $0x1;
	s5 =	sadd.s32 s21, s3  }
0x9d: {  	[timem:s22], [sflag:s6] =	dma.local [hbm:s5], s4  }
0x9e: {  	_ =	swait.ge [sflag:s6], s4  }
0x9f: {  	s4 =	ssub.s32 $0x0, s4;
	[sflag:s6] =	ssyncset.done $0x0  }
0xa0: {  	[sflag:s6] =	ssyncadd.s32 s4;
	_ =	sdelay $0x1  }
0xa1: {  	s23 =	simm.s32 $0x1B8B  }
0xa2: {  	_ =	swait.ge [sflag:s23], $0x1  }
0xa3: {  	[sflag:s23] =	ssyncset.done $0x0  }
0xa4: {  	[sflag:s23] =	ssyncadd.s32 $0xFFFFFFFF  }
0xa5: {  	s4 =	sld [smem:$0x0]  }
0xa6: {  	s5 =	sand.u32 $0xFFFFFFFE, s1  }
0xa7: {  	p0 =	sne.s32 s1, s5  }
0xa8: {  	s5 =	sshll.u32 @p0 s5, $0xE  }
0xa9: {  	s5 =	sadd.s32 @p0 $0x11B8D, s5;
	s6 =	sshll.u32 @p0 s4, $0x11  }
0xaa: {  	s5 =	sor.u32 @p0 s6, s5  }
0xab: {  	[sflag:s5] =	ssyncadd.remote.s32 @p0 $0x1;
	_ =	sdelay $0x1  }
0xac: {  	s5 =	simm.s32 @p0 $0x1B8D  }
0xad: {  	_ =	swait.eq @p0 [sflag:s5], $0x1  }
0xae: {  	[sflag:s5] =	ssyncadd.s32 @p0 $0xFFFFFFFF  }
0xaf: {  	s6 =	sshll.u32 @!p0 s1, $0xE  }
0xb0: {  	s6 =	sor.u32 @!p0 $0x4000, s6;
	s5 =	simm.s32 @!p0 $0x1B8D  }
0xb1: {  	s4 =	sshll.u32 @!p0 s4, $0x11;
	s6 =	sadd.s32 @!p0 $0x11B8D, s6;
	_ =	swait.eq @!p0 [sflag:s5], $0x1  }
0xb2: {  	s4 =	sor.u32 @!p0 s4, s6;
	[sflag:s5] =	ssyncadd.s32 @!p0 $0xFFFFFFFF  }
0xb3: {  	s25 =	simm.s32 $0x1B8E;
	s24 =	sld [smem:$0x3FFE];
	[sflag:s4] =	ssyncadd.remote.s32 @!p0 $0x1  }
0xb4: {  	s26 =	simm.s32 $execute0_lowered;
	[smem:$0x3FD2] =	sst s25  }
0xb5: {  	s5 =	sshll.u32 s26, $0x1;
	_ =	strace $0x80000052;
	[dreg:$0x1] =	wrdreg $0xFFFFFFFF  }
0xb6: {  	s28 =	simm.s32 $_size_execute0_lowered;
	s3 =	sadd.s32 s3, s5;
	[dreg:$0x0] =	wrdreg $0x0  }
0xb7: {  	s5 =	sshll.u32 s28, $0x1;
	[dreg:$0x2] =	wrdreg s3  }
0xb8: {  	[dreg:$0x3] =	wrdreg s5  }
0xb9: {  	[dreg:$0x4] =	wrdreg $0xC0  }
0xba: {  	_ =	task [dreg:s22], $0x5FFFF  }
0xbb: {  	[dreg:$0x1] =	wrdreg $0xFFFFFFFF  }
0xbc: {  	[dreg:$0x0] =	wrdreg $0x60  }
0xbd: {  	[dreg:$0x2] =	wrdreg s24  }
0xbe: {  	[dreg:$0x3] =	wrdreg $0x9  }
0xbf: {  	_ =	task.clear_ibuf [dreg:s22], $0x4FFFF;
	_ =	strace $0x90000052  }
0xc0: {  	s29 =	simm.s32 $0x9;
	_ =	strace $0x80000054  }
0xc1: {  	_ =	swait.ge [sflag:s29], $0x1  }
0xc2: {  	[sflag:s29] =	ssyncadd.s32 $0xFFFFFFFF  }
0xc3: {  	_ =	strace $0x90000054  }
0xc4: {  	_ =	sfence  }
0xc5: {  	s30 =	sld [smem:$0x0];
	_ =	sdelay $0x2  }
0xc6: {  	s31 =	sshll.u32 s1, $0xD;
	s1 =	sshrl.u32 s1, $0x2  }
0xc7: {  	s4 =	sand.u32 $0x4000, s31;
	s1 =	sadd.s32 s1, s30  }
0xc8: {  	s0 =	sor.u32 s4, s0;
	s1 =	sshll.u32 s1, $0x11  }
0xc9: {  	s0 =	sor.u32 s1, s0  }
0xca: {  	s0 =	sadd.s32 $0x8F2B, s0  }
0xcb: {  	[sflag:s0] =	ssyncadd.remote.s32 $0x1  }
0xcc: {  	_ =	sfence.sel $0xFFFF  }
0xcd: {  	[dreg:$0x0] =	wrdreg $0xFFFFFFFF;
	(pc) =	sbr.abs _section_cstart, $3  }
0xce: {  	[dreg:$0x1] =	wrdreg $0xFFFFFFFF  }
0xcf: {  	_ =	task.clear_ibuf [dreg:s22], $0x2FFFF;
	_ =	strace $0x9FFFFFFF  }
0xd0: {  	(tm) =	ssettm $0x7FFFFFFF  }
0xd1: {  	_ =	shalt  }
tec
execute0_lowered:
.L_overlay_start_1:
0x0: {  	(tag) =	ssettag $0x1  }
0x1: {  	s4 =	rddreg [dreg:$0x0];
	s1 =	stileid.u32  }
0x2: {  	s0 =	rddreg [dreg:$0x1];
	s2 =	simm.s32 $0x0;
	s23 =	smul.u32 $0x340, s1  }
0x3: {  	s3 =	srdreg.scid;
	s16 =	simm.s32 $0x2;
	s14 =	smul.u32 $0x34, s1  }
0x4: {  	[smem:$0x7FF] =	sst s2;
	s8 =	sand.u32 $0x1, s3;
	s26 =	smul.u32 $0x1A000, s1  }
0x5: {  	s20 =	sshll.u32 s1, $0x1;
	s9 =	sadd.s32 $0x6200, s4;
	s15 =	smul.u32 $0x1A, s8  }
0x6: {  	s3 =	sadd.s32 $0xE200, s4;
	s4 =	sadd.s32 $0x678000, s4;
	s25 =	smul.u32 $0x1A0, s8  }
0x7: {  	s5 =	ssub.s32 $0x2, s8;
	s6 =	sor.u32 s8, s20;
	s28 =	smul.u32 $0xD000, s8  }
0x8: {  	_ =	strace $0x80000053;
	s7 =	sshrl.u32 s5, $0x1;
	s10 =	smul.u32 $0x1A0, s6  }
0x9: {  	s11 =	smul.u32 $0x1A, s6;
	s7 =	ssub.s32 s5, s7;
	s14 =	sadd.s32 s15, s14  }
0xa: {  	s15 =	simm.s32 $0x1;
	s5 =	sadd.s32 s9, s10;
	s6 =	smax.u32 s7, $0x1  }
0xb: {  	s21 =	sshll.u32 s11, $0xB;
	s22 =	sadd.s32 $0x19, s11;
	s11 =	sadd.s32 s23, s9  }
0xc: {  	s29 =	sshll.u32 s14, $0x4;
	s14 =	simm.s32 $0x4100;
	s12 =	sshll.u32 s22, $0x4  }
0xd: {  	s13 =	sadd.s32 $0xC000, s21;
	s10 =	sshll.u32 s22, $0xB;
	s30 =	sadd.s32 s25, s11  }
0xe: {  	s31 =	sadd.s32 s29, s9;
	s11 =	simm.s32 $0x3;
	s7 =	sadd.s32 s9, s12  }
0xf: {  	s24 =	sand.u32 $0x3F0000, s13;
	s17 =	sand.u32 $0xF000, s13;
	s19 =	sand.u32 $0xF800, s10  }
0x10: {  	s8 =	sadd.s32 $0x20, s30;
	s9 =	sadd.s32 s28, s26;
	s10 =	sadd.s32 $0x10, s31  }
0x11: {  	s12 =	simm.s32 $0x80;
	s13 =	simm.s32 $0x100;
	s18 =	sadd.s32 s4, s24  }
0x12: {  	s17 =	sadd.s32 s17, s18;
	s18 =	sadd.s32 s19, s18;
	s19 =	simm.s32 $0x0  }
.LBB2_1:
0x13: {  	[tilespmem:s2], [sflag:$0x3] =	stream.linear.gather [hbm4b:s5+s2], $0x80, $0x38;
	[tilespmem:$0x8100] =	vst v63  }
0x14: {  	_ =	swait.ge [sflag:s11], $0x80  }
0x15: {  	[sflag:s11] =	ssyncset.done $0x0  }
0x16: {  	[sflag:s11] =	ssyncadd.s32 $0xFFFFFF80  }
0x17: {  	[tilespmem:s13], [sflag:$0x1] =	stream.indirect.gather [hbm4b:s3+s12], $0x80, s2, s12, $0xb8;
	[tilespmem:$0x8100] =	vst v63  }
0x18: {  	s20 =	sadd.s32 $0x0, s10  }
0x19: {  	[tilespmem:s12], [sflag:$0x3] =	stream.linear.gather [hbm4b:s20+s2], $0x80, $0x38;
	[tilespmem:$0x8100] =	vst v63  }
0x1a: {  	_ =	swait.ge [sflag:s11], $0x80  }
0x1b: {  	[sflag:s11] =	ssyncset.done $0x0  }
0x1c: {  	[sflag:s11] =	ssyncadd.s32 $0xFFFFFF80  }
0x1d: {  	[tilespmem:s14], [sflag:$0x2] =	stream.indirect.gather [hbm4b:s3+s12], $0x80, s12, s12, $0xb8;
	[tilespmem:$0x8100] =	vst v63  }
0x1e: {  	s29 =	sand.u32 $0x1FFF0000, s9;
	_ =	swait.ge [sflag:s15], $0x4000  }
0x1f: {  	s21 =	sand.u32 $0xF000, s9;
	s20 =	sadd.s32 s4, s29;
	[sflag:s15] =	ssyncset.done $0x0  }
0x20: {  	s21 =	sadd.s32 s21, s20;
	[sflag:s15] =	ssyncadd.s32 $0xFFFFC000  }
0x21: {  	[hbm4b:s21+s2] =	stream.linear.scatter [tilespmem:s13], [sflag:$0x3], $0x4000, $0x38;
	[tilespmem:$0x8100] =	vst v63  }
0x22: {  	_ =	swait.ge [sflag:s11], $0x4000  }
0x23: {  	[sflag:s11] =	ssyncset.done $0x0  }
0x24: {  	s30 =	sadd.s32 $0x0, s8;
	[sflag:s11] =	ssyncadd.s32 $0xFFFFC000  }
0x25: {  	[tilespmem:s2], [sflag:$0x3] =	stream.linear.gather [hbm4b:s30+s2], $0x80, $0x38;
	[tilespmem:$0x8100] =	vst v63  }
0x26: {  	_ =	swait.ge [sflag:s11], $0x80  }
0x27: {  	[sflag:s11] =	ssyncset.done $0x0  }
0x28: {  	[sflag:s11] =	ssyncadd.s32 $0xFFFFFF80  }
0x29: {  	[tilespmem:s13], [sflag:$0x1] =	stream.indirect.gather [hbm4b:s3+s12], $0x80, s2, s12, $0xb8;
	[tilespmem:$0x8100] =	vst v63  }
0x2a: {  	s31 =	sadd.s32 $0x800, s9;
	_ =	swait.ge [sflag:s16], $0x4000  }
0x2b: {  	s21 =	sand.u32 $0xF800, s31;
	[sflag:s16] =	ssyncset.done $0x0  }
0x2c: {  	s20 =	sadd.s32 s21, s20;
	[sflag:s16] =	ssyncadd.s32 $0xFFFFC000  }
0x2d: {  	[hbm4b:s20+s2] =	stream.linear.scatter [tilespmem:s14], [sflag:$0x3], $0x4000, $0x38;
	[tilespmem:$0x8100] =	vst v63  }
0x2e: {  	s22 =	simm.s32 $0x40;
	_ =	swait.ge [sflag:s11], $0x4000  }
0x2f: {  	s21 =	simm.s32 $0x20;
	s20 =	sadd.s32 $0x1000, s9;
	[sflag:s11] =	ssyncset.done $0x0  }
.LBB2_2:
0x30: {  	s23 =	sadd.s32 s21, s10  }
0x31: {  	[sflag:s11] =	ssyncadd.s32 $0xFFFFC000;
	s24 =	smov.u32 s22;
	s25 =	sadd.s32 $0x20, s22  }
0x32: {  	[tilespmem:s12], [sflag:$0x3] =	stream.linear.gather [hbm4b:s23+s2], $0x80, $0x38;
	[tilespmem:$0x8100] =	vst v63  }
0x33: {  	p0 =	sne.s32 s22, $0x160;
	_ =	swait.ge [sflag:s11], $0x80  }
0x34: {  	[sflag:s11] =	ssyncset.done $0x0  }
0x35: {  	[sflag:s11] =	ssyncadd.s32 $0xFFFFFF80  }
0x36: {  	[tilespmem:s14], [sflag:$0x2] =	stream.indirect.gather [hbm4b:s3+s12], $0x80, s12, s12, $0xb8;
	[tilespmem:$0x8100] =	vst v63  }
0x37: {  	s22 =	sand.u32 $0x1FFF0000, s20;
	_ =	swait.ge [sflag:s15], $0x4000  }
0x38: {  	s22 =	sadd.s32 s4, s22;
	s23 =	sand.u32 $0xF000, s20;
	[sflag:s15] =	ssyncset.done $0x0  }
0x39: {  	s23 =	sadd.s32 s23, s22;
	[sflag:s15] =	ssyncadd.s32 $0xFFFFC000  }
0x3a: {  	[hbm4b:s23+s2] =	stream.linear.scatter [tilespmem:s13], [sflag:$0x3], $0x4000, $0x38;
	[tilespmem:$0x8100] =	vst v63  }
0x3b: {  	_ =	swait.ge [sflag:s11], $0x4000  }
0x3c: {  	[sflag:s11] =	ssyncset.done $0x0  }
0x3d: {  	s23 =	sadd.s32 s21, s8;
	s21 =	smov.u32 s24;
	[sflag:s11] =	ssyncadd.s32 $0xFFFFC000  }
0x3e: {  	[tilespmem:s2], [sflag:$0x3] =	stream.linear.gather [hbm4b:s23+s2], $0x80, $0x38;
	[tilespmem:$0x8100] =	vst v63  }
0x3f: {  	_ =	swait.ge [sflag:s11], $0x80  }
0x40: {  	[sflag:s11] =	ssyncset.done $0x0  }
0x41: {  	[sflag:s11] =	ssyncadd.s32 $0xFFFFFF80  }
0x42: {  	[tilespmem:s13], [sflag:$0x1] =	stream.indirect.gather [hbm4b:s3+s12], $0x80, s2, s12, $0xb8;
	[tilespmem:$0x8100] =	vst v63  }
0x43: {  	s23 =	sadd.s32 $0x800, s20;
	_ =	swait.ge [sflag:s16], $0x4000  }
.Ltmp0:
0x44: {  	s23 =	sand.u32 $0xF800, s23;
	[sflag:s16] =	ssyncset.done $0x0;
	(pc) =	sbr.rel @p0 .LBB2_2-.Ltmp0, $4  }
0x45: {  	s22 =	sadd.s32 s23, s22;
	[sflag:s16] =	ssyncadd.s32 $0xFFFFC000  }
0x46: {  	[hbm4b:s22+s2] =	stream.linear.scatter [tilespmem:s14], [sflag:$0x3], $0x4000, $0x38;
	[tilespmem:$0x8100] =	vst v63  }
0x47: {  	_ =	swait.ge [sflag:s11], $0x4000  }
0x48: {  	s20 =	sadd.s32 $0x1000, s20;
	s22 =	smov.u32 s25;
	[sflag:s11] =	ssyncset.done $0x0  }
0x49: {  	s22 =	sadd.s32 s21, s10;
	[sflag:s11] =	ssyncadd.s32 $0xFFFFC000  }
0x4a: {  	[tilespmem:s12], [sflag:$0x3] =	stream.linear.gather [hbm4b:s22+s2], $0x80, $0x38;
	[tilespmem:$0x8100] =	vst v63  }
0x4b: {  	_ =	swait.ge [sflag:s11], $0x80  }
0x4c: {  	[sflag:s11] =	ssyncset.done $0x0  }
0x4d: {  	[sflag:s11] =	ssyncadd.s32 $0xFFFFFF80  }
0x4e: {  	[tilespmem:s14], [sflag:$0x2] =	stream.indirect.gather [hbm4b:s3+s12], $0x80, s12, s12, $0xb8;
	[tilespmem:$0x8100] =	vst v63  }
0x4f: {  	s29 =	sand.u32 $0x1FFF0000, s20;
	_ =	swait.ge [sflag:s15], $0x4000  }
0x50: {  	s23 =	sand.u32 $0xF000, s20;
	s22 =	sadd.s32 s4, s29;
	[sflag:s15] =	ssyncset.done $0x0  }
0x51: {  	s23 =	sadd.s32 s23, s22;
	[sflag:s15] =	ssyncadd.s32 $0xFFFFC000  }
0x52: {  	[hbm4b:s23+s2] =	stream.linear.scatter [tilespmem:s13], [sflag:$0x3], $0x4000, $0x38;
	[tilespmem:$0x8100] =	vst v63  }
0x53: {  	_ =	swait.ge [sflag:s11], $0x4000  }
0x54: {  	[sflag:s11] =	ssyncset.done $0x0  }
0x55: {  	s30 =	sadd.s32 s21, s8;
	[sflag:s11] =	ssyncadd.s32 $0xFFFFC000  }
0x56: {  	[tilespmem:s2], [sflag:$0x3] =	stream.linear.gather [hbm4b:s30+s2], $0x80, $0x38;
	[tilespmem:$0x8100] =	vst v63  }
0x57: {  	_ =	swait.ge [sflag:s11], $0x80  }
0x58: {  	[sflag:s11] =	ssyncset.done $0x0  }
0x59: {  	[sflag:s11] =	ssyncadd.s32 $0xFFFFFF80  }
0x5a: {  	[tilespmem:s13], [sflag:$0x1] =	stream.indirect.gather [hbm4b:s3+s12], $0x80, s2, s12, $0xb8;
	[tilespmem:$0x8100] =	vst v63  }
0x5b: {  	s31 =	sadd.s32 $0x800, s20;
	_ =	swait.ge [sflag:s16], $0x4000  }
0x5c: {  	s20 =	sand.u32 $0xF800, s31;
	[sflag:s16] =	ssyncset.done $0x0  }
0x5d: {  	s20 =	sadd.s32 s20, s22;
	[sflag:s16] =	ssyncadd.s32 $0xFFFFC000  }
0x5e: {  	[hbm4b:s20+s2] =	stream.linear.scatter [tilespmem:s14], [sflag:$0x3], $0x4000, $0x38;
	[tilespmem:$0x8100] =	vst v63  }
0x5f: {  	_ =	swait.ge [sflag:s11], $0x4000  }
0x60: {  	[sflag:s11] =	ssyncset.done $0x0  }
0x61: {  	[sflag:s11] =	ssyncadd.s32 $0xFFFFC000  }
0x62: {  	[tilespmem:s12], [sflag:$0x3] =	stream.linear.gather [hbm4b:s7+s2], $0x80, $0x38;
	[tilespmem:$0x8100] =	vst v63  }
0x63: {  	_ =	swait.ge [sflag:s11], $0x80  }
0x64: {  	[sflag:s11] =	ssyncset.done $0x0  }
0x65: {  	[sflag:s11] =	ssyncadd.s32 $0xFFFFFF80  }
0x66: {  	[tilespmem:s14], [sflag:$0x2] =	stream.indirect.gather [hbm4b:s3+s12], $0x80, s12, s12, $0xb8;
	[tilespmem:$0x8100] =	vst v63  }
0x67: {  	_ =	swait.ge [sflag:s15], $0x4000  }
0x68: {  	[sflag:s15] =	ssyncset.done $0x0  }
0x69: {  	[sflag:s15] =	ssyncadd.s32 $0xFFFFC000  }
0x6a: {  	[hbm4b:s17+s2] =	stream.linear.scatter [tilespmem:s13], [sflag:$0x3], $0x4000, $0x38;
	[tilespmem:$0x8100] =	vst v63  }
0x6b: {  	_ =	swait.ge [sflag:s11], $0x4000  }
0x6c: {  	[sflag:s11] =	ssyncset.done $0x0  }
0x6d: {  	[sflag:s11] =	ssyncadd.s32 $0xFFFFC000  }
0x6e: {  	s19 =	sadd.s32 $0x1, s19;
	_ =	swait.ge [sflag:s16], $0x4000  }
0x6f: {  	p0 =	sne.s32 s19, s6;
	[sflag:s16] =	ssyncset.done $0x0  }
.Ltmp1:
0x70: {  	[sflag:s16] =	ssyncadd.s32 $0xFFFFC000;
	(pc) =	sbr.rel @p0 .LBB2_1-.Ltmp1, $4  }
0x71: {  	[hbm4b:s18+s2] =	stream.linear.scatter [tilespmem:s14], [sflag:$0x3], $0x4000, $0x38;
	[tilespmem:$0x8100] =	vst v63  }
0x72: {  	_ =	swait.ge [sflag:s11], $0x4000  }
0x73: {  	[sflag:s11] =	ssyncset.done $0x0  }
0x74: {  	[sflag:s11] =	ssyncadd.s32 $0xFFFFC000  }
0x75: {  	_ =	sfence.sel $0x180000  }
0x76: {  	[bflag:$0x0] =	sbarrier.arrive $0xFFFF  }
0x77: {  	p0 =	sne.s32 s1, $0x0;
	_ =	strace $0x90000053  }
0x78: {  	s0 =	sadd.s32 @!p0 $0x100000, s0;
	[bflag:$0x2] =	sbarrier.arrive $0xFFFF  }
0x79: {  	[sflag:s0] =	ssyncadd.tile.s32 @!p0 $0x1;
	_ =	shalt  }
.Lfunc_end2:
_tile_overlayer_lowered:
.L_overlay_start_2:
0x7a: {  	(tag) =	ssettag $0x2  }
0x7b: {  	s0 =	rddreg [dreg:$0x0];
	s2 =	stileid.u32  }
0x7c: {  	s1 =	rddreg [dreg:$0x1];
	p0 =	sne.s32 s2, $0x0  }
0x7d: {  	s3 =	rddreg [dreg:$0x2];
	[bflag:$0x3] =	sbarrier.arrive $0xFFFF;
	s2 =	simm.s32 @!p0 $0x1C03  }
0x7e: {  	[timem:s3], [sflag:s2] =	dma.local @!p0 [hbm:s0], s1  }
0x7f: {  	s0 =	simm.s32 @!p0 $0x3  }
0x80: {  	_ =	swait.ge @!p0 [sflag:s0], s1  }
0x81: {  	s1 =	ssub.s32 @!p0 $0x0, s1;
	[sflag:s0] =	ssyncset.done @!p0 $0x0  }
0x82: {  	[sflag:s0] =	ssyncadd.s32 @!p0 s1  }
0x83: {  	[bflag:$0x3] =	sbarrier.arrive $0xFFFF  }
0x84: {  	_ =	shalt  }

// kernel: kernel.13.cloned.1.call-start
scs
__scs_entry_jumppad:
0x0: {  	(pc) =	sbr.rel $0x88, $3  }
0x1: {  	(tag) =	ssettag $0x0;
	lr =	simm.s32 $0x1  }
0x2: {  	[smem:$0x3F94] =	sst lr;
	_ =	strace $0xD0000000  }
0x3: {  	_ = 	snop  }
0x4: {  	_ = 	snop  }
0x5: {  	_ = 	snop  }
0x6: {  	_ = 	snop  }
0x7: {  	_ = 	snop  }
__scs_overlays_trampoline_lowered:
0x8: {  	[smem:$0x3FA3] =	sst s0  }
0x9: {  	[smem:$0x3FA4] =	sst s1  }
0xa: {  	[smem:$0x3FA5] =	sst s2  }
0xb: {  	[smem:$0x3FA6] =	sst s3  }
0xc: {  	[smem:$0x3FA7] =	sst s4  }
0xd: {  	[smem:$0x3FA8] =	sst s5  }
0xe: {  	[smem:$0x3FA9] =	sst s6  }
0xf: {  	[smem:$0x3FAA] =	sst s7  }
0x10: {  	[smem:$0x3FAB] =	sst s8  }
0x11: {  	[smem:$0x3FAC] =	sst s9;
	s0 =	simm.s32 @!p0 $0x0  }
0x12: {  	s1 =	sld [smem:$0x3F92];
	s0 =	simm.s32 @p0 $0x1  }
0x13: {  	[smem:$0x3FAD] =	sst s0;
	s0 =	simm.s32 @!p1 $0x0  }
0x14: {  	s2 =	sld [smem:$0x3F91];
	s0 =	simm.s32 @p1 $0x1  }
0x15: {  	[smem:$0x3FAE] =	sst s0;
	s0 =	simm.s32 @!p2 $0x0  }
0x16: {  	s3 =	sld [smem:$0x3FDB];
	s0 =	simm.s32 @p2 $0x1  }
0x17: {  	s4 =	simm.s32 $0x1BF5;
	[smem:$0x3FB0] =	sst s0  }
0x18: {  	s0 =	sld [smem:$0x3F93];
	_ =	swait.ge [sflag:s4], $0x0  }
0x19: {  	s7 =	sld [smem:$0x3F94]  }
0x1a: {  	s8 =	sadd.s32 $0xFFFFE003, lr  }
0x1b: {  	s9 =	sadd.s32 $0xFFFFFEF7, lr;
	s5 =	simm.s32 $0xFFFFFFFF;
	p2 =	slt.u32 s8, $0xFFFFF086  }
0x1c: {  	p1 =	slt.u32 s9, $0xF7A;
	s5 =	simm.s32 @!p2 $0x0  }
0x1d: {  	s5 =	simm.s32 @p1 $0x1;
	p0 =	seq.s32 s7, s2  }
0x1e: {  	s7 =	smul.u32 @!p0 $0xF7A, s2;
	p2 =	seq.s32 @!p0 s5, $0x0  }
0x1f: {  	s9 =	smul.u32 $0xF7A, s1;
	s8 =	simm.s32 @!p0 $0x1BF5;
	p2 =	por !p2, p0  }
0x20: {  	[sflag:s8] =	ssyncset.s32 @!p0 $0xFFFFF086;
	s6 =	sadd.s32 @!p0 s3, s7;
	s7 =	simm.s32 @!p0 $0x108  }
0x21: {  	s3 =	sadd.s32 s3, s9;
	s6 =	sadd.s32 @!p0 $0x88, s6;
	s7 =	simm.s32 @p2 $0x1082  }
0x22: {  	[simem:s7], [sflag:s8] =	dma.local @!p0 [hbm:s6], $0xF7A  }
0x23: {  	s9 =	sor.u32 $0xD0000000, s2;
	s6 =	simm.s32 $0x108;
	_ =	swait.ge @!p0 [sflag:s8], $0x0  }
0x24: {  	s3 =	sadd.s32 $0x88, s3;
	s6 =	simm.s32 @!p1 $0x1082;
	[sflag:s4] =	ssyncset.s32 $0xFFFFF086  }
0x25: {  	[simem:s6], [sflag:s4] =	dma.local [hbm:s3], $0xF7A  }
0x26: {  	[smem:$0x3F94] =	sst s1;
	(tag) =	ssettag s2;
	_ =	strace s9  }
0x27: {  	s1 =	sld [smem:$0x3FA4]  }
0x28: {  	s2 =	sld [smem:$0x3FA5]  }
0x29: {  	s4 =	sld [smem:$0x3FA7]  }
0x2a: {  	p0 =	seq.s32 s5, $0x0;
	s5 =	sld [smem:$0x3FA8]  }
0x2b: {  	s6 =	sld [smem:$0x3FA9]  }
0x2c: {  	s7 =	sld [smem:$0x3FAA]  }
0x2d: {  	s3 =	simm.s32 $0x108;
	s8 =	sld [smem:$0x3FAB]  }
0x2e: {  	s3 =	simm.s32 @!p0 $0x1082;
	s9 =	sld [smem:$0x3FAC]  }
0x2f: {  	lr =	sadd.s32 s0, s3;
	s0 =	sld [smem:$0x3FA3]  }
0x30: {  	s3 =	sld [smem:$0x3FA6]  }
0x31: {  	[smem:$0x3FAF] =	sst s10  }
0x32: {  	s10 =	sld [smem:$0x3FAD];
	_ =	sdelay $0x3  }
0x33: {  	p0 =	seq.s32 s10, $0x1;
	s10 =	sld [smem:$0x3FAF];
	_ =	sdelay $0x3  }
0x34: {  	[smem:$0x3FAF] =	sst s10  }
0x35: {  	s10 =	sld [smem:$0x3FAE];
	_ =	sdelay $0x3  }
0x36: {  	p1 =	seq.s32 s10, $0x1;
	s10 =	sld [smem:$0x3FAF];
	_ =	sdelay $0x3  }
0x37: {  	[smem:$0x3FAF] =	sst s10  }
0x38: {  	s10 =	sld [smem:$0x3FB0]  }
0x39: {  	_ = 	snop;
	(pc) =	sbr.ind lr, $3  }
0x3a: {  	_ = 	snop  }
0x3b: {  	_ = 	snop  }
0x3c: {  	p2 =	seq.s32 s10, $0x1;
	s10 =	sld [smem:$0x3FAF]  }
0x3d: {  	_ =	shalt  }
0x3e: {  	_ =	shalt  }
0x3f: {  	_ =	shalt  }
0x40: {  	_ =	shalt  }
0x41: {  	_ =	shalt  }
0x42: {  	_ =	shalt  }
0x43: {  	_ =	shalt  }
0x44: {  	_ =	shalt  }
0x45: {  	_ =	shalt  }
0x46: {  	_ =	shalt  }
0x47: {  	_ =	shalt  }
0x48: {  	_ =	shalt  }
0x49: {  	_ =	shalt  }
0x4a: {  	_ =	shalt  }
0x4b: {  	_ =	shalt  }
0x4c: {  	_ =	shalt  }
0x4d: {  	_ =	shalt  }
0x4e: {  	_ =	shalt  }
0x4f: {  	_ =	shalt  }
0x50: {  	_ =	shalt  }
0x51: {  	_ =	shalt  }
0x52: {  	_ =	shalt  }
0x53: {  	_ =	shalt  }
0x54: {  	_ =	shalt  }
0x55: {  	_ =	shalt  }
0x56: {  	_ =	shalt  }
0x57: {  	_ =	shalt  }
0x58: {  	_ =	shalt  }
0x59: {  	_ =	shalt  }
0x5a: {  	_ =	shalt  }
0x5b: {  	_ =	shalt  }
0x5c: {  	_ =	shalt  }
0x5d: {  	_ =	shalt  }
0x5e: {  	_ =	shalt  }
0x5f: {  	_ =	shalt  }
0x60: {  	_ =	shalt  }
0x61: {  	_ =	shalt  }
0x62: {  	_ =	shalt  }
0x63: {  	_ =	shalt  }
0x64: {  	_ =	shalt  }
0x65: {  	_ =	shalt  }
0x66: {  	_ =	shalt  }
0x67: {  	_ =	shalt  }
0x68: {  	_ =	shalt  }
0x69: {  	_ =	shalt  }
0x6a: {  	_ =	shalt  }
0x6b: {  	_ =	shalt  }
0x6c: {  	_ =	shalt  }
0x6d: {  	_ =	shalt  }
0x6e: {  	_ =	shalt  }
0x6f: {  	_ =	shalt  }
0x70: {  	_ =	shalt  }
0x71: {  	_ =	shalt  }
0x72: {  	_ =	shalt  }
0x73: {  	_ =	shalt  }
0x74: {  	_ =	shalt  }
0x75: {  	_ =	shalt  }
0x76: {  	_ =	shalt  }
0x77: {  	_ =	shalt  }
0x78: {  	_ =	shalt  }
0x79: {  	_ =	shalt  }
0x7a: {  	_ =	shalt  }
0x7b: {  	_ =	shalt  }
0x7c: {  	_ =	shalt  }
0x7d: {  	_ =	shalt  }
0x7e: {  	_ =	shalt  }
0x7f: {  	_ =	shalt  }
0x80: {  	_ =	shalt  }
0x81: {  	_ =	shalt  }
0x82: {  	_ =	shalt  }
0x83: {  	_ =	shalt  }
0x84: {  	_ =	shalt  }
0x85: {  	_ =	shalt  }
0x86: {  	_ =	shalt  }
0x87: {  	_ =	shalt  }
.Lfunc_end0:
.L_simem_size_0:
called_computation.2_lowered:
.L_overlay_start_0:
0x88: {  	s2 =	sld [smem:$0x3FD9]  }
0x89: {  	s3 =	sld [smem:$0x3FFE];
	_ =	sdelay $0x1  }
0x8a: {  	s1 =	srdreg.scid  }
0x8b: {  	s0 =	sand.u32 $0x1, s1  }
0x8c: {  	s17 =	sshll.u32 s0, $0xA;
	s2 =	sadd.s32 s3, s2  }
0x8d: {  	s2 =	sadd.s32 s2, s17  }
0x8e: {  	[smem:$0x3FBB] =	sst s2  }
0x8f: {  	_ = 	snop  }
0x90: {  	(tm) =	ssettm $0x1  }
0x91: {  	s18 =	sld [smem:$0x3FFB];
	_ =	sdelay $0x3  }
0x92: {  	_ =	strace s18  }
0x93: {  	s2 =	sld [smem:$0x3FFC];
	_ =	sdelay $0x3  }
0x94: {  	_ =	strace s2  }
0x95: {  	s2 =	sld [smem:$0x3FFD];
	_ =	sdelay $0x3  }
0x96: {  	_ =	strace s2  }
0x97: {  	_ =	strace $0x8FFFFFFF  }
0x98: {  	s19 =	sld [smem:$0x3FDB];
	_ =	sdelay $0x1  }
0x99: {  	s20 =	simm.s32 $_scs_section_size  }
0x9a: {  	s4 =	simm.s32 $_size__tile_overlayer_lowered;
	s5 =	simm.s32 $_tile_overlayer_lowered  }
0x9b: {  	s6 =	simm.s32 $0x1BFF;
	s21 =	sshll.u32 s5, $0x1;
	s3 =	sadd.s32 s20, s19  }
0x9c: {  	s22 =	simm.s32 $0x0;
	s4 =	sshll.u32 s4, $0x1;
	s5 =	sadd.s32 s21, s3  }
0x9d: {  	[timem:s22], [sflag:s6] =	dma.local [hbm:s5], s4  }
0x9e: {  	_ =	swait.ge [sflag:s6], s4  }
0x9f: {  	s4 =	ssub.s32 $0x0, s4;
	[sflag:s6] =	ssyncset.done $0x0  }
0xa0: {  	[sflag:s6] =	ssyncadd.s32 s4;
	_ =	sdelay $0x1  }
0xa1: {  	s23 =	simm.s32 $0x1B8B  }
0xa2: {  	_ =	swait.ge [sflag:s23], $0x1  }
0xa3: {  	[sflag:s23] =	ssyncset.done $0x0  }
0xa4: {  	[sflag:s23] =	ssyncadd.s32 $0xFFFFFFFF  }
0xa5: {  	s4 =	sld [smem:$0x0]  }
0xa6: {  	s5 =	sand.u32 $0xFFFFFFFE, s1  }
0xa7: {  	p0 =	sne.s32 s1, s5  }
0xa8: {  	s5 =	sshll.u32 @p0 s5, $0xE  }
0xa9: {  	s5 =	sadd.s32 @p0 $0x11B8D, s5;
	s6 =	sshll.u32 @p0 s4, $0x11  }
0xaa: {  	s5 =	sor.u32 @p0 s6, s5  }
0xab: {  	[sflag:s5] =	ssyncadd.remote.s32 @p0 $0x1;
	_ =	sdelay $0x1  }
0xac: {  	s5 =	simm.s32 @p0 $0x1B8D  }
0xad: {  	_ =	swait.eq @p0 [sflag:s5], $0x1  }
0xae: {  	[sflag:s5] =	ssyncadd.s32 @p0 $0xFFFFFFFF  }
0xaf: {  	s6 =	sshll.u32 @!p0 s1, $0xE  }
0xb0: {  	s6 =	sor.u32 @!p0 $0x4000, s6;
	s5 =	simm.s32 @!p0 $0x1B8D  }
0xb1: {  	s4 =	sshll.u32 @!p0 s4, $0x11;
	s6 =	sadd.s32 @!p0 $0x11B8D, s6;
	_ =	swait.eq @!p0 [sflag:s5], $0x1  }
0xb2: {  	s4 =	sor.u32 @!p0 s4, s6;
	[sflag:s5] =	ssyncadd.s32 @!p0 $0xFFFFFFFF  }
0xb3: {  	s25 =	simm.s32 $0x1B8E;
	s24 =	sld [smem:$0x3FFE];
	[sflag:s4] =	ssyncadd.remote.s32 @!p0 $0x1  }
0xb4: {  	s26 =	simm.s32 $execute0_lowered;
	[smem:$0x3FD2] =	sst s25  }
0xb5: {  	s5 =	sshll.u32 s26, $0x1;
	_ =	strace $0x8000004F;
	[dreg:$0x1] =	wrdreg $0xFFFFFFFF  }
0xb6: {  	s28 =	simm.s32 $_size_execute0_lowered;
	s3 =	sadd.s32 s3, s5;
	[dreg:$0x0] =	wrdreg $0x0  }
0xb7: {  	s5 =	sshll.u32 s28, $0x1;
	[dreg:$0x2] =	wrdreg s3  }
0xb8: {  	[dreg:$0x3] =	wrdreg s5  }
0xb9: {  	[dreg:$0x4] =	wrdreg $0xC0  }
0xba: {  	_ =	task [dreg:s22], $0x5FFFF  }
0xbb: {  	[dreg:$0x1] =	wrdreg $0xFFFFFFFF  }
0xbc: {  	[dreg:$0x0] =	wrdreg $0x60  }
0xbd: {  	[dreg:$0x2] =	wrdreg s24  }
0xbe: {  	[dreg:$0x3] =	wrdreg $0xA  }
0xbf: {  	_ =	task.clear_ibuf [dreg:s22], $0x4FFFF;
	_ =	strace $0x9000004F  }
0xc0: {  	s29 =	simm.s32 $0xA;
	_ =	strace $0x80000051  }
0xc1: {  	_ =	swait.ge [sflag:s29], $0x1  }
0xc2: {  	[sflag:s29] =	ssyncadd.s32 $0xFFFFFFFF  }
0xc3: {  	_ =	strace $0x90000051  }
0xc4: {  	_ =	sfence  }
0xc5: {  	s30 =	sld [smem:$0x0];
	_ =	sdelay $0x2  }
0xc6: {  	s31 =	sshll.u32 s1, $0xD;
	s1 =	sshrl.u32 s1, $0x2  }
0xc7: {  	s4 =	sand.u32 $0x4000, s31;
	s1 =	sadd.s32 s1, s30  }
0xc8: {  	s0 =	sor.u32 s4, s0;
	s1 =	sshll.u32 s1, $0x11  }
0xc9: {  	s0 =	sor.u32 s1, s0  }
0xca: {  	s0 =	sadd.s32 $0x8F2B, s0  }
0xcb: {  	[sflag:s0] =	ssyncadd.remote.s32 $0x1  }
0xcc: {  	_ =	sfence.sel $0xFFFF  }
0xcd: {  	[dreg:$0x0] =	wrdreg $0xFFFFFFFF;
	(pc) =	sbr.abs _section_cstart, $3  }
0xce: {  	[dreg:$0x1] =	wrdreg $0xFFFFFFFF  }
0xcf: {  	_ =	task.clear_ibuf [dreg:s22], $0x2FFFF;
	_ =	strace $0x9FFFFFFF  }
0xd0: {  	(tm) =	ssettm $0x7FFFFFFF  }
0xd1: {  	_ =	shalt  }
tec
execute0_lowered:
.L_overlay_start_1:
0x0: {  	(tag) =	ssettag $0x1  }
0x1: {  	s4 =	rddreg [dreg:$0x0];
	s1 =	stileid.u32  }
0x2: {  	s0 =	rddreg [dreg:$0x1];
	s2 =	simm.s32 $0x0;
	s23 =	smul.u32 $0x340, s1  }
0x3: {  	s3 =	srdreg.scid;
	s16 =	simm.s32 $0x2;
	s14 =	smul.u32 $0x34, s1  }
0x4: {  	[smem:$0x7FF] =	sst s2;
	s8 =	sand.u32 $0x1, s3;
	s26 =	smul.u32 $0x1A000, s1  }
0x5: {  	s20 =	sshll.u32 s1, $0x1;
	s9 =	sadd.s32 $0x2E00, s4;
	s15 =	smul.u32 $0x1A, s8  }
0x6: {  	s3 =	sadd.s32 $0xE200, s4;
	s4 =	sadd.s32 $0x4D8000, s4;
	s25 =	smul.u32 $0x1A0, s8  }
0x7: {  	s5 =	ssub.s32 $0x2, s8;
	s6 =	sor.u32 s8, s20;
	s28 =	smul.u32 $0xD000, s8  }
0x8: {  	_ =	strace $0x80000050;
	s7 =	sshrl.u32 s5, $0x1;
	s10 =	smul.u32 $0x1A0, s6  }
0x9: {  	s11 =	smul.u32 $0x1A, s6;
	s7 =	ssub.s32 s5, s7;
	s14 =	sadd.s32 s15, s14  }
0xa: {  	s15 =	simm.s32 $0x1;
	s5 =	sadd.s32 s9, s10;
	s6 =	smax.u32 s7, $0x1  }
0xb: {  	s21 =	sshll.u32 s11, $0xB;
	s22 =	sadd.s32 $0x19, s11;
	s11 =	sadd.s32 s23, s9  }
0xc: {  	s29 =	sshll.u32 s14, $0x4;
	s14 =	simm.s32 $0x4100;
	s12 =	sshll.u32 s22, $0x4  }
0xd: {  	s13 =	sadd.s32 $0xC000, s21;
	s10 =	sshll.u32 s22, $0xB;
	s30 =	sadd.s32 s25, s11  }
0xe: {  	s31 =	sadd.s32 s29, s9;
	s11 =	simm.s32 $0x3;
	s7 =	sadd.s32 s9, s12  }
0xf: {  	s24 =	sand.u32 $0x3F0000, s13;
	s17 =	sand.u32 $0xF000, s13;
	s19 =	sand.u32 $0xF800, s10  }
0x10: {  	s8 =	sadd.s32 $0x20, s30;
	s9 =	sadd.s32 s28, s26;
	s10 =	sadd.s32 $0x10, s31  }
0x11: {  	s12 =	simm.s32 $0x80;
	s13 =	simm.s32 $0x100;
	s18 =	sadd.s32 s4, s24  }
0x12: {  	s17 =	sadd.s32 s17, s18;
	s18 =	sadd.s32 s19, s18;
	s19 =	simm.s32 $0x0  }
.LBB2_1:
0x13: {  	[tilespmem:s2], [sflag:$0x3] =	stream.linear.gather [hbm4b:s5+s2], $0x80, $0x38;
	[tilespmem:$0x8100] =	vst v63  }
0x14: {  	_ =	swait.ge [sflag:s11], $0x80  }
0x15: {  	[sflag:s11] =	ssyncset.done $0x0  }
0x16: {  	[sflag:s11] =	ssyncadd.s32 $0xFFFFFF80  }
0x17: {  	[tilespmem:s13], [sflag:$0x1] =	stream.indirect.gather [hbm4b:s3+s12], $0x80, s2, s12, $0xb8;
	[tilespmem:$0x8100] =	vst v63  }
0x18: {  	s20 =	sadd.s32 $0x0, s10  }
0x19: {  	[tilespmem:s12], [sflag:$0x3] =	stream.linear.gather [hbm4b:s20+s2], $0x80, $0x38;
	[tilespmem:$0x8100] =	vst v63  }
0x1a: {  	_ =	swait.ge [sflag:s11], $0x80  }
0x1b: {  	[sflag:s11] =	ssyncset.done $0x0  }
0x1c: {  	[sflag:s11] =	ssyncadd.s32 $0xFFFFFF80  }
0x1d: {  	[tilespmem:s14], [sflag:$0x2] =	stream.indirect.gather [hbm4b:s3+s12], $0x80, s12, s12, $0xb8;
	[tilespmem:$0x8100] =	vst v63  }
0x1e: {  	s29 =	sand.u32 $0x1FFF0000, s9;
	_ =	swait.ge [sflag:s15], $0x4000  }
0x1f: {  	s21 =	sand.u32 $0xF000, s9;
	s20 =	sadd.s32 s4, s29;
	[sflag:s15] =	ssyncset.done $0x0  }
0x20: {  	s21 =	sadd.s32 s21, s20;
	[sflag:s15] =	ssyncadd.s32 $0xFFFFC000  }
0x21: {  	[hbm4b:s21+s2] =	stream.linear.scatter [tilespmem:s13], [sflag:$0x3], $0x4000, $0x38;
	[tilespmem:$0x8100] =	vst v63  }
0x22: {  	_ =	swait.ge [sflag:s11], $0x4000  }
0x23: {  	[sflag:s11] =	ssyncset.done $0x0  }
0x24: {  	s30 =	sadd.s32 $0x0, s8;
	[sflag:s11] =	ssyncadd.s32 $0xFFFFC000  }
0x25: {  	[tilespmem:s2], [sflag:$0x3] =	stream.linear.gather [hbm4b:s30+s2], $0x80, $0x38;
	[tilespmem:$0x8100] =	vst v63  }
0x26: {  	_ =	swait.ge [sflag:s11], $0x80  }
0x27: {  	[sflag:s11] =	ssyncset.done $0x0  }
0x28: {  	[sflag:s11] =	ssyncadd.s32 $0xFFFFFF80  }
0x29: {  	[tilespmem:s13], [sflag:$0x1] =	stream.indirect.gather [hbm4b:s3+s12], $0x80, s2, s12, $0xb8;
	[tilespmem:$0x8100] =	vst v63  }
0x2a: {  	s31 =	sadd.s32 $0x800, s9;
	_ =	swait.ge [sflag:s16], $0x4000  }
0x2b: {  	s21 =	sand.u32 $0xF800, s31;
	[sflag:s16] =	ssyncset.done $0x0  }
0x2c: {  	s20 =	sadd.s32 s21, s20;
	[sflag:s16] =	ssyncadd.s32 $0xFFFFC000  }
0x2d: {  	[hbm4b:s20+s2] =	stream.linear.scatter [tilespmem:s14], [sflag:$0x3], $0x4000, $0x38;
	[tilespmem:$0x8100] =	vst v63  }
0x2e: {  	s22 =	simm.s32 $0x40;
	_ =	swait.ge [sflag:s11], $0x4000  }
0x2f: {  	s21 =	simm.s32 $0x20;
	s20 =	sadd.s32 $0x1000, s9;
	[sflag:s11] =	ssyncset.done $0x0  }
.LBB2_2:
0x30: {  	s23 =	sadd.s32 s21, s10  }
0x31: {  	[sflag:s11] =	ssyncadd.s32 $0xFFFFC000;
	s24 =	smov.u32 s22;
	s25 =	sadd.s32 $0x20, s22  }
0x32: {  	[tilespmem:s12], [sflag:$0x3] =	stream.linear.gather [hbm4b:s23+s2], $0x80, $0x38;
	[tilespmem:$0x8100] =	vst v63  }
0x33: {  	p0 =	sne.s32 s22, $0x160;
	_ =	swait.ge [sflag:s11], $0x80  }
0x34: {  	[sflag:s11] =	ssyncset.done $0x0  }
0x35: {  	[sflag:s11] =	ssyncadd.s32 $0xFFFFFF80  }
0x36: {  	[tilespmem:s14], [sflag:$0x2] =	stream.indirect.gather [hbm4b:s3+s12], $0x80, s12, s12, $0xb8;
	[tilespmem:$0x8100] =	vst v63  }
0x37: {  	s22 =	sand.u32 $0x1FFF0000, s20;
	_ =	swait.ge [sflag:s15], $0x4000  }
0x38: {  	s22 =	sadd.s32 s4, s22;
	s23 =	sand.u32 $0xF000, s20;
	[sflag:s15] =	ssyncset.done $0x0  }
0x39: {  	s23 =	sadd.s32 s23, s22;
	[sflag:s15] =	ssyncadd.s32 $0xFFFFC000  }
0x3a: {  	[hbm4b:s23+s2] =	stream.linear.scatter [tilespmem:s13], [sflag:$0x3], $0x4000, $0x38;
	[tilespmem:$0x8100] =	vst v63  }
0x3b: {  	_ =	swait.ge [sflag:s11], $0x4000  }
0x3c: {  	[sflag:s11] =	ssyncset.done $0x0  }
0x3d: {  	s23 =	sadd.s32 s21, s8;
	s21 =	smov.u32 s24;
	[sflag:s11] =	ssyncadd.s32 $0xFFFFC000  }
0x3e: {  	[tilespmem:s2], [sflag:$0x3] =	stream.linear.gather [hbm4b:s23+s2], $0x80, $0x38;
	[tilespmem:$0x8100] =	vst v63  }
0x3f: {  	_ =	swait.ge [sflag:s11], $0x80  }
0x40: {  	[sflag:s11] =	ssyncset.done $0x0  }
0x41: {  	[sflag:s11] =	ssyncadd.s32 $0xFFFFFF80  }
0x42: {  	[tilespmem:s13], [sflag:$0x1] =	stream.indirect.gather [hbm4b:s3+s12], $0x80, s2, s12, $0xb8;
	[tilespmem:$0x8100] =	vst v63  }
0x43: {  	s23 =	sadd.s32 $0x800, s20;
	_ =	swait.ge [sflag:s16], $0x4000  }
.Ltmp0:
0x44: {  	s23 =	sand.u32 $0xF800, s23;
	[sflag:s16] =	ssyncset.done $0x0;
	(pc) =	sbr.rel @p0 .LBB2_2-.Ltmp0, $4  }
0x45: {  	s22 =	sadd.s32 s23, s22;
	[sflag:s16] =	ssyncadd.s32 $0xFFFFC000  }
0x46: {  	[hbm4b:s22+s2] =	stream.linear.scatter [tilespmem:s14], [sflag:$0x3], $0x4000, $0x38;
	[tilespmem:$0x8100] =	vst v63  }
0x47: {  	_ =	swait.ge [sflag:s11], $0x4000  }
0x48: {  	s20 =	sadd.s32 $0x1000, s20;
	s22 =	smov.u32 s25;
	[sflag:s11] =	ssyncset.done $0x0  }
0x49: {  	s22 =	sadd.s32 s21, s10;
	[sflag:s11] =	ssyncadd.s32 $0xFFFFC000  }
0x4a: {  	[tilespmem:s12], [sflag:$0x3] =	stream.linear.gather [hbm4b:s22+s2], $0x80, $0x38;
	[tilespmem:$0x8100] =	vst v63  }
0x4b: {  	_ =	swait.ge [sflag:s11], $0x80  }
0x4c: {  	[sflag:s11] =	ssyncset.done $0x0  }
0x4d: {  	[sflag:s11] =	ssyncadd.s32 $0xFFFFFF80  }
0x4e: {  	[tilespmem:s14], [sflag:$0x2] =	stream.indirect.gather [hbm4b:s3+s12], $0x80, s12, s12, $0xb8;
	[tilespmem:$0x8100] =	vst v63  }
0x4f: {  	s29 =	sand.u32 $0x1FFF0000, s20;
	_ =	swait.ge [sflag:s15], $0x4000  }
0x50: {  	s23 =	sand.u32 $0xF000, s20;
	s22 =	sadd.s32 s4, s29;
	[sflag:s15] =	ssyncset.done $0x0  }
0x51: {  	s23 =	sadd.s32 s23, s22;
	[sflag:s15] =	ssyncadd.s32 $0xFFFFC000  }
0x52: {  	[hbm4b:s23+s2] =	stream.linear.scatter [tilespmem:s13], [sflag:$0x3], $0x4000, $0x38;
	[tilespmem:$0x8100] =	vst v63  }
0x53: {  	_ =	swait.ge [sflag:s11], $0x4000  }
0x54: {  	[sflag:s11] =	ssyncset.done $0x0  }
0x55: {  	s30 =	sadd.s32 s21, s8;
	[sflag:s11] =	ssyncadd.s32 $0xFFFFC000  }
0x56: {  	[tilespmem:s2], [sflag:$0x3] =	stream.linear.gather [hbm4b:s30+s2], $0x80, $0x38;
	[tilespmem:$0x8100] =	vst v63  }
0x57: {  	_ =	swait.ge [sflag:s11], $0x80  }
0x58: {  	[sflag:s11] =	ssyncset.done $0x0  }
0x59: {  	[sflag:s11] =	ssyncadd.s32 $0xFFFFFF80  }
0x5a: {  	[tilespmem:s13], [sflag:$0x1] =	stream.indirect.gather [hbm4b:s3+s12], $0x80, s2, s12, $0xb8;
	[tilespmem:$0x8100] =	vst v63  }
0x5b: {  	s31 =	sadd.s32 $0x800, s20;
	_ =	swait.ge [sflag:s16], $0x4000  }
0x5c: {  	s20 =	sand.u32 $0xF800, s31;
	[sflag:s16] =	ssyncset.done $0x0  }
0x5d: {  	s20 =	sadd.s32 s20, s22;
	[sflag:s16] =	ssyncadd.s32 $0xFFFFC000  }
0x5e: {  	[hbm4b:s20+s2] =	stream.linear.scatter [tilespmem:s14], [sflag:$0x3], $0x4000, $0x38;
	[tilespmem:$0x8100] =	vst v63  }
0x5f: {  	_ =	swait.ge [sflag:s11], $0x4000  }
0x60: {  	[sflag:s11] =	ssyncset.done $0x0  }
0x61: {  	[sflag:s11] =	ssyncadd.s32 $0xFFFFC000  }
0x62: {  	[tilespmem:s12], [sflag:$0x3] =	stream.linear.gather [hbm4b:s7+s2], $0x80, $0x38;
	[tilespmem:$0x8100] =	vst v63  }
0x63: {  	_ =	swait.ge [sflag:s11], $0x80  }
0x64: {  	[sflag:s11] =	ssyncset.done $0x0  }
0x65: {  	[sflag:s11] =	ssyncadd.s32 $0xFFFFFF80  }
0x66: {  	[tilespmem:s14], [sflag:$0x2] =	stream.indirect.gather [hbm4b:s3+s12], $0x80, s12, s12, $0xb8;
	[tilespmem:$0x8100] =	vst v63  }
0x67: {  	_ =	swait.ge [sflag:s15], $0x4000  }
0x68: {  	[sflag:s15] =	ssyncset.done $0x0  }
0x69: {  	[sflag:s15] =	ssyncadd.s32 $0xFFFFC000  }
0x6a: {  	[hbm4b:s17+s2] =	stream.linear.scatter [tilespmem:s13], [sflag:$0x3], $0x4000, $0x38;
	[tilespmem:$0x8100] =	vst v63  }
0x6b: {  	_ =	swait.ge [sflag:s11], $0x4000  }
0x6c: {  	[sflag:s11] =	ssyncset.done $0x0  }
0x6d: {  	[sflag:s11] =	ssyncadd.s32 $0xFFFFC000  }
0x6e: {  	s19 =	sadd.s32 $0x1, s19;
	_ =	swait.ge [sflag:s16], $0x4000  }
0x6f: {  	p0 =	sne.s32 s19, s6;
	[sflag:s16] =	ssyncset.done $0x0  }
.Ltmp1:
0x70: {  	[sflag:s16] =	ssyncadd.s32 $0xFFFFC000;
	(pc) =	sbr.rel @p0 .LBB2_1-.Ltmp1, $4  }
0x71: {  	[hbm4b:s18+s2] =	stream.linear.scatter [tilespmem:s14], [sflag:$0x3], $0x4000, $0x38;
	[tilespmem:$0x8100] =	vst v63  }
0x72: {  	_ =	swait.ge [sflag:s11], $0x4000  }
0x73: {  	[sflag:s11] =	ssyncset.done $0x0  }
0x74: {  	[sflag:s11] =	ssyncadd.s32 $0xFFFFC000  }
0x75: {  	_ =	sfence.sel $0x180000  }
0x76: {  	[bflag:$0x0] =	sbarrier.arrive $0xFFFF  }
0x77: {  	p0 =	sne.s32 s1, $0x0;
	_ =	strace $0x90000050  }
0x78: {  	s0 =	sadd.s32 @!p0 $0x100000, s0;
	[bflag:$0x2] =	sbarrier.arrive $0xFFFF  }
0x79: {  	[sflag:s0] =	ssyncadd.tile.s32 @!p0 $0x1;
	_ =	shalt  }
.Lfunc_end2:
_tile_overlayer_lowered:
.L_overlay_start_2:
0x7a: {  	(tag) =	ssettag $0x2  }
0x7b: {  	s0 =	rddreg [dreg:$0x0];
	s2 =	stileid.u32  }
0x7c: {  	s1 =	rddreg [dreg:$0x1];
	p0 =	sne.s32 s2, $0x0  }
0x7d: {  	s3 =	rddreg [dreg:$0x2];
	[bflag:$0x3] =	sbarrier.arrive $0xFFFF;
	s2 =	simm.s32 @!p0 $0x1C03  }
0x7e: {  	[timem:s3], [sflag:s2] =	dma.local @!p0 [hbm:s0], s1  }
0x7f: {  	s0 =	simm.s32 @!p0 $0x3  }
0x80: {  	_ =	swait.ge @!p0 [sflag:s0], s1  }
0x81: {  	s1 =	ssub.s32 @!p0 $0x0, s1;
	[sflag:s0] =	ssyncset.done @!p0 $0x0  }
0x82: {  	[sflag:s0] =	ssyncadd.s32 @!p0 s1  }
0x83: {  	[bflag:$0x3] =	sbarrier.arrive $0xFFFF  }
0x84: {  	_ =	shalt  }

// kernel: kernel.16.cloned.1.call-start
scs
__scs_entry_jumppad:
0x0: {  	(pc) =	sbr.rel $0x88, $3  }
0x1: {  	(tag) =	ssettag $0x0;
	lr =	simm.s32 $0x1  }
0x2: {  	[smem:$0x3F94] =	sst lr;
	_ =	strace $0xD0000000  }
0x3: {  	_ = 	snop  }
0x4: {  	_ = 	snop  }
0x5: {  	_ = 	snop  }
0x6: {  	_ = 	snop  }
0x7: {  	_ = 	snop  }
__scs_overlays_trampoline_lowered:
0x8: {  	[smem:$0x3FA3] =	sst s0  }
0x9: {  	[smem:$0x3FA4] =	sst s1  }
0xa: {  	[smem:$0x3FA5] =	sst s2  }
0xb: {  	[smem:$0x3FA6] =	sst s3  }
0xc: {  	[smem:$0x3FA7] =	sst s4  }
0xd: {  	[smem:$0x3FA8] =	sst s5  }
0xe: {  	[smem:$0x3FA9] =	sst s6  }
0xf: {  	[smem:$0x3FAA] =	sst s7  }
0x10: {  	[smem:$0x3FAB] =	sst s8  }
0x11: {  	[smem:$0x3FAC] =	sst s9;
	s0 =	simm.s32 @!p0 $0x0  }
0x12: {  	s1 =	sld [smem:$0x3F92];
	s0 =	simm.s32 @p0 $0x1  }
0x13: {  	[smem:$0x3FAD] =	sst s0;
	s0 =	simm.s32 @!p1 $0x0  }
0x14: {  	s2 =	sld [smem:$0x3F91];
	s0 =	simm.s32 @p1 $0x1  }
0x15: {  	[smem:$0x3FAE] =	sst s0;
	s0 =	simm.s32 @!p2 $0x0  }
0x16: {  	s3 =	sld [smem:$0x3FDB];
	s0 =	simm.s32 @p2 $0x1  }
0x17: {  	s4 =	simm.s32 $0x1BF5;
	[smem:$0x3FB0] =	sst s0  }
0x18: {  	s0 =	sld [smem:$0x3F93];
	_ =	swait.ge [sflag:s4], $0x0  }
0x19: {  	s7 =	sld [smem:$0x3F94]  }
0x1a: {  	s8 =	sadd.s32 $0xFFFFE003, lr  }
0x1b: {  	s9 =	sadd.s32 $0xFFFFFEF7, lr;
	s5 =	simm.s32 $0xFFFFFFFF;
	p2 =	slt.u32 s8, $0xFFFFF086  }
0x1c: {  	p1 =	slt.u32 s9, $0xF7A;
	s5 =	simm.s32 @!p2 $0x0  }
0x1d: {  	s5 =	simm.s32 @p1 $0x1;
	p0 =	seq.s32 s7, s2  }
0x1e: {  	s7 =	smul.u32 @!p0 $0xF7A, s2;
	p2 =	seq.s32 @!p0 s5, $0x0  }
0x1f: {  	s9 =	smul.u32 $0xF7A, s1;
	s8 =	simm.s32 @!p0 $0x1BF5;
	p2 =	por !p2, p0  }
0x20: {  	[sflag:s8] =	ssyncset.s32 @!p0 $0xFFFFF086;
	s6 =	sadd.s32 @!p0 s3, s7;
	s7 =	simm.s32 @!p0 $0x108  }
0x21: {  	s3 =	sadd.s32 s3, s9;
	s6 =	sadd.s32 @!p0 $0x88, s6;
	s7 =	simm.s32 @p2 $0x1082  }
0x22: {  	[simem:s7], [sflag:s8] =	dma.local @!p0 [hbm:s6], $0xF7A  }
0x23: {  	s9 =	sor.u32 $0xD0000000, s2;
	s6 =	simm.s32 $0x108;
	_ =	swait.ge @!p0 [sflag:s8], $0x0  }
0x24: {  	s3 =	sadd.s32 $0x88, s3;
	s6 =	simm.s32 @!p1 $0x1082;
	[sflag:s4] =	ssyncset.s32 $0xFFFFF086  }
0x25: {  	[simem:s6], [sflag:s4] =	dma.local [hbm:s3], $0xF7A  }
0x26: {  	[smem:$0x3F94] =	sst s1;
	(tag) =	ssettag s2;
	_ =	strace s9  }
0x27: {  	s1 =	sld [smem:$0x3FA4]  }
0x28: {  	s2 =	sld [smem:$0x3FA5]  }
0x29: {  	s4 =	sld [smem:$0x3FA7]  }
0x2a: {  	p0 =	seq.s32 s5, $0x0;
	s5 =	sld [smem:$0x3FA8]  }
0x2b: {  	s6 =	sld [smem:$0x3FA9]  }
0x2c: {  	s7 =	sld [smem:$0x3FAA]  }
0x2d: {  	s3 =	simm.s32 $0x108;
	s8 =	sld [smem:$0x3FAB]  }
0x2e: {  	s3 =	simm.s32 @!p0 $0x1082;
	s9 =	sld [smem:$0x3FAC]  }
0x2f: {  	lr =	sadd.s32 s0, s3;
	s0 =	sld [smem:$0x3FA3]  }
0x30: {  	s3 =	sld [smem:$0x3FA6]  }
0x31: {  	[smem:$0x3FAF] =	sst s10  }
0x32: {  	s10 =	sld [smem:$0x3FAD];
	_ =	sdelay $0x3  }
0x33: {  	p0 =	seq.s32 s10, $0x1;
	s10 =	sld [smem:$0x3FAF];
	_ =	sdelay $0x3  }
0x34: {  	[smem:$0x3FAF] =	sst s10  }
0x35: {  	s10 =	sld [smem:$0x3FAE];
	_ =	sdelay $0x3  }
0x36: {  	p1 =	seq.s32 s10, $0x1;
	s10 =	sld [smem:$0x3FAF];
	_ =	sdelay $0x3  }
0x37: {  	[smem:$0x3FAF] =	sst s10  }
0x38: {  	s10 =	sld [smem:$0x3FB0]  }
0x39: {  	_ = 	snop;
	(pc) =	sbr.ind lr, $3  }
0x3a: {  	_ = 	snop  }
0x3b: {  	_ = 	snop  }
0x3c: {  	p2 =	seq.s32 s10, $0x1;
	s10 =	sld [smem:$0x3FAF]  }
0x3d: {  	_ =	shalt  }
0x3e: {  	_ =	shalt  }
0x3f: {  	_ =	shalt  }
0x40: {  	_ =	shalt  }
0x41: {  	_ =	shalt  }
0x42: {  	_ =	shalt  }
0x43: {  	_ =	shalt  }
0x44: {  	_ =	shalt  }
0x45: {  	_ =	shalt  }
0x46: {  	_ =	shalt  }
0x47: {  	_ =	shalt  }
0x48: {  	_ =	shalt  }
0x49: {  	_ =	shalt  }
0x4a: {  	_ =	shalt  }
0x4b: {  	_ =	shalt  }
0x4c: {  	_ =	shalt  }
0x4d: {  	_ =	shalt  }
0x4e: {  	_ =	shalt  }
0x4f: {  	_ =	shalt  }
0x50: {  	_ =	shalt  }
0x51: {  	_ =	shalt  }
0x52: {  	_ =	shalt  }
0x53: {  	_ =	shalt  }
0x54: {  	_ =	shalt  }
0x55: {  	_ =	shalt  }
0x56: {  	_ =	shalt  }
0x57: {  	_ =	shalt  }
0x58: {  	_ =	shalt  }
0x59: {  	_ =	shalt  }
0x5a: {  	_ =	shalt  }
0x5b: {  	_ =	shalt  }
0x5c: {  	_ =	shalt  }
0x5d: {  	_ =	shalt  }
0x5e: {  	_ =	shalt  }
0x5f: {  	_ =	shalt  }
0x60: {  	_ =	shalt  }
0x61: {  	_ =	shalt  }
0x62: {  	_ =	shalt  }
0x63: {  	_ =	shalt  }
0x64: {  	_ =	shalt  }
0x65: {  	_ =	shalt  }
0x66: {  	_ =	shalt  }
0x67: {  	_ =	shalt  }
0x68: {  	_ =	shalt  }
0x69: {  	_ =	shalt  }
0x6a: {  	_ =	shalt  }
0x6b: {  	_ =	shalt  }
0x6c: {  	_ =	shalt  }
0x6d: {  	_ =	shalt  }
0x6e: {  	_ =	shalt  }
0x6f: {  	_ =	shalt  }
0x70: {  	_ =	shalt  }
0x71: {  	_ =	shalt  }
0x72: {  	_ =	shalt  }
0x73: {  	_ =	shalt  }
0x74: {  	_ =	shalt  }
0x75: {  	_ =	shalt  }
0x76: {  	_ =	shalt  }
0x77: {  	_ =	shalt  }
0x78: {  	_ =	shalt  }
0x79: {  	_ =	shalt  }
0x7a: {  	_ =	shalt  }
0x7b: {  	_ =	shalt  }
0x7c: {  	_ =	shalt  }
0x7d: {  	_ =	shalt  }
0x7e: {  	_ =	shalt  }
0x7f: {  	_ =	shalt  }
0x80: {  	_ =	shalt  }
0x81: {  	_ =	shalt  }
0x82: {  	_ =	shalt  }
0x83: {  	_ =	shalt  }
0x84: {  	_ =	shalt  }
0x85: {  	_ =	shalt  }
0x86: {  	_ =	shalt  }
0x87: {  	_ =	shalt  }
.Lfunc_end0:
.L_simem_size_0:
called_computation.3_lowered:
.L_overlay_start_0:
0x88: {  	s2 =	sld [smem:$0x3FD9]  }
0x89: {  	s3 =	sld [smem:$0x3FFE];
	_ =	sdelay $0x1  }
0x8a: {  	s1 =	srdreg.scid  }
0x8b: {  	s0 =	sand.u32 $0x1, s1  }
0x8c: {  	s17 =	sshll.u32 s0, $0xA;
	s2 =	sadd.s32 s3, s2  }
0x8d: {  	s2 =	sadd.s32 s2, s17  }
0x8e: {  	[smem:$0x3FBB] =	sst s2  }
0x8f: {  	_ = 	snop  }
0x90: {  	(tm) =	ssettm $0x1  }
0x91: {  	s18 =	sld [smem:$0x3FFB];
	_ =	sdelay $0x3  }
0x92: {  	_ =	strace s18  }
0x93: {  	s2 =	sld [smem:$0x3FFC];
	_ =	sdelay $0x3  }
0x94: {  	_ =	strace s2  }
0x95: {  	s2 =	sld [smem:$0x3FFD];
	_ =	sdelay $0x3  }
0x96: {  	_ =	strace s2  }
0x97: {  	_ =	strace $0x8FFFFFFF  }
0x98: {  	s19 =	sld [smem:$0x3FDB];
	_ =	sdelay $0x1  }
0x99: {  	s20 =	simm.s32 $_scs_section_size  }
0x9a: {  	s4 =	simm.s32 $_size__tile_overlayer_lowered;
	s5 =	simm.s32 $_tile_overlayer_lowered  }
0x9b: {  	s6 =	simm.s32 $0x1BFF;
	s21 =	sshll.u32 s5, $0x1;
	s3 =	sadd.s32 s20, s19  }
0x9c: {  	s22 =	simm.s32 $0x0;
	s4 =	sshll.u32 s4, $0x1;
	s5 =	sadd.s32 s21, s3  }
0x9d: {  	[timem:s22], [sflag:s6] =	dma.local [hbm:s5], s4  }
0x9e: {  	_ =	swait.ge [sflag:s6], s4  }
0x9f: {  	s4 =	ssub.s32 $0x0, s4;
	[sflag:s6] =	ssyncset.done $0x0  }
0xa0: {  	[sflag:s6] =	ssyncadd.s32 s4;
	_ =	sdelay $0x1  }
0xa1: {  	s23 =	simm.s32 $0x1B8B  }
0xa2: {  	_ =	swait.ge [sflag:s23], $0x1  }
0xa3: {  	[sflag:s23] =	ssyncset.done $0x0  }
0xa4: {  	[sflag:s23] =	ssyncadd.s32 $0xFFFFFFFF  }
0xa5: {  	s4 =	sld [smem:$0x0]  }
0xa6: {  	s5 =	sand.u32 $0xFFFFFFFE, s1  }
0xa7: {  	p0 =	sne.s32 s1, s5  }
0xa8: {  	s5 =	sshll.u32 @p0 s5, $0xE  }
0xa9: {  	s5 =	sadd.s32 @p0 $0x11B8D, s5;
	s6 =	sshll.u32 @p0 s4, $0x11  }
0xaa: {  	s5 =	sor.u32 @p0 s6, s5  }
0xab: {  	[sflag:s5] =	ssyncadd.remote.s32 @p0 $0x1;
	_ =	sdelay $0x1  }
0xac: {  	s5 =	simm.s32 @p0 $0x1B8D  }
0xad: {  	_ =	swait.eq @p0 [sflag:s5], $0x1  }
0xae: {  	[sflag:s5] =	ssyncadd.s32 @p0 $0xFFFFFFFF  }
0xaf: {  	s6 =	sshll.u32 @!p0 s1, $0xE  }
0xb0: {  	s6 =	sor.u32 @!p0 $0x4000, s6;
	s5 =	simm.s32 @!p0 $0x1B8D  }
0xb1: {  	s4 =	sshll.u32 @!p0 s4, $0x11;
	s6 =	sadd.s32 @!p0 $0x11B8D, s6;
	_ =	swait.eq @!p0 [sflag:s5], $0x1  }
0xb2: {  	s4 =	sor.u32 @!p0 s4, s6;
	[sflag:s5] =	ssyncadd.s32 @!p0 $0xFFFFFFFF  }
0xb3: {  	s25 =	simm.s32 $0x1B8E;
	s24 =	sld [smem:$0x3FFE];
	[sflag:s4] =	ssyncadd.remote.s32 @!p0 $0x1  }
0xb4: {  	s26 =	simm.s32 $execute0_lowered;
	[smem:$0x3FD2] =	sst s25  }
0xb5: {  	s5 =	sshll.u32 s26, $0x1;
	_ =	strace $0x8000004C;
	[dreg:$0x1] =	wrdreg $0xFFFFFFFF  }
0xb6: {  	s28 =	simm.s32 $_size_execute0_lowered;
	s3 =	sadd.s32 s3, s5;
	[dreg:$0x0] =	wrdreg $0x0  }
0xb7: {  	s5 =	sshll.u32 s28, $0x1;
	[dreg:$0x2] =	wrdreg s3  }
0xb8: {  	[dreg:$0x3] =	wrdreg s5  }
0xb9: {  	[dreg:$0x4] =	wrdreg $0xC0  }
0xba: {  	_ =	task [dreg:s22], $0x5FFFF  }
0xbb: {  	[dreg:$0x1] =	wrdreg $0xFFFFFFFF  }
0xbc: {  	[dreg:$0x0] =	wrdreg $0x60  }
0xbd: {  	[dreg:$0x2] =	wrdreg s24  }
0xbe: {  	[dreg:$0x3] =	wrdreg $0xB  }
0xbf: {  	_ =	task.clear_ibuf [dreg:s22], $0x4FFFF;
	_ =	strace $0x9000004C  }
0xc0: {  	s29 =	simm.s32 $0xB;
	_ =	strace $0x8000004E  }
0xc1: {  	_ =	swait.ge [sflag:s29], $0x1  }
0xc2: {  	[sflag:s29] =	ssyncadd.s32 $0xFFFFFFFF  }
0xc3: {  	_ =	strace $0x9000004E  }
0xc4: {  	_ =	sfence  }
0xc5: {  	s30 =	sld [smem:$0x0];
	_ =	sdelay $0x2  }
0xc6: {  	s31 =	sshll.u32 s1, $0xD;
	s1 =	sshrl.u32 s1, $0x2  }
0xc7: {  	s4 =	sand.u32 $0x4000, s31;
	s1 =	sadd.s32 s1, s30  }
0xc8: {  	s0 =	sor.u32 s4, s0;
	s1 =	sshll.u32 s1, $0x11  }
0xc9: {  	s0 =	sor.u32 s1, s0  }
0xca: {  	s0 =	sadd.s32 $0x8F2B, s0  }
0xcb: {  	[sflag:s0] =	ssyncadd.remote.s32 $0x1  }
0xcc: {  	_ =	sfence.sel $0xFFFF  }
0xcd: {  	[dreg:$0x0] =	wrdreg $0xFFFFFFFF;
	(pc) =	sbr.abs _section_cstart, $3  }
0xce: {  	[dreg:$0x1] =	wrdreg $0xFFFFFFFF  }
0xcf: {  	_ =	task.clear_ibuf [dreg:s22], $0x2FFFF;
	_ =	strace $0x9FFFFFFF  }
0xd0: {  	(tm) =	ssettm $0x7FFFFFFF  }
0xd1: {  	_ =	shalt  }
tec
execute0_lowered:
.L_overlay_start_1:
0x0: {  	(tag) =	ssettag $0x1  }
0x1: {  	s4 =	rddreg [dreg:$0x0];
	s1 =	stileid.u32  }
0x2: {  	s0 =	rddreg [dreg:$0x1];
	s2 =	simm.s32 $0x0;
	s23 =	smul.u32 $0x340, s1  }
0x3: {  	s3 =	srdreg.scid;
	s16 =	simm.s32 $0x2;
	s14 =	smul.u32 $0x34, s1  }
0x4: {  	[smem:$0x7FF] =	sst s2;
	s8 =	sand.u32 $0x1, s3;
	s26 =	smul.u32 $0x1A000, s1  }
0x5: {  	s20 =	sshll.u32 s1, $0x1;
	s9 =	sadd.s32 $0x334C00, s4;
	s15 =	smul.u32 $0x1A, s8  }
0x6: {  	s3 =	sadd.s32 $0xE200, s4;
	s4 =	sadd.s32 $0x338000, s4;
	s25 =	smul.u32 $0x1A0, s8  }
0x7: {  	s5 =	ssub.s32 $0x2, s8;
	s6 =	sor.u32 s8, s20;
	s28 =	smul.u32 $0xD000, s8  }
0x8: {  	_ =	strace $0x8000004D;
	s7 =	sshrl.u32 s5, $0x1;
	s10 =	smul.u32 $0x1A0, s6  }
0x9: {  	s11 =	smul.u32 $0x1A, s6;
	s7 =	ssub.s32 s5, s7;
	s14 =	sadd.s32 s15, s14  }
0xa: {  	s15 =	simm.s32 $0x1;
	s5 =	sadd.s32 s9, s10;
	s6 =	smax.u32 s7, $0x1  }
0xb: {  	s21 =	sshll.u32 s11, $0xB;
	s22 =	sadd.s32 $0x19, s11;
	s11 =	sadd.s32 s23, s9  }
0xc: {  	s29 =	sshll.u32 s14, $0x4;
	s14 =	simm.s32 $0x4100;
	s12 =	sshll.u32 s22, $0x4  }
0xd: {  	s13 =	sadd.s32 $0xC000, s21;
	s10 =	sshll.u32 s22, $0xB;
	s30 =	sadd.s32 s25, s11  }
0xe: {  	s31 =	sadd.s32 s29, s9;
	s11 =	simm.s32 $0x3;
	s7 =	sadd.s32 s9, s12  }
0xf: {  	s24 =	sand.u32 $0x3F0000, s13;
	s17 =	sand.u32 $0xF000, s13;
	s19 =	sand.u32 $0xF800, s10  }
0x10: {  	s8 =	sadd.s32 $0x20, s30;
	s9 =	sadd.s32 s28, s26;
	s10 =	sadd.s32 $0x10, s31  }
0x11: {  	s12 =	simm.s32 $0x80;
	s13 =	simm.s32 $0x100;
	s18 =	sadd.s32 s4, s24  }
0x12: {  	s17 =	sadd.s32 s17, s18;
	s18 =	sadd.s32 s19, s18;
	s19 =	simm.s32 $0x0  }
.LBB2_1:
0x13: {  	[tilespmem:s2], [sflag:$0x3] =	stream.linear.gather [hbm4b:s5+s2], $0x80, $0x38;
	[tilespmem:$0x8100] =	vst v63  }
0x14: {  	_ =	swait.ge [sflag:s11], $0x80  }
0x15: {  	[sflag:s11] =	ssyncset.done $0x0  }
0x16: {  	[sflag:s11] =	ssyncadd.s32 $0xFFFFFF80  }
0x17: {  	[tilespmem:s13], [sflag:$0x1] =	stream.indirect.gather [hbm4b:s3+s12], $0x80, s2, s12, $0xb8;
	[tilespmem:$0x8100] =	vst v63  }
0x18: {  	s20 =	sadd.s32 $0x0, s10  }
0x19: {  	[tilespmem:s12], [sflag:$0x3] =	stream.linear.gather [hbm4b:s20+s2], $0x80, $0x38;
	[tilespmem:$0x8100] =	vst v63  }
0x1a: {  	_ =	swait.ge [sflag:s11], $0x80  }
0x1b: {  	[sflag:s11] =	ssyncset.done $0x0  }
0x1c: {  	[sflag:s11] =	ssyncadd.s32 $0xFFFFFF80  }
0x1d: {  	[tilespmem:s14], [sflag:$0x2] =	stream.indirect.gather [hbm4b:s3+s12], $0x80, s12, s12, $0xb8;
	[tilespmem:$0x8100] =	vst v63  }
0x1e: {  	s29 =	sand.u32 $0x1FFF0000, s9;
	_ =	swait.ge [sflag:s15], $0x4000  }
0x1f: {  	s21 =	sand.u32 $0xF000, s9;
	s20 =	sadd.s32 s4, s29;
	[sflag:s15] =	ssyncset.done $0x0  }
0x20: {  	s21 =	sadd.s32 s21, s20;
	[sflag:s15] =	ssyncadd.s32 $0xFFFFC000  }
0x21: {  	[hbm4b:s21+s2] =	stream.linear.scatter [tilespmem:s13], [sflag:$0x3], $0x4000, $0x38;
	[tilespmem:$0x8100] =	vst v63  }
0x22: {  	_ =	swait.ge [sflag:s11], $0x4000  }
0x23: {  	[sflag:s11] =	ssyncset.done $0x0  }
0x24: {  	s30 =	sadd.s32 $0x0, s8;
	[sflag:s11] =	ssyncadd.s32 $0xFFFFC000  }
0x25: {  	[tilespmem:s2], [sflag:$0x3] =	stream.linear.gather [hbm4b:s30+s2], $0x80, $0x38;
	[tilespmem:$0x8100] =	vst v63  }
0x26: {  	_ =	swait.ge [sflag:s11], $0x80  }
0x27: {  	[sflag:s11] =	ssyncset.done $0x0  }
0x28: {  	[sflag:s11] =	ssyncadd.s32 $0xFFFFFF80  }
0x29: {  	[tilespmem:s13], [sflag:$0x1] =	stream.indirect.gather [hbm4b:s3+s12], $0x80, s2, s12, $0xb8;
	[tilespmem:$0x8100] =	vst v63  }
0x2a: {  	s31 =	sadd.s32 $0x800, s9;
	_ =	swait.ge [sflag:s16], $0x4000  }
0x2b: {  	s21 =	sand.u32 $0xF800, s31;
	[sflag:s16] =	ssyncset.done $0x0  }
0x2c: {  	s20 =	sadd.s32 s21, s20;
	[sflag:s16] =	ssyncadd.s32 $0xFFFFC000  }
0x2d: {  	[hbm4b:s20+s2] =	stream.linear.scatter [tilespmem:s14], [sflag:$0x3], $0x4000, $0x38;
	[tilespmem:$0x8100] =	vst v63  }
0x2e: {  	s22 =	simm.s32 $0x40;
	_ =	swait.ge [sflag:s11], $0x4000  }
0x2f: {  	s21 =	simm.s32 $0x20;
	s20 =	sadd.s32 $0x1000, s9;
	[sflag:s11] =	ssyncset.done $0x0  }
.LBB2_2:
0x30: {  	s23 =	sadd.s32 s21, s10  }
0x31: {  	[sflag:s11] =	ssyncadd.s32 $0xFFFFC000;
	s24 =	smov.u32 s22;
	s25 =	sadd.s32 $0x20, s22  }
0x32: {  	[tilespmem:s12], [sflag:$0x3] =	stream.linear.gather [hbm4b:s23+s2], $0x80, $0x38;
	[tilespmem:$0x8100] =	vst v63  }
0x33: {  	p0 =	sne.s32 s22, $0x160;
	_ =	swait.ge [sflag:s11], $0x80  }
0x34: {  	[sflag:s11] =	ssyncset.done $0x0  }
0x35: {  	[sflag:s11] =	ssyncadd.s32 $0xFFFFFF80  }
0x36: {  	[tilespmem:s14], [sflag:$0x2] =	stream.indirect.gather [hbm4b:s3+s12], $0x80, s12, s12, $0xb8;
	[tilespmem:$0x8100] =	vst v63  }
0x37: {  	s22 =	sand.u32 $0x1FFF0000, s20;
	_ =	swait.ge [sflag:s15], $0x4000  }
0x38: {  	s22 =	sadd.s32 s4, s22;
	s23 =	sand.u32 $0xF000, s20;
	[sflag:s15] =	ssyncset.done $0x0  }
0x39: {  	s23 =	sadd.s32 s23, s22;
	[sflag:s15] =	ssyncadd.s32 $0xFFFFC000  }
0x3a: {  	[hbm4b:s23+s2] =	stream.linear.scatter [tilespmem:s13], [sflag:$0x3], $0x4000, $0x38;
	[tilespmem:$0x8100] =	vst v63  }
0x3b: {  	_ =	swait.ge [sflag:s11], $0x4000  }
0x3c: {  	[sflag:s11] =	ssyncset.done $0x0  }
0x3d: {  	s23 =	sadd.s32 s21, s8;
	s21 =	smov.u32 s24;
	[sflag:s11] =	ssyncadd.s32 $0xFFFFC000  }
0x3e: {  	[tilespmem:s2], [sflag:$0x3] =	stream.linear.gather [hbm4b:s23+s2], $0x80, $0x38;
	[tilespmem:$0x8100] =	vst v63  }
0x3f: {  	_ =	swait.ge [sflag:s11], $0x80  }
0x40: {  	[sflag:s11] =	ssyncset.done $0x0  }
0x41: {  	[sflag:s11] =	ssyncadd.s32 $0xFFFFFF80  }
0x42: {  	[tilespmem:s13], [sflag:$0x1] =	stream.indirect.gather [hbm4b:s3+s12], $0x80, s2, s12, $0xb8;
	[tilespmem:$0x8100] =	vst v63  }
0x43: {  	s23 =	sadd.s32 $0x800, s20;
	_ =	swait.ge [sflag:s16], $0x4000  }
.Ltmp0:
0x44: {  	s23 =	sand.u32 $0xF800, s23;
	[sflag:s16] =	ssyncset.done $0x0;
	(pc) =	sbr.rel @p0 .LBB2_2-.Ltmp0, $4  }
0x45: {  	s22 =	sadd.s32 s23, s22;
	[sflag:s16] =	ssyncadd.s32 $0xFFFFC000  }
0x46: {  	[hbm4b:s22+s2] =	stream.linear.scatter [tilespmem:s14], [sflag:$0x3], $0x4000, $0x38;
	[tilespmem:$0x8100] =	vst v63  }
0x47: {  	_ =	swait.ge [sflag:s11], $0x4000  }
0x48: {  	s20 =	sadd.s32 $0x1000, s20;
	s22 =	smov.u32 s25;
	[sflag:s11] =	ssyncset.done $0x0  }
0x49: {  	s22 =	sadd.s32 s21, s10;
	[sflag:s11] =	ssyncadd.s32 $0xFFFFC000  }
0x4a: {  	[tilespmem:s12], [sflag:$0x3] =	stream.linear.gather [hbm4b:s22+s2], $0x80, $0x38;
	[tilespmem:$0x8100] =	vst v63  }
0x4b: {  	_ =	swait.ge [sflag:s11], $0x80  }
0x4c: {  	[sflag:s11] =	ssyncset.done $0x0  }
0x4d: {  	[sflag:s11] =	ssyncadd.s32 $0xFFFFFF80  }
0x4e: {  	[tilespmem:s14], [sflag:$0x2] =	stream.indirect.gather [hbm4b:s3+s12], $0x80, s12, s12, $0xb8;
	[tilespmem:$0x8100] =	vst v63  }
0x4f: {  	s29 =	sand.u32 $0x1FFF0000, s20;
	_ =	swait.ge [sflag:s15], $0x4000  }
0x50: {  	s23 =	sand.u32 $0xF000, s20;
	s22 =	sadd.s32 s4, s29;
	[sflag:s15] =	ssyncset.done $0x0  }
0x51: {  	s23 =	sadd.s32 s23, s22;
	[sflag:s15] =	ssyncadd.s32 $0xFFFFC000  }
0x52: {  	[hbm4b:s23+s2] =	stream.linear.scatter [tilespmem:s13], [sflag:$0x3], $0x4000, $0x38;
	[tilespmem:$0x8100] =	vst v63  }
0x53: {  	_ =	swait.ge [sflag:s11], $0x4000  }
0x54: {  	[sflag:s11] =	ssyncset.done $0x0  }
0x55: {  	s30 =	sadd.s32 s21, s8;
	[sflag:s11] =	ssyncadd.s32 $0xFFFFC000  }
0x56: {  	[tilespmem:s2], [sflag:$0x3] =	stream.linear.gather [hbm4b:s30+s2], $0x80, $0x38;
	[tilespmem:$0x8100] =	vst v63  }
0x57: {  	_ =	swait.ge [sflag:s11], $0x80  }
0x58: {  	[sflag:s11] =	ssyncset.done $0x0  }
0x59: {  	[sflag:s11] =	ssyncadd.s32 $0xFFFFFF80  }
0x5a: {  	[tilespmem:s13], [sflag:$0x1] =	stream.indirect.gather [hbm4b:s3+s12], $0x80, s2, s12, $0xb8;
	[tilespmem:$0x8100] =	vst v63  }
0x5b: {  	s31 =	sadd.s32 $0x800, s20;
	_ =	swait.ge [sflag:s16], $0x4000  }
0x5c: {  	s20 =	sand.u32 $0xF800, s31;
	[sflag:s16] =	ssyncset.done $0x0  }
0x5d: {  	s20 =	sadd.s32 s20, s22;
	[sflag:s16] =	ssyncadd.s32 $0xFFFFC000  }
0x5e: {  	[hbm4b:s20+s2] =	stream.linear.scatter [tilespmem:s14], [sflag:$0x3], $0x4000, $0x38;
	[tilespmem:$0x8100] =	vst v63  }
0x5f: {  	_ =	swait.ge [sflag:s11], $0x4000  }
0x60: {  	[sflag:s11] =	ssyncset.done $0x0  }
0x61: {  	[sflag:s11] =	ssyncadd.s32 $0xFFFFC000  }
0x62: {  	[tilespmem:s12], [sflag:$0x3] =	stream.linear.gather [hbm4b:s7+s2], $0x80, $0x38;
	[tilespmem:$0x8100] =	vst v63  }
0x63: {  	_ =	swait.ge [sflag:s11], $0x80  }
0x64: {  	[sflag:s11] =	ssyncset.done $0x0  }
0x65: {  	[sflag:s11] =	ssyncadd.s32 $0xFFFFFF80  }
0x66: {  	[tilespmem:s14], [sflag:$0x2] =	stream.indirect.gather [hbm4b:s3+s12], $0x80, s12, s12, $0xb8;
	[tilespmem:$0x8100] =	vst v63  }
0x67: {  	_ =	swait.ge [sflag:s15], $0x4000  }
0x68: {  	[sflag:s15] =	ssyncset.done $0x0  }
0x69: {  	[sflag:s15] =	ssyncadd.s32 $0xFFFFC000  }
0x6a: {  	[hbm4b:s17+s2] =	stream.linear.scatter [tilespmem:s13], [sflag:$0x3], $0x4000, $0x38;
	[tilespmem:$0x8100] =	vst v63  }
0x6b: {  	_ =	swait.ge [sflag:s11], $0x4000  }
0x6c: {  	[sflag:s11] =	ssyncset.done $0x0  }
0x6d: {  	[sflag:s11] =	ssyncadd.s32 $0xFFFFC000  }
0x6e: {  	s19 =	sadd.s32 $0x1, s19;
	_ =	swait.ge [sflag:s16], $0x4000  }
0x6f: {  	p0 =	sne.s32 s19, s6;
	[sflag:s16] =	ssyncset.done $0x0  }
.Ltmp1:
0x70: {  	[sflag:s16] =	ssyncadd.s32 $0xFFFFC000;
	(pc) =	sbr.rel @p0 .LBB2_1-.Ltmp1, $4  }
0x71: {  	[hbm4b:s18+s2] =	stream.linear.scatter [tilespmem:s14], [sflag:$0x3], $0x4000, $0x38;
	[tilespmem:$0x8100] =	vst v63  }
0x72: {  	_ =	swait.ge [sflag:s11], $0x4000  }
0x73: {  	[sflag:s11] =	ssyncset.done $0x0  }
0x74: {  	[sflag:s11] =	ssyncadd.s32 $0xFFFFC000  }
0x75: {  	_ =	sfence.sel $0x180000  }
0x76: {  	[bflag:$0x0] =	sbarrier.arrive $0xFFFF  }
0x77: {  	p0 =	sne.s32 s1, $0x0;
	_ =	strace $0x9000004D  }
0x78: {  	s0 =	sadd.s32 @!p0 $0x100000, s0;
	[bflag:$0x2] =	sbarrier.arrive $0xFFFF  }
0x79: {  	[sflag:s0] =	ssyncadd.tile.s32 @!p0 $0x1;
	_ =	shalt  }
.Lfunc_end2:
_tile_overlayer_lowered:
.L_overlay_start_2:
0x7a: {  	(tag) =	ssettag $0x2  }
0x7b: {  	s0 =	rddreg [dreg:$0x0];
	s2 =	stileid.u32  }
0x7c: {  	s1 =	rddreg [dreg:$0x1];
	p0 =	sne.s32 s2, $0x0  }
0x7d: {  	s3 =	rddreg [dreg:$0x2];
	[bflag:$0x3] =	sbarrier.arrive $0xFFFF;
	s2 =	simm.s32 @!p0 $0x1C03  }
0x7e: {  	[timem:s3], [sflag:s2] =	dma.local @!p0 [hbm:s0], s1  }
0x7f: {  	s0 =	simm.s32 @!p0 $0x3  }
0x80: {  	_ =	swait.ge @!p0 [sflag:s0], s1  }
0x81: {  	s1 =	ssub.s32 @!p0 $0x0, s1;
	[sflag:s0] =	ssyncset.done @!p0 $0x0  }
0x82: {  	[sflag:s0] =	ssyncadd.s32 @!p0 s1  }
0x83: {  	[bflag:$0x3] =	sbarrier.arrive $0xFFFF  }
0x84: {  	_ =	shalt  }

// kernel: kernel.19.cloned.1.call-start
scs
__scs_entry_jumppad:
0x0: {  	(pc) =	sbr.rel $0x88, $3  }
0x1: {  	(tag) =	ssettag $0x0;
	lr =	simm.s32 $0x1  }
0x2: {  	[smem:$0x3F94] =	sst lr;
	_ =	strace $0xD0000000  }
0x3: {  	_ = 	snop  }
0x4: {  	_ = 	snop  }
0x5: {  	_ = 	snop  }
0x6: {  	_ = 	snop  }
0x7: {  	_ = 	snop  }
__scs_overlays_trampoline_lowered:
0x8: {  	[smem:$0x3FA3] =	sst s0  }
0x9: {  	[smem:$0x3FA4] =	sst s1  }
0xa: {  	[smem:$0x3FA5] =	sst s2  }
0xb: {  	[smem:$0x3FA6] =	sst s3  }
0xc: {  	[smem:$0x3FA7] =	sst s4  }
0xd: {  	[smem:$0x3FA8] =	sst s5  }
0xe: {  	[smem:$0x3FA9] =	sst s6  }
0xf: {  	[smem:$0x3FAA] =	sst s7  }
0x10: {  	[smem:$0x3FAB] =	sst s8  }
0x11: {  	[smem:$0x3FAC] =	sst s9;
	s0 =	simm.s32 @!p0 $0x0  }
0x12: {  	s1 =	sld [smem:$0x3F92];
	s0 =	simm.s32 @p0 $0x1  }
0x13: {  	[smem:$0x3FAD] =	sst s0;
	s0 =	simm.s32 @!p1 $0x0  }
0x14: {  	s2 =	sld [smem:$0x3F91];
	s0 =	simm.s32 @p1 $0x1  }
0x15: {  	[smem:$0x3FAE] =	sst s0;
	s0 =	simm.s32 @!p2 $0x0  }
0x16: {  	s3 =	sld [smem:$0x3FDB];
	s0 =	simm.s32 @p2 $0x1  }
0x17: {  	s4 =	simm.s32 $0x1BF5;
	[smem:$0x3FB0] =	sst s0  }
0x18: {  	s0 =	sld [smem:$0x3F93];
	_ =	swait.ge [sflag:s4], $0x0  }
0x19: {  	s7 =	sld [smem:$0x3F94]  }
0x1a: {  	s8 =	sadd.s32 $0xFFFFE003, lr  }
0x1b: {  	s9 =	sadd.s32 $0xFFFFFEF7, lr;
	s5 =	simm.s32 $0xFFFFFFFF;
	p2 =	slt.u32 s8, $0xFFFFF086  }
0x1c: {  	p1 =	slt.u32 s9, $0xF7A;
	s5 =	simm.s32 @!p2 $0x0  }
0x1d: {  	s5 =	simm.s32 @p1 $0x1;
	p0 =	seq.s32 s7, s2  }
0x1e: {  	s7 =	smul.u32 @!p0 $0xF7A, s2;
	p2 =	seq.s32 @!p0 s5, $0x0  }
0x1f: {  	s9 =	smul.u32 $0xF7A, s1;
	s8 =	simm.s32 @!p0 $0x1BF5;
	p2 =	por !p2, p0  }
0x20: {  	[sflag:s8] =	ssyncset.s32 @!p0 $0xFFFFF086;
	s6 =	sadd.s32 @!p0 s3, s7;
	s7 =	simm.s32 @!p0 $0x108  }
0x21: {  	s3 =	sadd.s32 s3, s9;
	s6 =	sadd.s32 @!p0 $0x88, s6;
	s7 =	simm.s32 @p2 $0x1082  }
0x22: {  	[simem:s7], [sflag:s8] =	dma.local @!p0 [hbm:s6], $0xF7A  }
0x23: {  	s9 =	sor.u32 $0xD0000000, s2;
	s6 =	simm.s32 $0x108;
	_ =	swait.ge @!p0 [sflag:s8], $0x0  }
0x24: {  	s3 =	sadd.s32 $0x88, s3;
	s6 =	simm.s32 @!p1 $0x1082;
	[sflag:s4] =	ssyncset.s32 $0xFFFFF086  }
0x25: {  	[simem:s6], [sflag:s4] =	dma.local [hbm:s3], $0xF7A  }
0x26: {  	[smem:$0x3F94] =	sst s1;
	(tag) =	ssettag s2;
	_ =	strace s9  }
0x27: {  	s1 =	sld [smem:$0x3FA4]  }
0x28: {  	s2 =	sld [smem:$0x3FA5]  }
0x29: {  	s4 =	sld [smem:$0x3FA7]  }
0x2a: {  	p0 =	seq.s32 s5, $0x0;
	s5 =	sld [smem:$0x3FA8]  }
0x2b: {  	s6 =	sld [smem:$0x3FA9]  }
0x2c: {  	s7 =	sld [smem:$0x3FAA]  }
0x2d: {  	s3 =	simm.s32 $0x108;
	s8 =	sld [smem:$0x3FAB]  }
0x2e: {  	s3 =	simm.s32 @!p0 $0x1082;
	s9 =	sld [smem:$0x3FAC]  }
0x2f: {  	lr =	sadd.s32 s0, s3;
	s0 =	sld [smem:$0x3FA3]  }
0x30: {  	s3 =	sld [smem:$0x3FA6]  }
0x31: {  	[smem:$0x3FAF] =	sst s10  }
0x32: {  	s10 =	sld [smem:$0x3FAD];
	_ =	sdelay $0x3  }
0x33: {  	p0 =	seq.s32 s10, $0x1;
	s10 =	sld [smem:$0x3FAF];
	_ =	sdelay $0x3  }
0x34: {  	[smem:$0x3FAF] =	sst s10  }
0x35: {  	s10 =	sld [smem:$0x3FAE];
	_ =	sdelay $0x3  }
0x36: {  	p1 =	seq.s32 s10, $0x1;
	s10 =	sld [smem:$0x3FAF];
	_ =	sdelay $0x3  }
0x37: {  	[smem:$0x3FAF] =	sst s10  }
0x38: {  	s10 =	sld [smem:$0x3FB0]  }
0x39: {  	_ = 	snop;
	(pc) =	sbr.ind lr, $3  }
0x3a: {  	_ = 	snop  }
0x3b: {  	_ = 	snop  }
0x3c: {  	p2 =	seq.s32 s10, $0x1;
	s10 =	sld [smem:$0x3FAF]  }
0x3d: {  	_ =	shalt  }
0x3e: {  	_ =	shalt  }
0x3f: {  	_ =	shalt  }
0x40: {  	_ =	shalt  }
0x41: {  	_ =	shalt  }
0x42: {  	_ =	shalt  }
0x43: {  	_ =	shalt  }
0x44: {  	_ =	shalt  }
0x45: {  	_ =	shalt  }
0x46: {  	_ =	shalt  }
0x47: {  	_ =	shalt  }
0x48: {  	_ =	shalt  }
0x49: {  	_ =	shalt  }
0x4a: {  	_ =	shalt  }
0x4b: {  	_ =	shalt  }
0x4c: {  	_ =	shalt  }
0x4d: {  	_ =	shalt  }
0x4e: {  	_ =	shalt  }
0x4f: {  	_ =	shalt  }
0x50: {  	_ =	shalt  }
0x51: {  	_ =	shalt  }
0x52: {  	_ =	shalt  }
0x53: {  	_ =	shalt  }
0x54: {  	_ =	shalt  }
0x55: {  	_ =	shalt  }
0x56: {  	_ =	shalt  }
0x57: {  	_ =	shalt  }
0x58: {  	_ =	shalt  }
0x59: {  	_ =	shalt  }
0x5a: {  	_ =	shalt  }
0x5b: {  	_ =	shalt  }
0x5c: {  	_ =	shalt  }
0x5d: {  	_ =	shalt  }
0x5e: {  	_ =	shalt  }
0x5f: {  	_ =	shalt  }
0x60: {  	_ =	shalt  }
0x61: {  	_ =	shalt  }
0x62: {  	_ =	shalt  }
0x63: {  	_ =	shalt  }
0x64: {  	_ =	shalt  }
0x65: {  	_ =	shalt  }
0x66: {  	_ =	shalt  }
0x67: {  	_ =	shalt  }
0x68: {  	_ =	shalt  }
0x69: {  	_ =	shalt  }
0x6a: {  	_ =	shalt  }
0x6b: {  	_ =	shalt  }
0x6c: {  	_ =	shalt  }
0x6d: {  	_ =	shalt  }
0x6e: {  	_ =	shalt  }
0x6f: {  	_ =	shalt  }
0x70: {  	_ =	shalt  }
0x71: {  	_ =	shalt  }
0x72: {  	_ =	shalt  }
0x73: {  	_ =	shalt  }
0x74: {  	_ =	shalt  }
0x75: {  	_ =	shalt  }
0x76: {  	_ =	shalt  }
0x77: {  	_ =	shalt  }
0x78: {  	_ =	shalt  }
0x79: {  	_ =	shalt  }
0x7a: {  	_ =	shalt  }
0x7b: {  	_ =	shalt  }
0x7c: {  	_ =	shalt  }
0x7d: {  	_ =	shalt  }
0x7e: {  	_ =	shalt  }
0x7f: {  	_ =	shalt  }
0x80: {  	_ =	shalt  }
0x81: {  	_ =	shalt  }
0x82: {  	_ =	shalt  }
0x83: {  	_ =	shalt  }
0x84: {  	_ =	shalt  }
0x85: {  	_ =	shalt  }
0x86: {  	_ =	shalt  }
0x87: {  	_ =	shalt  }
.Lfunc_end0:
.L_simem_size_0:
called_computation.4_lowered:
.L_overlay_start_0:
0x88: {  	s2 =	sld [smem:$0x3FD9]  }
0x89: {  	s3 =	sld [smem:$0x3FFE];
	_ =	sdelay $0x1  }
0x8a: {  	s1 =	srdreg.scid  }
0x8b: {  	s0 =	sand.u32 $0x1, s1  }
0x8c: {  	s16 =	sshll.u32 s0, $0xA;
	s2 =	sadd.s32 s3, s2  }
0x8d: {  	s2 =	sadd.s32 s2, s16  }
0x8e: {  	[smem:$0x3FBB] =	sst s2  }
0x8f: {  	_ = 	snop  }
0x90: {  	(tm) =	ssettm $0x1  }
0x91: {  	s17 =	sld [smem:$0x3FFB];
	_ =	sdelay $0x3  }
0x92: {  	_ =	strace s17  }
0x93: {  	s2 =	sld [smem:$0x3FFC];
	_ =	sdelay $0x3  }
0x94: {  	_ =	strace s2  }
0x95: {  	s2 =	sld [smem:$0x3FFD];
	_ =	sdelay $0x3  }
0x96: {  	_ =	strace s2  }
0x97: {  	_ =	strace $0x8FFFFFFF  }
0x98: {  	s18 =	sld [smem:$0x3FDB];
	_ =	sdelay $0x1  }
0x99: {  	s19 =	simm.s32 $_scs_section_size  }
0x9a: {  	s4 =	simm.s32 $_size__tile_overlayer_lowered;
	s5 =	simm.s32 $_tile_overlayer_lowered  }
0x9b: {  	s22 =	simm.s32 $0x1BFF;
	s21 =	sshll.u32 s5, $0x1;
	s2 =	sadd.s32 s19, s18  }
0x9c: {  	s6 =	simm.s32 $0x0;
	s20 =	sshll.u32 s4, $0x1;
	s4 =	sadd.s32 s21, s2  }
0x9d: {  	[timem:s6], [sflag:s22] =	dma.local [hbm:s4], s20  }
0x9e: {  	_ =	swait.ge [sflag:s22], s20  }
0x9f: {  	s3 =	ssub.s32 $0x0, s20;
	[sflag:s22] =	ssyncset.done $0x0  }
0xa0: {  	[sflag:s22] =	ssyncadd.s32 s3;
	_ =	sdelay $0x1  }
0xa1: {  	s23 =	simm.s32 $0x1B8B  }
0xa2: {  	_ =	swait.ge [sflag:s23], $0x1  }
0xa3: {  	[sflag:s23] =	ssyncset.done $0x0  }
0xa4: {  	s25 =	simm.s32 $0x1B8E;
	s24 =	sld [smem:$0x3FFE];
	[sflag:s23] =	ssyncadd.s32 $0xFFFFFFFF  }
0xa5: {  	s26 =	simm.s32 $execute0_lowered;
	[smem:$0x3FD2] =	sst s25  }
0xa6: {  	s4 =	sshll.u32 s26, $0x1;
	_ =	strace $0x80000049;
	[dreg:$0x1] =	wrdreg $0xFFFFFFFF  }
0xa7: {  	s28 =	simm.s32 $_size_execute0_lowered;
	s2 =	sadd.s32 s2, s4;
	[dreg:$0x0] =	wrdreg $0x0  }
0xa8: {  	s4 =	sshll.u32 s28, $0x1;
	[dreg:$0x2] =	wrdreg s2  }
0xa9: {  	[dreg:$0x3] =	wrdreg s4  }
0xaa: {  	[dreg:$0x4] =	wrdreg $0xC0  }
0xab: {  	_ =	task [dreg:s6], $0x5FFFF  }
0xac: {  	[dreg:$0x1] =	wrdreg $0xFFFFFFFF  }
0xad: {  	[dreg:$0x0] =	wrdreg $0x60  }
0xae: {  	[dreg:$0x2] =	wrdreg s24  }
0xaf: {  	[dreg:$0x3] =	wrdreg $0xC  }
0xb0: {  	_ =	task.clear_ibuf [dreg:s6], $0x4FFFF;
	_ =	strace $0x90000049  }
0xb1: {  	s29 =	simm.s32 $0xC;
	_ =	strace $0x8000004B  }
0xb2: {  	_ =	swait.ge [sflag:s29], $0x1  }
0xb3: {  	[sflag:s29] =	ssyncadd.s32 $0xFFFFFFFF  }
0xb4: {  	_ =	strace $0x9000004B  }
0xb5: {  	_ =	sfence  }
0xb6: {  	s30 =	sld [smem:$0x0];
	_ =	sdelay $0x2  }
0xb7: {  	s31 =	sshll.u32 s1, $0xD;
	s1 =	sshrl.u32 s1, $0x2  }
0xb8: {  	s3 =	sand.u32 $0x4000, s31;
	s1 =	sadd.s32 s1, s30  }
0xb9: {  	s0 =	sor.u32 s3, s0;
	s1 =	sshll.u32 s1, $0x11  }
0xba: {  	s0 =	sor.u32 s1, s0  }
0xbb: {  	s0 =	sadd.s32 $0x8F2B, s0  }
0xbc: {  	[sflag:s0] =	ssyncadd.remote.s32 $0x1  }
0xbd: {  	_ =	sfence.sel $0xFFFF  }
0xbe: {  	[dreg:$0x0] =	wrdreg $0xFFFFFFFF;
	(pc) =	sbr.abs _section_cstart, $3  }
0xbf: {  	[dreg:$0x1] =	wrdreg $0xFFFFFFFF  }
0xc0: {  	_ =	task.clear_ibuf [dreg:s6], $0x2FFFF;
	_ =	strace $0x9FFFFFFF  }
0xc1: {  	(tm) =	ssettm $0x7FFFFFFF  }
tec
execute0_lowered:
.L_overlay_start_1:
0x0: {  	(tag) =	ssettag $0x1  }
0x1: {  	s4 =	rddreg [dreg:$0x0];
	s1 =	stileid.u32  }
0x2: {  	s0 =	rddreg [dreg:$0x1];
	s2 =	simm.s32 $0x0;
	s23 =	smul.u32 $0x340, s1  }
0x3: {  	s3 =	srdreg.scid;
	s16 =	simm.s32 $0x2;
	s14 =	smul.u32 $0x34, s1  }
0x4: {  	[smem:$0x7FF] =	sst s2;
	s8 =	sand.u32 $0x1, s3;
	s26 =	smul.u32 $0x1A000, s1  }
0x5: {  	s20 =	sshll.u32 s1, $0x1;
	s9 =	sadd.s32 $0xAE00, s4;
	s15 =	smul.u32 $0x1A, s8  }
0x6: {  	s3 =	sadd.s32 $0xE200, s4;
	s4 =	sadd.s32 $0x194C00, s4;
	s25 =	smul.u32 $0x1A0, s8  }
0x7: {  	s5 =	ssub.s32 $0x2, s8;
	s6 =	sor.u32 s8, s20;
	s28 =	smul.u32 $0xD000, s8  }
0x8: {  	_ =	strace $0x8000004A;
	s7 =	sshrl.u32 s5, $0x1;
	s10 =	smul.u32 $0x1A0, s6  }
0x9: {  	s11 =	smul.u32 $0x1A, s6;
	s7 =	ssub.s32 s5, s7;
	s14 =	sadd.s32 s15, s14  }
0xa: {  	s15 =	simm.s32 $0x1;
	s5 =	sadd.s32 s9, s10;
	s6 =	smax.u32 s7, $0x1  }
0xb: {  	s21 =	sshll.u32 s11, $0xB;
	s22 =	sadd.s32 $0x19, s11;
	s11 =	sadd.s32 s23, s9  }
0xc: {  	s29 =	sshll.u32 s14, $0x4;
	s14 =	simm.s32 $0x4100;
	s12 =	sshll.u32 s22, $0x4  }
0xd: {  	s13 =	sadd.s32 $0xC000, s21;
	s10 =	sshll.u32 s22, $0xB;
	s30 =	sadd.s32 s25, s11  }
0xe: {  	s31 =	sadd.s32 s29, s9;
	s11 =	simm.s32 $0x3;
	s7 =	sadd.s32 s9, s12  }
0xf: {  	s24 =	sand.u32 $0x3F0000, s13;
	s17 =	sand.u32 $0xF000, s13;
	s19 =	sand.u32 $0xF800, s10  }
0x10: {  	s8 =	sadd.s32 $0x20, s30;
	s9 =	sadd.s32 s28, s26;
	s10 =	sadd.s32 $0x10, s31  }
0x11: {  	s12 =	simm.s32 $0x80;
	s13 =	simm.s32 $0x100;
	s18 =	sadd.s32 s4, s24  }
0x12: {  	s17 =	sadd.s32 s17, s18;
	s18 =	sadd.s32 s19, s18;
	s19 =	simm.s32 $0x0  }
.LBB2_1:
0x13: {  	[tilespmem:s2], [sflag:$0x3] =	stream.linear.gather [hbm4b:s5+s2], $0x80, $0x38;
	[tilespmem:$0x8100] =	vst v63  }
0x14: {  	_ =	swait.ge [sflag:s11], $0x80  }
0x15: {  	[sflag:s11] =	ssyncset.done $0x0  }
0x16: {  	[sflag:s11] =	ssyncadd.s32 $0xFFFFFF80  }
0x17: {  	[tilespmem:s13], [sflag:$0x1] =	stream.indirect.gather [hbm4b:s3+s12], $0x80, s2, s12, $0xb8;
	[tilespmem:$0x8100] =	vst v63  }
0x18: {  	s20 =	sadd.s32 $0x0, s10  }
0x19: {  	[tilespmem:s12], [sflag:$0x3] =	stream.linear.gather [hbm4b:s20+s2], $0x80, $0x38;
	[tilespmem:$0x8100] =	vst v63  }
0x1a: {  	_ =	swait.ge [sflag:s11], $0x80  }
0x1b: {  	[sflag:s11] =	ssyncset.done $0x0  }
0x1c: {  	[sflag:s11] =	ssyncadd.s32 $0xFFFFFF80  }
0x1d: {  	[tilespmem:s14], [sflag:$0x2] =	stream.indirect.gather [hbm4b:s3+s12], $0x80, s12, s12, $0xb8;
	[tilespmem:$0x8100] =	vst v63  }
0x1e: {  	s29 =	sand.u32 $0x1FFF0000, s9;
	_ =	swait.ge [sflag:s15], $0x4000  }
0x1f: {  	s21 =	sand.u32 $0xF000, s9;
	s20 =	sadd.s32 s4, s29;
	[sflag:s15] =	ssyncset.done $0x0  }
0x20: {  	s21 =	sadd.s32 s21, s20;
	[sflag:s15] =	ssyncadd.s32 $0xFFFFC000  }
0x21: {  	[hbm4b:s21+s2] =	stream.linear.scatter [tilespmem:s13], [sflag:$0x3], $0x4000, $0x38;
	[tilespmem:$0x8100] =	vst v63  }
0x22: {  	_ =	swait.ge [sflag:s11], $0x4000  }
0x23: {  	[sflag:s11] =	ssyncset.done $0x0  }
0x24: {  	s30 =	sadd.s32 $0x0, s8;
	[sflag:s11] =	ssyncadd.s32 $0xFFFFC000  }
0x25: {  	[tilespmem:s2], [sflag:$0x3] =	stream.linear.gather [hbm4b:s30+s2], $0x80, $0x38;
	[tilespmem:$0x8100] =	vst v63  }
0x26: {  	_ =	swait.ge [sflag:s11], $0x80  }
0x27: {  	[sflag:s11] =	ssyncset.done $0x0  }
0x28: {  	[sflag:s11] =	ssyncadd.s32 $0xFFFFFF80  }
0x29: {  	[tilespmem:s13], [sflag:$0x1] =	stream.indirect.gather [hbm4b:s3+s12], $0x80, s2, s12, $0xb8;
	[tilespmem:$0x8100] =	vst v63  }
0x2a: {  	s31 =	sadd.s32 $0x800, s9;
	_ =	swait.ge [sflag:s16], $0x4000  }
0x2b: {  	s21 =	sand.u32 $0xF800, s31;
	[sflag:s16] =	ssyncset.done $0x0  }
0x2c: {  	s20 =	sadd.s32 s21, s20;
	[sflag:s16] =	ssyncadd.s32 $0xFFFFC000  }
0x2d: {  	[hbm4b:s20+s2] =	stream.linear.scatter [tilespmem:s14], [sflag:$0x3], $0x4000, $0x38;
	[tilespmem:$0x8100] =	vst v63  }
0x2e: {  	s22 =	simm.s32 $0x40;
	_ =	swait.ge [sflag:s11], $0x4000  }
0x2f: {  	s21 =	simm.s32 $0x20;
	s20 =	sadd.s32 $0x1000, s9;
	[sflag:s11] =	ssyncset.done $0x0  }
.LBB2_2:
0x30: {  	s23 =	sadd.s32 s21, s10  }
0x31: {  	[sflag:s11] =	ssyncadd.s32 $0xFFFFC000;
	s24 =	smov.u32 s22;
	s25 =	sadd.s32 $0x20, s22  }
0x32: {  	[tilespmem:s12], [sflag:$0x3] =	stream.linear.gather [hbm4b:s23+s2], $0x80, $0x38;
	[tilespmem:$0x8100] =	vst v63  }
0x33: {  	p0 =	sne.s32 s22, $0x160;
	_ =	swait.ge [sflag:s11], $0x80  }
0x34: {  	[sflag:s11] =	ssyncset.done $0x0  }
0x35: {  	[sflag:s11] =	ssyncadd.s32 $0xFFFFFF80  }
0x36: {  	[tilespmem:s14], [sflag:$0x2] =	stream.indirect.gather [hbm4b:s3+s12], $0x80, s12, s12, $0xb8;
	[tilespmem:$0x8100] =	vst v63  }
0x37: {  	s22 =	sand.u32 $0x1FFF0000, s20;
	_ =	swait.ge [sflag:s15], $0x4000  }
0x38: {  	s22 =	sadd.s32 s4, s22;
	s23 =	sand.u32 $0xF000, s20;
	[sflag:s15] =	ssyncset.done $0x0  }
0x39: {  	s23 =	sadd.s32 s23, s22;
	[sflag:s15] =	ssyncadd.s32 $0xFFFFC000  }
0x3a: {  	[hbm4b:s23+s2] =	stream.linear.scatter [tilespmem:s13], [sflag:$0x3], $0x4000, $0x38;
	[tilespmem:$0x8100] =	vst v63  }
0x3b: {  	_ =	swait.ge [sflag:s11], $0x4000  }
0x3c: {  	[sflag:s11] =	ssyncset.done $0x0  }
0x3d: {  	s23 =	sadd.s32 s21, s8;
	s21 =	smov.u32 s24;
	[sflag:s11] =	ssyncadd.s32 $0xFFFFC000  }
0x3e: {  	[tilespmem:s2], [sflag:$0x3] =	stream.linear.gather [hbm4b:s23+s2], $0x80, $0x38;
	[tilespmem:$0x8100] =	vst v63  }
0x3f: {  	_ =	swait.ge [sflag:s11], $0x80  }
0x40: {  	[sflag:s11] =	ssyncset.done $0x0  }
0x41: {  	[sflag:s11] =	ssyncadd.s32 $0xFFFFFF80  }
0x42: {  	[tilespmem:s13], [sflag:$0x1] =	stream.indirect.gather [hbm4b:s3+s12], $0x80, s2, s12, $0xb8;
	[tilespmem:$0x8100] =	vst v63  }
0x43: {  	s23 =	sadd.s32 $0x800, s20;
	_ =	swait.ge [sflag:s16], $0x4000  }
.Ltmp0:
0x44: {  	s23 =	sand.u32 $0xF800, s23;
	[sflag:s16] =	ssyncset.done $0x0;
	(pc) =	sbr.rel @p0 .LBB2_2-.Ltmp0, $4  }
0x45: {  	s22 =	sadd.s32 s23, s22;
	[sflag:s16] =	ssyncadd.s32 $0xFFFFC000  }
0x46: {  	[hbm4b:s22+s2] =	stream.linear.scatter [tilespmem:s14], [sflag:$0x3], $0x4000, $0x38;
	[tilespmem:$0x8100] =	vst v63  }
0x47: {  	_ =	swait.ge [sflag:s11], $0x4000  }
0x48: {  	s20 =	sadd.s32 $0x1000, s20;
	s22 =	smov.u32 s25;
	[sflag:s11] =	ssyncset.done $0x0  }
0x49: {  	s22 =	sadd.s32 s21, s10;
	[sflag:s11] =	ssyncadd.s32 $0xFFFFC000  }
0x4a: {  	[tilespmem:s12], [sflag:$0x3] =	stream.linear.gather [hbm4b:s22+s2], $0x80, $0x38;
	[tilespmem:$0x8100] =	vst v63  }
0x4b: {  	_ =	swait.ge [sflag:s11], $0x80  }
0x4c: {  	[sflag:s11] =	ssyncset.done $0x0  }
0x4d: {  	[sflag:s11] =	ssyncadd.s32 $0xFFFFFF80  }
0x4e: {  	[tilespmem:s14], [sflag:$0x2] =	stream.indirect.gather [hbm4b:s3+s12], $0x80, s12, s12, $0xb8;
	[tilespmem:$0x8100] =	vst v63  }
0x4f: {  	s29 =	sand.u32 $0x1FFF0000, s20;
	_ =	swait.ge [sflag:s15], $0x4000  }
0x50: {  	s23 =	sand.u32 $0xF000, s20;
	s22 =	sadd.s32 s4, s29;
	[sflag:s15] =	ssyncset.done $0x0  }
0x51: {  	s23 =	sadd.s32 s23, s22;
	[sflag:s15] =	ssyncadd.s32 $0xFFFFC000  }
0x52: {  	[hbm4b:s23+s2] =	stream.linear.scatter [tilespmem:s13], [sflag:$0x3], $0x4000, $0x38;
	[tilespmem:$0x8100] =	vst v63  }
0x53: {  	_ =	swait.ge [sflag:s11], $0x4000  }
0x54: {  	[sflag:s11] =	ssyncset.done $0x0  }
0x55: {  	s30 =	sadd.s32 s21, s8;
	[sflag:s11] =	ssyncadd.s32 $0xFFFFC000  }
0x56: {  	[tilespmem:s2], [sflag:$0x3] =	stream.linear.gather [hbm4b:s30+s2], $0x80, $0x38;
	[tilespmem:$0x8100] =	vst v63  }
0x57: {  	_ =	swait.ge [sflag:s11], $0x80  }
0x58: {  	[sflag:s11] =	ssyncset.done $0x0  }
0x59: {  	[sflag:s11] =	ssyncadd.s32 $0xFFFFFF80  }
0x5a: {  	[tilespmem:s13], [sflag:$0x1] =	stream.indirect.gather [hbm4b:s3+s12], $0x80, s2, s12, $0xb8;
	[tilespmem:$0x8100] =	vst v63  }
0x5b: {  	s31 =	sadd.s32 $0x800, s20;
	_ =	swait.ge [sflag:s16], $0x4000  }
0x5c: {  	s20 =	sand.u32 $0xF800, s31;
	[sflag:s16] =	ssyncset.done $0x0  }
0x5d: {  	s20 =	sadd.s32 s20, s22;
	[sflag:s16] =	ssyncadd.s32 $0xFFFFC000  }
0x5e: {  	[hbm4b:s20+s2] =	stream.linear.scatter [tilespmem:s14], [sflag:$0x3], $0x4000, $0x38;
	[tilespmem:$0x8100] =	vst v63  }
0x5f: {  	_ =	swait.ge [sflag:s11], $0x4000  }
0x60: {  	[sflag:s11] =	ssyncset.done $0x0  }
0x61: {  	[sflag:s11] =	ssyncadd.s32 $0xFFFFC000  }
0x62: {  	[tilespmem:s12], [sflag:$0x3] =	stream.linear.gather [hbm4b:s7+s2], $0x80, $0x38;
	[tilespmem:$0x8100] =	vst v63  }
0x63: {  	_ =	swait.ge [sflag:s11], $0x80  }
0x64: {  	[sflag:s11] =	ssyncset.done $0x0  }
0x65: {  	[sflag:s11] =	ssyncadd.s32 $0xFFFFFF80  }
0x66: {  	[tilespmem:s14], [sflag:$0x2] =	stream.indirect.gather [hbm4b:s3+s12], $0x80, s12, s12, $0xb8;
	[tilespmem:$0x8100] =	vst v63  }
0x67: {  	_ =	swait.ge [sflag:s15], $0x4000  }
0x68: {  	[sflag:s15] =	ssyncset.done $0x0  }
0x69: {  	[sflag:s15] =	ssyncadd.s32 $0xFFFFC000  }
0x6a: {  	[hbm4b:s17+s2] =	stream.linear.scatter [tilespmem:s13], [sflag:$0x3], $0x4000, $0x38;
	[tilespmem:$0x8100] =	vst v63  }
0x6b: {  	_ =	swait.ge [sflag:s11], $0x4000  }
0x6c: {  	[sflag:s11] =	ssyncset.done $0x0  }
0x6d: {  	[sflag:s11] =	ssyncadd.s32 $0xFFFFC000  }
0x6e: {  	s19 =	sadd.s32 $0x1, s19;
	_ =	swait.ge [sflag:s16], $0x4000  }
0x6f: {  	p0 =	sne.s32 s19, s6;
	[sflag:s16] =	ssyncset.done $0x0  }
.Ltmp1:
0x70: {  	[sflag:s16] =	ssyncadd.s32 $0xFFFFC000;
	(pc) =	sbr.rel @p0 .LBB2_1-.Ltmp1, $4  }
0x71: {  	[hbm4b:s18+s2] =	stream.linear.scatter [tilespmem:s14], [sflag:$0x3], $0x4000, $0x38;
	[tilespmem:$0x8100] =	vst v63  }
0x72: {  	_ =	swait.ge [sflag:s11], $0x4000  }
0x73: {  	[sflag:s11] =	ssyncset.done $0x0  }
0x74: {  	[sflag:s11] =	ssyncadd.s32 $0xFFFFC000  }
0x75: {  	_ =	sfence.sel $0x180000  }
0x76: {  	[bflag:$0x0] =	sbarrier.arrive $0xFFFF  }
0x77: {  	p0 =	sne.s32 s1, $0x0;
	_ =	strace $0x9000004A  }
0x78: {  	s0 =	sadd.s32 @!p0 $0x100000, s0;
	[bflag:$0x2] =	sbarrier.arrive $0xFFFF  }
0x79: {  	[sflag:s0] =	ssyncadd.tile.s32 @!p0 $0x1;
	_ =	shalt  }
.Lfunc_end2:
_tile_overlayer_lowered:
.L_overlay_start_2:
0x7a: {  	(tag) =	ssettag $0x2  }
0x7b: {  	s0 =	rddreg [dreg:$0x0];
	s2 =	stileid.u32  }
0x7c: {  	s1 =	rddreg [dreg:$0x1];
	p0 =	sne.s32 s2, $0x0  }
0x7d: {  	s3 =	rddreg [dreg:$0x2];
	[bflag:$0x3] =	sbarrier.arrive $0xFFFF;
	s2 =	simm.s32 @!p0 $0x1C03  }
0x7e: {  	[timem:s3], [sflag:s2] =	dma.local @!p0 [hbm:s0], s1  }
0x7f: {  	s0 =	simm.s32 @!p0 $0x3  }
0x80: {  	_ =	swait.ge @!p0 [sflag:s0], s1  }
0x81: {  	s1 =	ssub.s32 @!p0 $0x0, s1;
	[sflag:s0] =	ssyncset.done @!p0 $0x0  }
0x82: {  	[sflag:s0] =	ssyncadd.s32 @!p0 s1  }
0x83: {  	[bflag:$0x3] =	sbarrier.arrive $0xFFFF  }
0x84: {  	_ =	shalt  }

// kernel: sparse-core-data-format-call.cloned.1.call-start
scs
called_computation_lowered:
.L_overlay_start_0:
0x0: {  	s1 =	sld [smem:$0x3FD9]  }
0x1: {  	s2 =	sld [smem:$0x3FFE];
	_ =	sdelay $0x1  }
0x2: {  	s3 =	srdreg.scid  }
0x3: {  	s0 =	sand.u32 $0x1, s3  }
0x4: {  	s17 =	sshll.u32 s0, $0xA;
	s1 =	sadd.s32 s2, s1  }
0x5: {  	s1 =	sadd.s32 s1, s17  }
0x6: {  	[smem:$0x3FBB] =	sst s1  }
0x7: {  	_ = 	snop  }
0x8: {  	(tm) =	ssettm $0x1  }
0x9: {  	s18 =	sld [smem:$0x3FFB];
	_ =	sdelay $0x3  }
0xa: {  	_ =	strace s18  }
0xb: {  	s1 =	sld [smem:$0x3FFC];
	_ =	sdelay $0x3  }
0xc: {  	_ =	strace s1  }
0xd: {  	s1 =	sld [smem:$0x3FFD];
	_ =	sdelay $0x3  }
0xe: {  	_ =	strace s1  }
0xf: {  	_ =	strace $0x8FFFFFFF  }
0x10: {  	s19 =	sld [smem:$0x3FDB];
	_ =	sdelay $0x1  }
0x11: {  	s20 =	simm.s32 $_scs_section_size  }
0x12: {  	s4 =	simm.s32 $_size__tile_overlayer_lowered;
	s5 =	simm.s32 $_tile_overlayer_lowered  }
0x13: {  	s23 =	simm.s32 $0x1BFF;
	s22 =	sshll.u32 s5, $0x1;
	s1 =	sadd.s32 s20, s19  }
0x14: {  	s6 =	simm.s32 $0x0;
	s21 =	sshll.u32 s4, $0x1;
	s4 =	sadd.s32 s22, s1  }
0x15: {  	[timem:s6], [sflag:s23] =	dma.local [hbm:s4], s21  }
0x16: {  	_ =	swait.ge [sflag:s23], s21  }
0x17: {  	s2 =	ssub.s32 $0x0, s21;
	[sflag:s23] =	ssyncset.done $0x0  }
0x18: {  	[sflag:s23] =	ssyncadd.s32 s2;
	_ =	sdelay $0x1  }
0x19: {  	s24 =	simm.s32 $0x1B8B  }
0x1a: {  	_ =	swait.ge [sflag:s24], $0x1  }
0x1b: {  	[sflag:s24] =	ssyncset.done $0x0  }
0x1c: {  	s26 =	simm.s32 $0x1B8E;
	s25 =	sld [smem:$0x3FFE];
	[sflag:s24] =	ssyncadd.s32 $0xFFFFFFFF  }
0x1d: {  	s27 =	simm.s32 $execute0_lowered;
	[smem:$0x3FD2] =	sst s26  }
0x1e: {  	s4 =	sshll.u32 s27, $0x1;
	_ =	strace $0x80000046;
	[dreg:$0x1] =	wrdreg $0xFFFFFFFF  }
0x1f: {  	s28 =	simm.s32 $_size_execute0_lowered;
	s1 =	sadd.s32 s1, s4;
	[dreg:$0x0] =	wrdreg $0x0  }
0x20: {  	s4 =	sshll.u32 s28, $0x1;
	[dreg:$0x2] =	wrdreg s1  }
0x21: {  	[dreg:$0x3] =	wrdreg s4  }
0x22: {  	[dreg:$0x4] =	wrdreg $0xC0  }
0x23: {  	_ =	task [dreg:s6], $0x5FFFF  }
0x24: {  	[dreg:$0x1] =	wrdreg $0xFFFFFFFF  }
0x25: {  	[dreg:$0x0] =	wrdreg $0x60  }
0x26: {  	[dreg:$0x2] =	wrdreg s25  }
0x27: {  	[dreg:$0x3] =	wrdreg $0x9  }
0x28: {  	_ =	task.clear_ibuf [dreg:s6], $0x4FFFF;
	_ =	strace $0x90000046  }
0x29: {  	s29 =	simm.s32 $0x9;
	_ =	strace $0x80000048  }
0x2a: {  	_ =	swait.ge [sflag:s29], $0x1  }
0x2b: {  	[sflag:s29] =	ssyncadd.s32 $0xFFFFFFFF  }
0x2c: {  	_ =	strace $0x90000048  }
0x2d: {  	_ =	sfence  }
0x2e: {  	s30 =	sld [smem:$0x0];
	_ =	sdelay $0x2  }
0x2f: {  	s31 =	sshll.u32 s3, $0xD;
	s3 =	sshrl.u32 s3, $0x2  }
0x30: {  	s2 =	sand.u32 $0x4000, s31;
	s1 =	sadd.s32 s3, s30  }
0x31: {  	s0 =	sor.u32 s2, s0;
	s1 =	sshll.u32 s1, $0x11  }
0x32: {  	s0 =	sor.u32 s1, s0  }
0x33: {  	s0 =	sadd.s32 $0x8F2B, s0  }
0x34: {  	[sflag:s0] =	ssyncadd.remote.s32 $0x1  }
0x35: {  	_ =	sfence.sel $0xFFFF  }
0x36: {  	[dreg:$0x0] =	wrdreg $0xFFFFFFFF;
	(pc) =	sbr.abs _section_cstart, $3  }
0x37: {  	[dreg:$0x1] =	wrdreg $0xFFFFFFFF  }
0x38: {  	_ =	task.clear_ibuf [dreg:s6], $0x2FFFF;
	_ =	strace $0x9FFFFFFF  }
0x39: {  	(tm) =	ssettm $0x7FFFFFFF  }
tec
execute0_lowered:
.L_overlay_start_1:
0x0: {  	(tag) =	ssettag $0x1  }
0x1: {  	s0 =	srdreg.scid  }
0x2: {  	s4 =	rddreg [dreg:$0x0];
	s1 =	stileid.u32  }
0x3: {  	s5 =	simm.s32 $0x1;
	s7 =	simm.s32 $0x2;
	s14 =	simm.s32 $0x0  }
0x4: {  	p0 =	por $0x0, $0x0;
	s13 =	simm.s32 $0x0;
	s0 =	sshll.u32 s0, $0x4  }
0x5: {  	s8 =	simm.s32 $0x0;
	s9 =	simm.s32 $0x0;
	s2 =	sand.u32 $0x10, s0  }
.Ltmp0:
0x6: {  	s11 =	simm.s32 $0x0;
	s3 =	sor.u32 s1, s2;
	(pc) =	sbr.rel .LBB1_1-.Ltmp0, $4  }
0x7: {  	s12 =	simm.s32 $0x0;
	s0 =	rddreg [dreg:$0x1];
	s3 =	sshll.u32 s3, $0x7  }
0x8: {  	_ =	strace $0x80000047;
	s2 =	sadd.s32 $0xC6600, s4;
	s6 =	ssub.s32 $0x18680, s3  }
0x9: {  	s4 =	sadd.s32 $0x24D600, s4;
	[sflag:s5] =	ssyncpa.u1 $0x0;
	s6 =	sshrl.u32 s6, $0xC  }
0xa: {  	[sflag:s7] =	ssyncpa.u1 $0x0;
	s10 =	smov.u32 s3;
	s7 =	sadd.s32 $0x2, s6  }
.LBB1_5:
0xb: {  	p1 =	slt.u32 s12, $0x2  }
0xc: {  	p2 =	sgt.s32 @!p1 s14, $0x18620  }
0xd: {  	s15 =	smov.u32 s14;
	s16 =	sshra.s32 @!p1 s14, $0x1F;
	p2 =	por !p2, p1  }
0xe: {  	s14 =	sand.u32 @!p1 s16, s14;
	s15 =	simm.s32 @p2 $0x18620  }
0xf: {  	s14 =	ssub.s32 @!p1 s15, s14;
	s15 =	ssub.s32 @!p1 $0x0, s13  }
0x10: {  	s17 =	smov.u32 s11;
	s16 =	sadd.s32 @!p1 $0xFFFE79E0, s14;
	s13 =	smin.u32 @!p1 s13, s15  }
0x11: {  	s14 =	ssub.s32 @!p1 $0x186A0, s14;
	p2 =	sgt.s32 @!p1 s16, $0x7F;
	p3 =	sgt.s32 @!p1 s13, $0x7F  }
0x12: {  	s13 =	ssub.s32 @!p1 $0x80, s13;
	p2 =	por !p2, p1;
	p3 =	por !p3, p1  }
0x13: {  	s15 =	sadd.s32 $0x1000, s10;
	s14 =	simm.s32 @!p2 $0x0;
	s13 =	simm.s32 @!p3 $0x0  }
0x14: {  	p2 =	sgt.s32 s15, $0x1869F;
	s13 =	smul.u32 @!p1 s13, s14;
	s14 =	sadd.s32 $0x80, s11  }
0x15: {  	s17 =	smov.u32 @p2 s14  }
0x16: {  	s15 =	smov.u32 @p2 s3;
	p2 =	sgt.s32 s17, $0x7F  }
0x17: {  	s17 =	simm.s32 @p2 $0x0;
	p2 =	sne.s32 s12, s7  }
.Ltmp1:
0x18: {  	p0 =	por !p0, !p0;
	s16 =	simm.s32 @!p1 $0x2;
	(pc) =	sbr.rel @!p2 .LBB1_6-.Ltmp1, $4  }
0x19: {  	s14 =	smov.u32 s8;
	s8 =	smov.u32 s10;
	s13 =	sand.u32 @!p1 $0x3FFFFFFF, s13  }
0x1a: {  	s10 =	smov.u32 s15;
	_ =	swait.ge @!p1 [sflag:s16], s13;
	s18 =	ssub.s32 @!p1 $0x0, s13  }
0x1b: {  	s13 =	smov.u32 s9;
	s12 =	sadd.s32 $0x1, s12;
	[sflag:s16] =	ssyncset.done @!p1 $0x0  }
0x1c: {  	s9 =	smov.u32 s11;
	s11 =	smov.u32 s17;
	[sflag:s16] =	ssyncadd.s32 @!p1 s18  }
.LBB1_1:
0x1d: {  	p1 =	sgt.u32 s12, s6  }
0x1e: {  	s15 =	sshrl.u32 @!p1 s11, $0x3  }
0x1f: {  	s16 =	sshll.u32 @!p1 s10, $0x3;
	s15 =	smul.u32 @!p1 $0xC3800, s15  }
0x20: {  	s17 =	sshll.u32 @!p1 s11, $0x7;
	s16 =	sand.u32 @!p1 $0xFFFFFC00, s16  }
0x21: {  	s15 =	sadd.s32 @!p1 s15, s16;
	s16 =	sand.u32 @!p1 $0x380, s17  }
0x22: {  	s17 =	sand.u32 @!p1 $0x7F, s10;
	s15 =	sor.u32 @!p1 s16, s15  }
0x23: {  	s16 =	sor.u32 @!p1 s17, s15  }
0x24: {  	s17 =	smulhi.u32 @!p1 $0xA79C7B17, s16;
	_ =	sdelay $0x1  }
0x25: {  	s15 =	smulhi.u32 @!p1 $0xA79C7B17, s15;
	s17 =	sshrl.u32 @!p1 s17, $0x10  }
0x26: {  	s17 =	smul.u32 @!p1 $0x18700, s17  }
0x27: {  	s18 =	sxor.u32 @!p1 $0xFFFFFFFF, s12;
	s15 =	sshrl.u32 @!p1 s15, $0x10  }
0x28: {  	s18 =	sshll.u32 @!p1 s18, $0xE;
	s15 =	sand.u32 @!p1 $0x7F, s15;
	s16 =	ssub.s32 @!p1 s16, s17  }
0x29: {  	s15 =	smul.u32 @!p1 $0x30E0, s15;
	s17 =	sshrl.u32 @!p1 s16, $0x3;
	s16 =	sand.u32 @!p1 $0x7, s16  }
0x2a: {  	s18 =	sand.u32 @!p1 $0x4000, s18;
	s17 =	sadd.s32 @!p1 s2, s17;
	s16 =	sshll.u32 @!p1 s16, $0x12  }
0x2b: {  	s15 =	sadd.s32 @!p1 s15, s17;
	s16 =	sor.u32 @!p1 $0x400, s16;
	s17 =	simm.s32 @!p1 $0xC3800  }
0x2c: {  	[tilespmem:s18], [sflag:$0x1] =	stream.strided.gather @!p1 [hbm4b:s15+s16], $0x4000, s17, s16, $0x38;
	[tilespmem:$0x10100] =	vst v63  }
0x2d: {  	p1 =	seq.s32 s12, $0x0  }
0x2e: {  	p2 =	sge.u32 @!p1 s12, s7  }
0x2f: {  	p1 =	por p1, p2  }
.Ltmp2:
0x30: {  	_ = 	snop;
	(pc) =	sbr.rel @p1 .LBB1_5-.Ltmp2, $1  }
0x31: {  	_ =	sdelay $0x3  }
0x32: {  	s15 =	simm.s32 $0x1  }
0x33: {  	_ =	swait.ge [sflag:s5], $0x4000;
	s15 =	simm.s32 @!p0 $0x0  }
0x34: {  	[sflag:s5] =	ssyncset.done $0x0;
	s16 =	sshll.u32 s15, $0xE  }
0x35: {  	[sflag:s5] =	ssyncadd.s32 $0xFFFFC000;
	s16 =	sor.u32 $0x40, s16  }
0x36: {  	s15 =	smul.u32 $0x10200, s15;
	v0 =	vld [tilespmem:s16+$0x30]  }
0x37: {  	v1 =	vld [tilespmem:s16+$0xFFFFFFD0]  }
0x38: {  	s15 =	sshrl.u32 s15, $0x2;
	v5 =	vld [tilespmem:s16+$0xFFFFFFE0]  }
0x39: {  	v6 =	vld [tilespmem:s16+$0xFFFFFFF0];
	s18 =	sor.u32 $0x8000, s15  }
0x3a: {  	s31 =	sand.u32 $0x1, s12;
	v4 =	vld [tilespmem:s16+$0x0];
	s17 =	sadd.s32 $0x0, s18  }
0x3b: {  	v3 =	vld [tilespmem:s16+$0x10];
	s15 =	smul.u32 $0x10200, s31;
	[tilespmem:s17+$0x3870 ss:$0x81] =	vst.msk $0xffff, v0  }
0x3c: {  	v2 =	vld [tilespmem:s16+$0x20];
	[tilespmem:s17+$0x810 ss:$0x81] =	vst.msk $0xffff, v1  }
0x3d: {  	s15 =	sshrl.u32 s15, $0x2;
	v0 =	vld [tilespmem:s16+$0xFFFFFFC0];
	[tilespmem:s17+$0x1020 ss:$0x81] =	vst.msk $0xffff, v5;
	s16 =	sadd.s32 $0x80, s16  }
0x3e: {  	s19 =	simm.s32 $0x4;
	s20 =	simm.s32 $0x8;
	s15 =	sor.u32 $0x8000, s15;
	[tilespmem:s17+$0x1830 ss:$0x81] =	vst.msk $0xffff, v6;
	v1 =	vld [tilespmem:s16+$0x30]  }
.LBB1_3:
0x3f: {  	p1 =	sne.s32 s20, $0x1FC;
	v5 =	vld [tilespmem:s16+$0xFFFFFFD0];
	[tilespmem:s17+$0x2040 ss:$0x81] =	vst.msk $0xffff, v4  }
0x40: {  	v6 =	vld [tilespmem:s16+$0xFFFFFFE0];
	[tilespmem:s17+$0x2850 ss:$0x81] =	vst.msk $0xffff, v3  }
0x41: {  	s21 =	sshra.s32 s19, $0x2;
	s19 =	smov.u32 s20;
	v7 =	vld [tilespmem:s16+$0xFFFFFFF0];
	[tilespmem:s17+$0x3060 ss:$0x81] =	vst.msk $0xffff, v2  }
.Ltmp3:
0x42: {  	v4 =	vld [tilespmem:s16+$0x0];
	[tilespmem:s17+$0x0 ss:$0x81] =	vst.msk $0xffff, v0;
	s17 =	sadd.s32 s21, s18;
	(pc) =	sbr.rel @p1 .LBB1_3-.Ltmp3, $4  }
0x43: {  	v3 =	vld [tilespmem:s16+$0x10];
	[tilespmem:s17+$0x3870 ss:$0x81] =	vst.msk $0xffff, v1  }
0x44: {  	[tilespmem:s17+$0x810 ss:$0x81] =	vst.msk $0xffff, v5;
	v2 =	vld [tilespmem:s16+$0x20]  }
0x45: {  	v0 =	vld [tilespmem:s16+$0xFFFFFFC0];
	[tilespmem:s17+$0x1020 ss:$0x81] =	vst.msk $0xffff, v6;
	s16 =	sadd.s32 $0x80, s16  }
0x46: {  	s20 =	sadd.s32 $0x4, s20;
	v1 =	vld [tilespmem:s16+$0x30];
	[tilespmem:s17+$0x1830 ss:$0x81] =	vst.msk $0xffff, v7  }
0x47: {  	s20 =	sshll.u32 s8, $0x7;
	s21 =	sshll.u32 s9, $0x3;
	s19 =	sshra.s32 s19, $0x2  }
0x48: {  	v5 =	vld [tilespmem:s16+$0xFFFFFFD0];
	[tilespmem:s17+$0x2040 ss:$0x81] =	vst.msk $0xffff, v4;
	p1 =	sgt.s32 s8, $0x18620;
	s22 =	sand.u32 $0xFFFFFC00, s20;
	s21 =	sand.u32 $0xFFFFFC00, s21  }
0x49: {  	v58 =	vld [tilespmem:s16+$0xFFFFFFE0];
	s24 =	sshra.s32 s8, $0x1F;
	s20 =	sand.u32 $0x380, s20;
	[tilespmem:s17+$0x2850 ss:$0x81] =	vst.msk $0xffff, v3;
	s21 =	sadd.s32 s21, s22  }
0x4a: {  	v59 =	vld [tilespmem:s16+$0xFFFFFFF0];
	s26 =	ssub.s32 $0x0, s9;
	s18 =	sadd.s32 s19, s18;
	[tilespmem:s17+$0x3060 ss:$0x81] =	vst.msk $0xffff, v2;
	s23 =	sor.u32 s20, s21  }
0x4b: {  	v60 =	vld [tilespmem:s16+$0x0];
	s28 =	smin.u32 s9, s26;
	s20 =	smov.u32 s8;
	[tilespmem:s17+$0x0 ss:$0x81] =	vst.msk $0xffff, v0;
	s19 =	sshrl.u32 s23, $0x7  }
0x4c: {  	v61 =	vld [tilespmem:s16+$0x10];
	s21 =	sand.u32 s24, s8;
	s20 =	simm.s32 @!p1 $0x18620;
	[tilespmem:s18+$0x3870 ss:$0x81] =	vst.msk $0xffff, v1;
	s25 =	smulhi.u32 $0x14F8B59, s19  }
0x4d: {  	v62 =	vld [tilespmem:s16+$0x20];
	s29 =	sshrl.u32 s9, $0x3;
	p2 =	sgt.s32 s28, $0x7F;
	s20 =	ssub.s32 s20, s21;
	[tilespmem:s18+$0x810 ss:$0x81] =	vst.msk $0xffff, v5  }
0x4e: {  	v63 =	vld [tilespmem:s16+$0xFFFFFFC0];
	[tilespmem:s18+$0x1020 ss:$0x81] =	vst.msk $0xffff, v58;
	s21 =	sadd.s32 $0xFFFE79E0, s20;
	s20 =	ssub.s32 $0x186A0, s20;
	s17 =	sshrl.u32 s25, $0x9  }
0x4f: {  	[tilespmem:s18+$0x1830 ss:$0x81] =	vst.msk $0xffff, v59;
	p1 =	sgt.s32 s21, $0x7F;
	s27 =	smul.u32 $0x186A0, s17;
	s17 =	ssub.s32 $0x80, s28  }
.Ltmp4:
0x50: {  	[tilespmem:s18+$0x2040 ss:$0x81] =	vst.msk $0xffff, v60;
	s20 =	simm.s32 @p1 $0x0;
	s17 =	simm.s32 @p2 $0x0;
	(pc) =	sbr.rel .LBB1_5-.Ltmp4, $4  }
0x51: {  	s30 =	sand.u32 $0xF, s29;
	[tilespmem:s18+$0x2850 ss:$0x81] =	vst.msk $0xffff, v61;
	s16 =	ssub.s32 s19, s27;
	s17 =	smul.u32 s17, s20  }
0x52: {  	[tilespmem:s18+$0x3060 ss:$0x81] =	vst.msk $0xffff, v62;
	s19 =	sadd.s32 s4, s30;
	s16 =	sshll.u32 s16, $0x4  }
0x53: {  	s31 =	sand.u32 $0x7, s9;
	[tilespmem:s18+$0x0 ss:$0x81] =	vst.msk $0xffff, v63;
	s17 =	sand.u32 $0x3FFFFFFF, s17;
	s16 =	sadd.s32 s16, s19  }
0x54: {  	[hbm4b:s16+s31] =	stream.linear.scatter [tilespmem:s15], [sflag:$0x2], s17, $0x20;
	[tilespmem:$0x10100] =	vst v63  }
.LBB1_6:
0x55: {  	_ =	sfence.sel $0x180000  }
0x56: {  	s2 =	simm.s32 $0x1;
	[bflag:$0x0] =	sbarrier.arrive $0xFFFF  }
0x57: {  	s31 =	simm.s32 $0x2;
	[sflag:s2] =	ssyncpa.u1 $0x1  }
0x58: {  	[sflag:s31] =	ssyncpa.u1 $0x1  }
0x59: {  	p0 =	sne.s32 s1, $0x0;
	_ =	strace $0x90000047  }
0x5a: {  	s0 =	sadd.s32 @!p0 $0x100000, s0;
	[bflag:$0x2] =	sbarrier.arrive $0xFFFF  }
0x5b: {  	[sflag:s0] =	ssyncadd.tile.s32 @!p0 $0x1;
	_ =	shalt  }
.Lfunc_end1:
_tile_overlayer_lowered:
.L_overlay_start_2:
0x5c: {  	(tag) =	ssettag $0x2  }
0x5d: {  	s0 =	rddreg [dreg:$0x0];
	s2 =	stileid.u32  }
0x5e: {  	s1 =	rddreg [dreg:$0x1];
	p0 =	sne.s32 s2, $0x0  }
0x5f: {  	s3 =	rddreg [dreg:$0x2];
	[bflag:$0x3] =	sbarrier.arrive $0xFFFF;
	s2 =	simm.s32 @!p0 $0x1C01  }
0x60: {  	[timem:s3], [sflag:s2] =	dma.local @!p0 [hbm:s0], s1  }
0x61: {  	s0 =	simm.s32 @!p0 $0x1  }
0x62: {  	_ =	swait.ge @!p0 [sflag:s0], s1  }
0x63: {  	s1 =	ssub.s32 @!p0 $0x0, s1;
	[sflag:s0] =	ssyncset.done @!p0 $0x0  }
0x64: {  	[sflag:s0] =	ssyncadd.s32 @!p0 s1  }
0x65: {  	[bflag:$0x3] =	sbarrier.arrive $0xFFFF  }
0x66: {  	_ =	shalt  }

</sc_bundles>
